<compile_context>
chip_gen: v7x
topology: tpu7x:2x2x1
jax: 0.10.2.dev20260603
libtpu: 0.0.44.dev20260713+nightly
codegen_flags: <defaults>
</compile_context>

<pallas_src>
import functools

import jax
import jax.numpy as jnp
from jax import lax
from jax.experimental import pallas as pl
from jax.experimental.pallas import tpu as pltpu
from jax.experimental.pallas import tpu_sc as plsc

EPS = 1e-5
KNN = 20
B = 8
N = 1024
P = B * N
NEG = -3.0e38

NW = 32
PPW = P // NW
CP = 4
CH = PPW // CP

NT = 128
NB = N // NT


def _full_spec(shape):
  return pl.BlockSpec(shape, lambda *a: (0,) * len(shape))


def _front_body(feat, idx_ref):
  b = pl.program_id(0)
  F = feat[0]
  xx = jnp.sum(F * F, axis=1)
  G = lax.dot_general(F, F, (((1,), (1,)), ((), ())),
                      preferred_element_type=jnp.float32)
  d = 2.0 * G - xx[:, None] - xx[None, :]
  iota2 = lax.broadcasted_iota(jnp.int32, (N, N), 1)
  cols = []
  for _ in range(KNN):
    rm = jnp.max(d, axis=1, keepdims=True)
    cand = jnp.where(d == rm, iota2, N)
    sel = jnp.min(cand, axis=1, keepdims=True)
    cols.append(sel)
    d = jnp.where(iota2 == sel, NEG, d)
  idx_ref[0] = jnp.concatenate(cols, axis=1) + b * N


def _front(feat, interpret=False):
  C = feat.shape[-1]
  return pl.pallas_call(
      _front_body,
      grid=(B,),
      in_specs=[pl.BlockSpec((1, N, C), lambda b: (b, 0, 0))],
      out_specs=pl.BlockSpec((1, N, KNN), lambda b: (b, 0, 0)),
      out_shape=jax.ShapeDtypeStruct((B, N, KNN), jnp.int32),
      interpret=interpret,
  )(feat)


def _sc_gather(feat_pad, idx_flat, C_pad):
  mesh = plsc.VectorSubcoreMesh(core_axis_name="c", subcore_axis_name="s")

  @functools.partial(
      pl.kernel,
      mesh=mesh,
      out_type=jax.ShapeDtypeStruct((P * KNN, C_pad), jnp.float32),
      scratch_types=[
          pltpu.VMEM((CP * KNN,), jnp.int32),
          pltpu.VMEM((CP * KNN, C_pad), jnp.float32),
          pltpu.SemaphoreType.DMA,
      ],
  )
  def k(feat_hbm, idx_hbm, out_hbm, idx_v, rows_v, sem):
    w = lax.axis_index("s") * 2 + lax.axis_index("c")

    def chunk(c, carry):
      off = w * (PPW * KNN) + c * (CP * KNN)
      pltpu.sync_copy(idx_hbm.at[pl.ds(off, CP * KNN)], idx_v)
      pltpu.async_copy(feat_hbm.at[idx_v], rows_v, sem).wait()
      pltpu.sync_copy(rows_v, out_hbm.at[pl.ds(off, CP * KNN)])
      return carry

    lax.fori_loop(0, CH, chunk, 0, unroll=False)

  return k(feat_pad, idx_flat)


def _conv_body(C, dup, nbr, feat, W, hmax_ref, hmin_ref, part_ref):
  nb = nbr[0][:, :C]
  F = feat[0]
  crep = jnp.broadcast_to(F[:, None, :], (NT, KNN, C)).reshape(NT * KNN, C)
  diff = nb - crep
  if dup:
    fe = jnp.concatenate([diff, diff, crep, crep], axis=1)
  else:
    fe = jnp.concatenate([diff, crep], axis=1)
  h = lax.dot_general(fe, W[...], (((1,), (1,)), ((), ())),
                      preferred_element_type=jnp.float32)
  O = h.shape[1]
  h3 = h.reshape(NT, KNN, O)
  hmax_ref[0] = jnp.max(h3, axis=1)
  hmin_ref[0] = jnp.min(h3, axis=1)
  part_ref[0, 0, 0] = jnp.sum(h, axis=0)
  part_ref[0, 0, 1] = jnp.sum(h * h, axis=0)


def _conv(nbr_g, feat, W, O, C_pad, dup=False, interpret=False):
  C = feat.shape[-1]
  return pl.pallas_call(
      functools.partial(_conv_body, C, dup),
      grid=(B, NB),
      in_specs=[
          pl.BlockSpec((1, NT * KNN, C_pad), lambda b, t: (b, t, 0)),
          pl.BlockSpec((1, NT, C), lambda b, t: (b, t, 0)),
          _full_spec(W.shape),
      ],
      out_specs=[
          pl.BlockSpec((1, NT, O), lambda b, t: (b, t, 0)),
          pl.BlockSpec((1, NT, O), lambda b, t: (b, t, 0)),
          pl.BlockSpec((1, 1, 2, O), lambda b, t: (b, t, 0, 0)),
      ],
      out_shape=[
          jax.ShapeDtypeStruct((B, N, O), jnp.float32),
          jax.ShapeDtypeStruct((B, N, O), jnp.float32),
          jax.ShapeDtypeStruct((B, NB, 2, O), jnp.float32),
      ],
      interpret=interpret,
  )(nbr_g, feat, W)


def _combine_body(hmax, hmin, part, gam, bet, out_ref):
  s = jnp.sum(part[...], axis=(0, 1))
  T = B * N * KNN
  mean = s[0] / T
  var = s[1] / T - mean * mean
  a = gam[...] / jnp.sqrt(var + EPS)
  sel = jnp.where((a >= 0.0)[None, :], hmax[0], hmin[0])
  t = a[None, :] * (sel - mean[None, :]) + bet[...][None, :]
  out_ref[0] = jnp.where(t >= 0.0, t, 0.2 * t)


def _combine(hmax, hmin, part, gam, bet, O, interpret=False):
  return pl.pallas_call(
      _combine_body,
      grid=(B,),
      in_specs=[
          pl.BlockSpec((1, N, O), lambda b: (b, 0, 0)),
          pl.BlockSpec((1, N, O), lambda b: (b, 0, 0)),
          _full_spec((B, NB, 2, O)),
          _full_spec((O,)),
          _full_spec((O,)),
      ],
      out_specs=pl.BlockSpec((1, N, O), lambda b: (b, 0, 0)),
      out_shape=jax.ShapeDtypeStruct((B, N, O), jnp.float32),
      interpret=interpret,
  )(hmax, hmin, part, gam, bet)


def _head_body(u, W, mx_ref, mn_ref, s_ref, s2_ref):
  V = lax.dot_general(u[0], W[...], (((1,), (1,)), ((), ())),
                      preferred_element_type=jnp.float32)
  mx_ref[0, 0] = jnp.max(V, axis=0)
  mn_ref[0, 0] = jnp.min(V, axis=0)
  s_ref[0, 0] = jnp.sum(V, axis=0)
  s2_ref[0, 0] = jnp.sum(V * V, axis=0)


def _head(u, W, interpret=False):
  C = u.shape[-1]
  O = W.shape[0]
  return pl.pallas_call(
      _head_body,
      grid=(B,),
      in_specs=[
          pl.BlockSpec((1, N, C), lambda b: (b, 0, 0)),
          _full_spec(W.shape),
      ],
      out_specs=[pl.BlockSpec((1, 1, O), lambda b: (b, 0, 0))] * 4,
      out_shape=[jax.ShapeDtypeStruct((B, 1, O), jnp.float32)] * 4,
      interpret=interpret,
  )(u, W)


def _lrelu(t):
  return jnp.where(t >= 0.0, t, 0.2 * t)


def _mlp_body(h1m, h1n, h1s, h1s2, h2m, h2n, h2s, h2s2,
              g2m, b2m, g5, b5, L1, g6, b6, L2, bl2, g7, b7, L3, bl3,
              out_ref):
  T = B * N

  def pool(hm, hn, hs, hs2, g, bb):
    mean = jnp.sum(hs[...], axis=0) / T
    var = jnp.sum(hs2[...], axis=0) / T - mean * mean
    a = g[...] / jnp.sqrt(var + EPS)
    sel = jnp.where((a >= 0.0)[None, :], hm[...], hn[...])
    return _lrelu(a[None, :] * (sel - mean[None, :]) + bb[...][None, :])

  q1 = pool(h1m, h1n, h1s, h1s2, g2m, b2m)
  q2 = pool(h2m, h2n, h2s, h2s2, g5, b5)
  zc = jnp.concatenate([q1, q2], axis=1)

  def bn0(t, g, bb):
    m = jnp.mean(t, axis=0, keepdims=True)
    v = jnp.mean(t * t, axis=0, keepdims=True) - m * m
    return (t - m) / jnp.sqrt(v + EPS) * g[...][None, :] + bb[...][None, :]

  t = lax.dot_general(zc, L1[...], (((1,), (1,)), ((), ())),
                      preferred_element_type=jnp.float32)
  t = _lrelu(bn0(t, g6, b6))
  t = lax.dot_general(t, L2[...], (((1,), (1,)), ((), ())),
                      preferred_element_type=jnp.float32) + bl2[...][None, :]
  t = _lrelu(bn0(t, g7, b7))
  out_ref[...] = lax.dot_general(t, L3[...], (((1,), (1,)), ((), ())),
                                 preferred_element_type=jnp.float32) \
      + bl3[...][None, :]


def _mlp(args, interpret=False):
  return pl.pallas_call(
      _mlp_body,
      in_specs=[_full_spec(a.shape) for a in args],
      out_specs=_full_spec((B, 40)),
      out_shape=jax.ShapeDtypeStruct((B, 40), jnp.float32),
      interpret=interpret,
  )(*args)


def _edge_stage(feat, dfeat, W, gam, bet, O, dup=False, interpret=False):
  C = feat.shape[-1]
  C_pad = max(C, 128)
  idx = _front(dfeat, interpret=interpret)
  fp = feat.reshape(P, C)
  if C_pad > C:
    fp = jnp.pad(fp, ((0, 0), (0, C_pad - C)))
  nbr = _sc_gather(fp, idx.reshape(P * KNN), C_pad)
  nbr = nbr.reshape(B, N * KNN, C_pad)
  hmax, hmin, part = _conv(nbr, feat, W, O, C_pad, dup=dup, interpret=interpret)
  return _combine(hmax, hmin, part, gam, bet, O, interpret=interpret)


def kernel(x, W1, g1, b1, W2, g2, b2, W2m, g2m, b2m, W3, g3, b3, W4, g4, b4,
           W5, g5, b5, L1, g6, b6, L2, bl2, g7, b7, L3, bl3):
  xp = jnp.transpose(x, (0, 2, 1))
  x1 = _edge_stage(xp, xp, W1, g1, b1, 64)
  x2 = _edge_stage(x1, x1, W2, g2, b2, 64)
  u = jnp.concatenate([x1, x2], axis=-1)
  ud = jnp.concatenate([u, u], axis=-1)
  x3 = _edge_stage(u, ud, W3, g3, b3, 256, dup=True)
  x4 = _edge_stage(x3, x3, W4, g4, b4, 256)
  xc = jnp.concatenate([x3, x4], axis=-1)
  h1 = [t.reshape(B, -1) for t in _head(u, W2m)]
  h2 = [t.reshape(B, -1) for t in _head(xc, W5)]
  logits = _mlp([h1[0], h1[1], h1[2], h1[3], h2[0], h2[1], h2[2], h2[3],
                 g2m, b2m, g5, b5, L1, g6, b6, L2, bl2, g7, b7, L3, bl3])
  return logits, x, x

# --- scband reference (transcript-rebuilt; emitter-appended) ---
"""Pipeline reference for scband-dgcnn-cls-61950608277552 (READ-ONLY COPY).

The authoritative reference and input builder live on the scoring server;
editing this copy changes nothing except your own understanding.
"""

import jax, jax.numpy as jnp
import numpy as np

EPS = 1e-5
K = 20

def knn(x, k):
    inner = -2.0 * jnp.einsum('bcn,bcm->bnm', x, x)
    xx = jnp.sum(x * x, axis=1)
    pairwise = -xx[:, :, None] - inner - xx[:, None, :]
    return jax.lax.top_k(pairwise, k)[1]

def get_graph_feature(x, k):
    idx = knn(x, k)
    xt = jnp.transpose(x, (0, 2, 1))
    feature = jax.vmap(lambda a, i: a[i])(xt, idx)
    xrep = jnp.broadcast_to(xt[:, :, None, :], feature.shape)
    out = jnp.concatenate([feature - xrep, xrep], axis=-1)
    return jnp.transpose(out, (0, 3, 1, 2))

def bn(x, gamma, beta, axes):
    mean = jnp.mean(x, axis=axes, keepdims=True)
    var = jnp.var(x, axis=axes, keepdims=True)
    xh = (x - mean) / jnp.sqrt(var + EPS)
    shape = [1] * x.ndim
    shape[1] = x.shape[1]
    return xh * gamma.reshape(shape) + beta.reshape(shape)

def lrelu(x):
    return jnp.where(x >= 0, x, 0.2 * x)

def conv2(x, W):
    return jnp.einsum('oc,bcnk->bonk', W, x)

def conv1(x, W):
    return jnp.einsum('oc,bcn->bon', W, x)

def _forward(x, W1, g1, b1, W2, g2, b2, W2m, g2m, b2m, W3, g3, b3, W4, g4, b4, W5, g5, b5, L1, g6, b6, L2, bl2, g7, b7, L3, bl3):
    xyz = x
    f = get_graph_feature(x, K)
    h = lrelu(bn(conv2(f, W1), g1, b1, (0, 2, 3)))
    x1 = jnp.max(h, axis=-1)
    f = get_graph_feature(x1, K)
    h = lrelu(bn(conv2(f, W2), g2, b2, (0, 2, 3)))
    x2 = jnp.max(h, axis=-1)
    x_t1_ = jnp.concatenate([x1, x2], axis=1)
    x_t1 = lrelu(bn(conv1(x_t1_, W2m), g2m, b2m, (0, 2)))
    node_features_1 = jnp.concatenate([x_t1_, x_t1_], axis=1)
    f = get_graph_feature(node_features_1, K)
    h = lrelu(bn(conv2(f, W3), g3, b3, (0, 2, 3)))
    x3 = jnp.max(h, axis=-1)
    f = get_graph_feature(x3, K)
    h = lrelu(bn(conv2(f, W4), g4, b4, (0, 2, 3)))
    x4 = jnp.max(h, axis=-1)
    xc = jnp.concatenate([x3, x4], axis=1)
    x_t2 = lrelu(bn(conv1(xc, W5), g5, b5, (0, 2)))
    p1 = jnp.max(x_t1, axis=-1)
    p2 = jnp.max(x_t2, axis=-1)
    z = jnp.concatenate([p1, p2], axis=1)
    z = lrelu(bn(z @ L1.T, g6, b6, (0,)))
    z = lrelu(bn(z @ L2.T + bl2, g7, b7, (0,)))
    logits = z @ L3.T + bl3
    return logits, xyz, xyz

def setup_inputs(seed: int = 0):
    key = jax.random.key(seed)
    ks = jax.random.split(key, 12)
    B, N, emb = 8, 1024, 1024
    def w(k_, shape, fan_in):
        return (jax.random.normal(k_, shape, dtype=jnp.float32) / np.sqrt(fan_in)).astype(jnp.float32)
    inp = {}
    inp['x'] = jax.random.normal(ks[0], (B, 3, N), dtype=jnp.float32)
    inp['W1'] = w(ks[1], (64, 6), 6)
    inp['g1'] = jnp.ones((64,), jnp.float32); inp['b1'] = jnp.zeros((64,), jnp.float32)
    inp['W2'] = w(ks[2], (64, 128), 128)
    inp['g2'] = jnp.ones((64,), jnp.float32); inp['b2'] = jnp.zeros((64,), jnp.float32)
    inp['W2m'] = w(ks[3], (emb, 128), 128)
    inp['g2m'] = jnp.ones((emb,), jnp.float32); inp['b2m'] = jnp.zeros((emb,), jnp.float32)
    inp['W3'] = w(ks[4], (256, 512), 512)
    inp['g3'] = jnp.ones((256,), jnp.float32); inp['b3'] = jnp.zeros((256,), jnp.float32)
    inp['W4'] = w(ks[5], (256, 512), 512)
    inp['g4'] = jnp.ones((256,), jnp.float32); inp['b4'] = jnp.zeros((256,), jnp.float32)
    inp['W5'] = w(ks[6], (emb, 512), 512)
    inp['g5'] = jnp.ones((emb,), jnp.float32); inp['b5'] = jnp.zeros((emb,), jnp.float32)
    inp['L1'] = w(ks[7], (512, emb * 2), emb * 2)
    inp['g6'] = jnp.ones((512,), jnp.float32); inp['b6'] = jnp.zeros((512,), jnp.float32)
    inp['L2'] = w(ks[8], (256, 512), 512)
    inp['bl2'] = jnp.zeros((256,), jnp.float32)
    inp['g7'] = jnp.ones((256,), jnp.float32); inp['b7'] = jnp.zeros((256,), jnp.float32)
    inp['L3'] = w(ks[9], (40, 256), 256)
    inp['bl3'] = jnp.zeros((40,), jnp.float32)
    return inp

def reference(x, W1, g1, b1, W2, g2, b2, W2m, g2m, b2m, W3, g3, b3, W4, g4, b4, W5, g5, b5, L1, g6, b6, L2, bl2, g7, b7, L3, bl3):
    return _forward(x, W1, g1, b1, W2, g2, b2, W2m, g2m, b2m, W3, g3, b3, W4, g4, b4, W5, g5, b5, L1, g6, b6, L2, bl2, g7, b7, L3, bl3)

if __name__ == "__main__":
    import jax
    _d = setup_inputs()
    print(jax.jit(kernel)(*tuple(_d.values())))

</pallas_src>

<mosaic_0001>
#map = affine_map<(d0, d1) -> (0, 0)>
#map1 = affine_map<(d0, d1) -> (0)>
module attributes {stable_mosaic.version = 14 : i64} {
  func.func @k(%arg0: i32, %arg1: i32, %arg2: memref<8192x256xf32, #tpu.memory_space<hbm>>, %arg3: memref<163840xi32, #tpu.memory_space<hbm>>, %arg4: memref<163840x256xf32, #tpu.memory_space<hbm>>, %arg5: memref<80xi32, #tpu.memory_space<vmem>>, %arg6: memref<80x256xf32, #tpu.memory_space<vmem>>, %arg7: memref<!tpu.dma_semaphore, #tpu.memory_space<semaphore_mem>>) attributes {dimension_semantics = [#tpu.dimension_semantics<core_parallel>, #tpu.dimension_semantics<subcore_parallel>], iteration_bounds = array<i64: 2, 16>, scalar_prefetch = 0 : i64, scratch_operands = 3 : i64, tpu.core_type = #tpu.core_type<sc_vector_subcore>, window_params = [{transform_indices = #map}, {transform_indices = #map1}, {transform_indices = #map}]} {
    %mul3A = arith.constant 2 : i32
    %mul3A_0 = arith.muli %arg1, %mul3A : i32
    %add3A = arith.addi %mul3A_0, %arg0 : i32
    %scan3A = arith.constant 0 : i32
    %scan3A_1 = arith.constant 0 : i32
    %scan3A_2 = arith.constant 64 : i32
    %scan3A_3 = arith.addi %scan3A_1, %scan3A_2 : i32
    %scan3A_4 = arith.constant 1 : i32
    scf.for %scan3A_6 = %scan3A_1 to %scan3A_3 step %scan3A_4  : i32 {
      %mul3A_7 = arith.constant 5120 : i32
      %mul3A_8 = arith.muli %add3A, %mul3A_7 : i32
      %mul3A_9 = arith.constant 80 : i32
      %mul3A_10 = arith.muli %scan3A_6, %mul3A_9 : i32
      %add3A_11 = arith.addi %mul3A_8, %mul3A_10 : i32
      "tpu.region"() ({
        %run_scoped3A = tpu.sem_alloc : memref<!tpu.dma_semaphore, #tpu.memory_space<semaphore_mem>>
        %dma_start3A_16 = tpu.memref_slice %arg3[%add3A_11] : memref<163840xi32, #tpu.memory_space<hbm>> -> memref<80xi32, #tpu.memory_space<hbm>>
        %dma_start3A_17 = tpu.memref_slice %arg3[%add3A_11] : memref<163840xi32, #tpu.memory_space<hbm>> -> memref<80xi32, #tpu.memory_space<hbm>>
        tpu.enqueue_dma source(%dma_start3A_17 : memref<80xi32, #tpu.memory_space<hbm>>) target(%arg5 : memref<80xi32, #tpu.memory_space<vmem>>) target_semaphore(%run_scoped3A : memref<!tpu.dma_semaphore, #tpu.memory_space<semaphore_mem>>)
        %dma_wait3A_18 = tpu.memref_slice %arg3[%add3A_11] : memref<163840xi32, #tpu.memory_space<hbm>> -> memref<80xi32, #tpu.memory_space<hbm>>
        %dma_wait3A_19 = tpu.memref_slice %arg3[%add3A_11] : memref<163840xi32, #tpu.memory_space<hbm>> -> memref<80xi32, #tpu.memory_space<hbm>>
        tpu.wait_dma2 semaphore(%run_scoped3A : memref<!tpu.dma_semaphore, #tpu.memory_space<semaphore_mem>>) src(%dma_wait3A_19 : memref<80xi32, #tpu.memory_space<hbm>>) dst(%arg5 : memref<80xi32, #tpu.memory_space<vmem>>)
        tpu.yield
      }) : () -> ()
      %dma_start3A = arith.constant 0 : i32
      %dma_start3A_12 = arith.constant 0 : i32
      %dma_start3A_13 = tpu.memref_slice %arg2[%dma_start3A, %dma_start3A_12] : memref<8192x256xf32, #tpu.memory_space<hbm>> -> memref<8192x256xf32, #tpu.memory_space<hbm>>
      tpu.enqueue_indirect_dma source(%dma_start3A_13 : memref<8192x256xf32, #tpu.memory_space<hbm>>) target(%arg6 : memref<80x256xf32, #tpu.memory_space<vmem>>) offsets(%arg5 : memref<80xi32, #tpu.memory_space<vmem>>) semaphore(%arg7 : memref<!tpu.dma_semaphore, #tpu.memory_space<semaphore_mem>>)
      %dma_wait3A = arith.constant 0 : i32
      %dma_wait3A_14 = arith.constant 0 : i32
      %dma_wait3A_15 = tpu.memref_slice %arg2[%dma_wait3A, %dma_wait3A_14] : memref<8192x256xf32, #tpu.memory_space<hbm>> -> memref<8192x256xf32, #tpu.memory_space<hbm>>
      tpu.wait_indirect_dma semaphore(%arg7 : memref<!tpu.dma_semaphore, #tpu.memory_space<semaphore_mem>>) src(%dma_wait3A_15 : memref<8192x256xf32, #tpu.memory_space<hbm>>) dst(%arg6 : memref<80x256xf32, #tpu.memory_space<vmem>>)
      "tpu.region"() ({
        %run_scoped3A = tpu.sem_alloc : memref<!tpu.dma_semaphore, #tpu.memory_space<semaphore_mem>>
        %dma_start3A_16 = arith.constant 0 : i32
        %dma_start3A_17 = tpu.memref_slice %arg4[%add3A_11, %dma_start3A_16] : memref<163840x256xf32, #tpu.memory_space<hbm>> -> memref<80x256xf32, #tpu.memory_space<hbm>>
        %dma_start3A_18 = arith.constant 0 : i32
        %dma_start3A_19 = tpu.memref_slice %arg4[%add3A_11, %dma_start3A_18] : memref<163840x256xf32, #tpu.memory_space<hbm>> -> memref<80x256xf32, #tpu.memory_space<hbm>>
        tpu.enqueue_dma source(%arg6 : memref<80x256xf32, #tpu.memory_space<vmem>>) target(%dma_start3A_19 : memref<80x256xf32, #tpu.memory_space<hbm>>) target_semaphore(%run_scoped3A : memref<!tpu.dma_semaphore, #tpu.memory_space<semaphore_mem>>)
        %dma_wait3A_20 = arith.constant 0 : i32
        %dma_wait3A_21 = tpu.memref_slice %arg4[%add3A_11, %dma_wait3A_20] : memref<163840x256xf32, #tpu.memory_space<hbm>> -> memref<80x256xf32, #tpu.memory_space<hbm>>
        %dma_wait3A_22 = arith.constant 0 : i32
        %dma_wait3A_23 = tpu.memref_slice %arg4[%add3A_11, %dma_wait3A_22] : memref<163840x256xf32, #tpu.memory_space<hbm>> -> memref<80x256xf32, #tpu.memory_space<hbm>>
        tpu.wait_dma2 semaphore(%run_scoped3A : memref<!tpu.dma_semaphore, #tpu.memory_space<semaphore_mem>>) src(%arg6 : memref<80x256xf32, #tpu.memory_space<vmem>>) dst(%dma_wait3A_23 : memref<80x256xf32, #tpu.memory_space<hbm>>)
        tpu.yield
      }) : () -> ()
    }
    %scan3A_5 = arith.constant 64 : i32
    return
  }
}

#map = affine_map<(d0, d1) -> (0, 0)>
#map1 = affine_map<(d0, d1) -> (0)>
module attributes {stable_mosaic.version = 14 : i64} {
  func.func @k(%arg0: i32, %arg1: i32, %arg2: memref<8192x128xf32, #tpu.memory_space<hbm>>, %arg3: memref<163840xi32, #tpu.memory_space<hbm>>, %arg4: memref<163840x128xf32, #tpu.memory_space<hbm>>, %arg5: memref<80xi32, #tpu.memory_space<vmem>>, %arg6: memref<80x128xf32, #tpu.memory_space<vmem>>, %arg7: memref<!tpu.dma_semaphore, #tpu.memory_space<semaphore_mem>>) attributes {dimension_semantics = [#tpu.dimension_semantics<core_parallel>, #tpu.dimension_semantics<subcore_parallel>], iteration_bounds = array<i64: 2, 16>, scalar_prefetch = 0 : i64, scratch_operands = 3 : i64, tpu.core_type = #tpu.core_type<sc_vector_subcore>, window_params = [{transform_indices = #map}, {transform_indices = #map1}, {transform_indices = #map}]} {
    %mul3A = arith.constant 2 : i32
    %mul3A_0 = arith.muli %arg1, %mul3A : i32
    %add3A = arith.addi %mul3A_0, %arg0 : i32
    %scan3A = arith.constant 0 : i32
    %scan3A_1 = arith.constant 0 : i32
    %scan3A_2 = arith.constant 64 : i32
    %scan3A_3 = arith.addi %scan3A_1, %scan3A_2 : i32
    %scan3A_4 = arith.constant 1 : i32
    scf.for %scan3A_6 = %scan3A_1 to %scan3A_3 step %scan3A_4  : i32 {
      %mul3A_7 = arith.constant 5120 : i32
      %mul3A_8 = arith.muli %add3A, %mul3A_7 : i32
      %mul3A_9 = arith.constant 80 : i32
      %mul3A_10 = arith.muli %scan3A_6, %mul3A_9 : i32
      %add3A_11 = arith.addi %mul3A_8, %mul3A_10 : i32
      "tpu.region"() ({
        %run_scoped3A = tpu.sem_alloc : memref<!tpu.dma_semaphore, #tpu.memory_space<semaphore_mem>>
        %dma_start3A_16 = tpu.memref_slice %arg3[%add3A_11] : memref<163840xi32, #tpu.memory_space<hbm>> -> memref<80xi32, #tpu.memory_space<hbm>>
        %dma_start3A_17 = tpu.memref_slice %arg3[%add3A_11] : memref<163840xi32, #tpu.memory_space<hbm>> -> memref<80xi32, #tpu.memory_space<hbm>>
        tpu.enqueue_dma source(%dma_start3A_17 : memref<80xi32, #tpu.memory_space<hbm>>) target(%arg5 : memref<80xi32, #tpu.memory_space<vmem>>) target_semaphore(%run_scoped3A : memref<!tpu.dma_semaphore, #tpu.memory_space<semaphore_mem>>)
        %dma_wait3A_18 = tpu.memref_slice %arg3[%add3A_11] : memref<163840xi32, #tpu.memory_space<hbm>> -> memref<80xi32, #tpu.memory_space<hbm>>
        %dma_wait3A_19 = tpu.memref_slice %arg3[%add3A_11] : memref<163840xi32, #tpu.memory_space<hbm>> -> memref<80xi32, #tpu.memory_space<hbm>>
        tpu.wait_dma2 semaphore(%run_scoped3A : memref<!tpu.dma_semaphore, #tpu.memory_space<semaphore_mem>>) src(%dma_wait3A_19 : memref<80xi32, #tpu.memory_space<hbm>>) dst(%arg5 : memref<80xi32, #tpu.memory_space<vmem>>)
        tpu.yield
      }) : () -> ()
      %dma_start3A = arith.constant 0 : i32
      %dma_start3A_12 = arith.constant 0 : i32
      %dma_start3A_13 = tpu.memref_slice %arg2[%dma_start3A, %dma_start3A_12] : memref<8192x128xf32, #tpu.memory_space<hbm>> -> memref<8192x128xf32, #tpu.memory_space<hbm>>
      tpu.enqueue_indirect_dma source(%dma_start3A_13 : memref<8192x128xf32, #tpu.memory_space<hbm>>) target(%arg6 : memref<80x128xf32, #tpu.memory_space<vmem>>) offsets(%arg5 : memref<80xi32, #tpu.memory_space<vmem>>) semaphore(%arg7 : memref<!tpu.dma_semaphore, #tpu.memory_space<semaphore_mem>>)
      %dma_wait3A = arith.constant 0 : i32
      %dma_wait3A_14 = arith.constant 0 : i32
      %dma_wait3A_15 = tpu.memref_slice %arg2[%dma_wait3A, %dma_wait3A_14] : memref<8192x128xf32, #tpu.memory_space<hbm>> -> memref<8192x128xf32, #tpu.memory_space<hbm>>
      tpu.wait_indirect_dma semaphore(%arg7 : memref<!tpu.dma_semaphore, #tpu.memory_space<semaphore_mem>>) src(%dma_wait3A_15 : memref<8192x128xf32, #tpu.memory_space<hbm>>) dst(%arg6 : memref<80x128xf32, #tpu.memory_space<vmem>>)
      "tpu.region"() ({
        %run_scoped3A = tpu.sem_alloc : memref<!tpu.dma_semaphore, #tpu.memory_space<semaphore_mem>>
        %dma_start3A_16 = arith.constant 0 : i32
        %dma_start3A_17 = tpu.memref_slice %arg4[%add3A_11, %dma_start3A_16] : memref<163840x128xf32, #tpu.memory_space<hbm>> -> memref<80x128xf32, #tpu.memory_space<hbm>>
        %dma_start3A_18 = arith.constant 0 : i32
        %dma_start3A_19 = tpu.memref_slice %arg4[%add3A_11, %dma_start3A_18] : memref<163840x128xf32, #tpu.memory_space<hbm>> -> memref<80x128xf32, #tpu.memory_space<hbm>>
        tpu.enqueue_dma source(%arg6 : memref<80x128xf32, #tpu.memory_space<vmem>>) target(%dma_start3A_19 : memref<80x128xf32, #tpu.memory_space<hbm>>) target_semaphore(%run_scoped3A : memref<!tpu.dma_semaphore, #tpu.memory_space<semaphore_mem>>)
        %dma_wait3A_20 = arith.constant 0 : i32
        %dma_wait3A_21 = tpu.memref_slice %arg4[%add3A_11, %dma_wait3A_20] : memref<163840x128xf32, #tpu.memory_space<hbm>> -> memref<80x128xf32, #tpu.memory_space<hbm>>
        %dma_wait3A_22 = arith.constant 0 : i32
        %dma_wait3A_23 = tpu.memref_slice %arg4[%add3A_11, %dma_wait3A_22] : memref<163840x128xf32, #tpu.memory_space<hbm>> -> memref<80x128xf32, #tpu.memory_space<hbm>>
        tpu.wait_dma2 semaphore(%run_scoped3A : memref<!tpu.dma_semaphore, #tpu.memory_space<semaphore_mem>>) src(%arg6 : memref<80x128xf32, #tpu.memory_space<vmem>>) dst(%dma_wait3A_23 : memref<80x128xf32, #tpu.memory_space<hbm>>)
        tpu.yield
      }) : () -> ()
    }
    %scan3A_5 = arith.constant 64 : i32
    return
  }
}

#map = affine_map<(d0, d1) -> (0, 0)>
#map1 = affine_map<(d0, d1) -> (0)>
module attributes {stable_mosaic.version = 14 : i64} {
  func.func @k(%arg0: i32, %arg1: i32, %arg2: memref<8192x128xf32, #tpu.memory_space<hbm>>, %arg3: memref<163840xi32, #tpu.memory_space<hbm>>, %arg4: memref<163840x128xf32, #tpu.memory_space<hbm>>, %arg5: memref<80xi32, #tpu.memory_space<vmem>>, %arg6: memref<80x128xf32, #tpu.memory_space<vmem>>, %arg7: memref<!tpu.dma_semaphore, #tpu.memory_space<semaphore_mem>>) attributes {dimension_semantics = [#tpu.dimension_semantics<core_parallel>, #tpu.dimension_semantics<subcore_parallel>], iteration_bounds = array<i64: 2, 16>, scalar_prefetch = 0 : i64, scratch_operands = 3 : i64, tpu.core_type = #tpu.core_type<sc_vector_subcore>, window_params = [{transform_indices = #map}, {transform_indices = #map1}, {transform_indices = #map}]} {
    %mul3A = arith.constant 2 : i32
    %mul3A_0 = arith.muli %arg1, %mul3A : i32
    %add3A = arith.addi %mul3A_0, %arg0 : i32
    %scan3A = arith.constant 0 : i32
    %scan3A_1 = arith.constant 0 : i32
    %scan3A_2 = arith.constant 64 : i32
    %scan3A_3 = arith.addi %scan3A_1, %scan3A_2 : i32
    %scan3A_4 = arith.constant 1 : i32
    scf.for %scan3A_6 = %scan3A_1 to %scan3A_3 step %scan3A_4  : i32 {
      %mul3A_7 = arith.constant 5120 : i32
      %mul3A_8 = arith.muli %add3A, %mul3A_7 : i32
      %mul3A_9 = arith.constant 80 : i32
      %mul3A_10 = arith.muli %scan3A_6, %mul3A_9 : i32
      %add3A_11 = arith.addi %mul3A_8, %mul3A_10 : i32
      "tpu.region"() ({
        %run_scoped3A = tpu.sem_alloc : memref<!tpu.dma_semaphore, #tpu.memory_space<semaphore_mem>>
        %dma_start3A_16 = tpu.memref_slice %arg3[%add3A_11] : memref<163840xi32, #tpu.memory_space<hbm>> -> memref<80xi32, #tpu.memory_space<hbm>>
        %dma_start3A_17 = tpu.memref_slice %arg3[%add3A_11] : memref<163840xi32, #tpu.memory_space<hbm>> -> memref<80xi32, #tpu.memory_space<hbm>>
        tpu.enqueue_dma source(%dma_start3A_17 : memref<80xi32, #tpu.memory_space<hbm>>) target(%arg5 : memref<80xi32, #tpu.memory_space<vmem>>) target_semaphore(%run_scoped3A : memref<!tpu.dma_semaphore, #tpu.memory_space<semaphore_mem>>)
        %dma_wait3A_18 = tpu.memref_slice %arg3[%add3A_11] : memref<163840xi32, #tpu.memory_space<hbm>> -> memref<80xi32, #tpu.memory_space<hbm>>
        %dma_wait3A_19 = tpu.memref_slice %arg3[%add3A_11] : memref<163840xi32, #tpu.memory_space<hbm>> -> memref<80xi32, #tpu.memory_space<hbm>>
        tpu.wait_dma2 semaphore(%run_scoped3A : memref<!tpu.dma_semaphore, #tpu.memory_space<semaphore_mem>>) src(%dma_wait3A_19 : memref<80xi32, #tpu.memory_space<hbm>>) dst(%arg5 : memref<80xi32, #tpu.memory_space<vmem>>)
        tpu.yield
      }) : () -> ()
      %dma_start3A = arith.constant 0 : i32
      %dma_start3A_12 = arith.constant 0 : i32
      %dma_start3A_13 = tpu.memref_slice %arg2[%dma_start3A, %dma_start3A_12] : memref<8192x128xf32, #tpu.memory_space<hbm>> -> memref<8192x128xf32, #tpu.memory_space<hbm>>
      tpu.enqueue_indirect_dma source(%dma_start3A_13 : memref<8192x128xf32, #tpu.memory_space<hbm>>) target(%arg6 : memref<80x128xf32, #tpu.memory_space<vmem>>) offsets(%arg5 : memref<80xi32, #tpu.memory_space<vmem>>) semaphore(%arg7 : memref<!tpu.dma_semaphore, #tpu.memory_space<semaphore_mem>>)
      %dma_wait3A = arith.constant 0 : i32
      %dma_wait3A_14 = arith.constant 0 : i32
      %dma_wait3A_15 = tpu.memref_slice %arg2[%dma_wait3A, %dma_wait3A_14] : memref<8192x128xf32, #tpu.memory_space<hbm>> -> memref<8192x128xf32, #tpu.memory_space<hbm>>
      tpu.wait_indirect_dma semaphore(%arg7 : memref<!tpu.dma_semaphore, #tpu.memory_space<semaphore_mem>>) src(%dma_wait3A_15 : memref<8192x128xf32, #tpu.memory_space<hbm>>) dst(%arg6 : memref<80x128xf32, #tpu.memory_space<vmem>>)
      "tpu.region"() ({
        %run_scoped3A = tpu.sem_alloc : memref<!tpu.dma_semaphore, #tpu.memory_space<semaphore_mem>>
        %dma_start3A_16 = arith.constant 0 : i32
        %dma_start3A_17 = tpu.memref_slice %arg4[%add3A_11, %dma_start3A_16] : memref<163840x128xf32, #tpu.memory_space<hbm>> -> memref<80x128xf32, #tpu.memory_space<hbm>>
        %dma_start3A_18 = arith.constant 0 : i32
        %dma_start3A_19 = tpu.memref_slice %arg4[%add3A_11, %dma_start3A_18] : memref<163840x128xf32, #tpu.memory_space<hbm>> -> memref<80x128xf32, #tpu.memory_space<hbm>>
        tpu.enqueue_dma source(%arg6 : memref<80x128xf32, #tpu.memory_space<vmem>>) target(%dma_start3A_19 : memref<80x128xf32, #tpu.memory_space<hbm>>) target_semaphore(%run_scoped3A : memref<!tpu.dma_semaphore, #tpu.memory_space<semaphore_mem>>)
        %dma_wait3A_20 = arith.constant 0 : i32
        %dma_wait3A_21 = tpu.memref_slice %arg4[%add3A_11, %dma_wait3A_20] : memref<163840x128xf32, #tpu.memory_space<hbm>> -> memref<80x128xf32, #tpu.memory_space<hbm>>
        %dma_wait3A_22 = arith.constant 0 : i32
        %dma_wait3A_23 = tpu.memref_slice %arg4[%add3A_11, %dma_wait3A_22] : memref<163840x128xf32, #tpu.memory_space<hbm>> -> memref<80x128xf32, #tpu.memory_space<hbm>>
        tpu.wait_dma2 semaphore(%run_scoped3A : memref<!tpu.dma_semaphore, #tpu.memory_space<semaphore_mem>>) src(%arg6 : memref<80x128xf32, #tpu.memory_space<vmem>>) dst(%dma_wait3A_23 : memref<80x128xf32, #tpu.memory_space<hbm>>)
        tpu.yield
      }) : () -> ()
    }
    %scan3A_5 = arith.constant 64 : i32
    return
  }
}

#map = affine_map<(d0, d1) -> (0, 0)>
#map1 = affine_map<(d0, d1) -> (0)>
module attributes {stable_mosaic.version = 14 : i64} {
  func.func @k(%arg0: i32, %arg1: i32, %arg2: memref<8192x128xf32, #tpu.memory_space<hbm>>, %arg3: memref<163840xi32, #tpu.memory_space<hbm>>, %arg4: memref<163840x128xf32, #tpu.memory_space<hbm>>, %arg5: memref<80xi32, #tpu.memory_space<vmem>>, %arg6: memref<80x128xf32, #tpu.memory_space<vmem>>, %arg7: memref<!tpu.dma_semaphore, #tpu.memory_space<semaphore_mem>>) attributes {dimension_semantics = [#tpu.dimension_semantics<core_parallel>, #tpu.dimension_semantics<subcore_parallel>], iteration_bounds = array<i64: 2, 16>, scalar_prefetch = 0 : i64, scratch_operands = 3 : i64, tpu.core_type = #tpu.core_type<sc_vector_subcore>, window_params = [{transform_indices = #map}, {transform_indices = #map1}, {transform_indices = #map}]} {
    %mul3A = arith.constant 2 : i32
    %mul3A_0 = arith.muli %arg1, %mul3A : i32
    %add3A = arith.addi %mul3A_0, %arg0 : i32
    %scan3A = arith.constant 0 : i32
    %scan3A_1 = arith.constant 0 : i32
    %scan3A_2 = arith.constant 64 : i32
    %scan3A_3 = arith.addi %scan3A_1, %scan3A_2 : i32
    %scan3A_4 = arith.constant 1 : i32
    scf.for %scan3A_6 = %scan3A_1 to %scan3A_3 step %scan3A_4  : i32 {
      %mul3A_7 = arith.constant 5120 : i32
      %mul3A_8 = arith.muli %add3A, %mul3A_7 : i32
      %mul3A_9 = arith.constant 80 : i32
      %mul3A_10 = arith.muli %scan3A_6, %mul3A_9 : i32
      %add3A_11 = arith.addi %mul3A_8, %mul3A_10 : i32
      "tpu.region"() ({
        %run_scoped3A = tpu.sem_alloc : memref<!tpu.dma_semaphore, #tpu.memory_space<semaphore_mem>>
        %dma_start3A_16 = tpu.memref_slice %arg3[%add3A_11] : memref<163840xi32, #tpu.memory_space<hbm>> -> memref<80xi32, #tpu.memory_space<hbm>>
        %dma_start3A_17 = tpu.memref_slice %arg3[%add3A_11] : memref<163840xi32, #tpu.memory_space<hbm>> -> memref<80xi32, #tpu.memory_space<hbm>>
        tpu.enqueue_dma source(%dma_start3A_17 : memref<80xi32, #tpu.memory_space<hbm>>) target(%arg5 : memref<80xi32, #tpu.memory_space<vmem>>) target_semaphore(%run_scoped3A : memref<!tpu.dma_semaphore, #tpu.memory_space<semaphore_mem>>)
        %dma_wait3A_18 = tpu.memref_slice %arg3[%add3A_11] : memref<163840xi32, #tpu.memory_space<hbm>> -> memref<80xi32, #tpu.memory_space<hbm>>
        %dma_wait3A_19 = tpu.memref_slice %arg3[%add3A_11] : memref<163840xi32, #tpu.memory_space<hbm>> -> memref<80xi32, #tpu.memory_space<hbm>>
        tpu.wait_dma2 semaphore(%run_scoped3A : memref<!tpu.dma_semaphore, #tpu.memory_space<semaphore_mem>>) src(%dma_wait3A_19 : memref<80xi32, #tpu.memory_space<hbm>>) dst(%arg5 : memref<80xi32, #tpu.memory_space<vmem>>)
        tpu.yield
      }) : () -> ()
      %dma_start3A = arith.constant 0 : i32
      %dma_start3A_12 = arith.constant 0 : i32
      %dma_start3A_13 = tpu.memref_slice %arg2[%dma_start3A, %dma_start3A_12] : memref<8192x128xf32, #tpu.memory_space<hbm>> -> memref<8192x128xf32, #tpu.memory_space<hbm>>
      tpu.enqueue_indirect_dma source(%dma_start3A_13 : memref<8192x128xf32, #tpu.memory_space<hbm>>) target(%arg6 : memref<80x128xf32, #tpu.memory_space<vmem>>) offsets(%arg5 : memref<80xi32, #tpu.memory_space<vmem>>) semaphore(%arg7 : memref<!tpu.dma_semaphore, #tpu.memory_space<semaphore_mem>>)
      %dma_wait3A = arith.constant 0 : i32
      %dma_wait3A_14 = arith.constant 0 : i32
      %dma_wait3A_15 = tpu.memref_slice %arg2[%dma_wait3A, %dma_wait3A_14] : memref<8192x128xf32, #tpu.memory_space<hbm>> -> memref<8192x128xf32, #tpu.memory_space<hbm>>
      tpu.wait_indirect_dma semaphore(%arg7 : memref<!tpu.dma_semaphore, #tpu.memory_space<semaphore_mem>>) src(%dma_wait3A_15 : memref<8192x128xf32, #tpu.memory_space<hbm>>) dst(%arg6 : memref<80x128xf32, #tpu.memory_space<vmem>>)
      "tpu.region"() ({
        %run_scoped3A = tpu.sem_alloc : memref<!tpu.dma_semaphore, #tpu.memory_space<semaphore_mem>>
        %dma_start3A_16 = arith.constant 0 : i32
        %dma_start3A_17 = tpu.memref_slice %arg4[%add3A_11, %dma_start3A_16] : memref<163840x128xf32, #tpu.memory_space<hbm>> -> memref<80x128xf32, #tpu.memory_space<hbm>>
        %dma_start3A_18 = arith.constant 0 : i32
        %dma_start3A_19 = tpu.memref_slice %arg4[%add3A_11, %dma_start3A_18] : memref<163840x128xf32, #tpu.memory_space<hbm>> -> memref<80x128xf32, #tpu.memory_space<hbm>>
        tpu.enqueue_dma source(%arg6 : memref<80x128xf32, #tpu.memory_space<vmem>>) target(%dma_start3A_19 : memref<80x128xf32, #tpu.memory_space<hbm>>) target_semaphore(%run_scoped3A : memref<!tpu.dma_semaphore, #tpu.memory_space<semaphore_mem>>)
        %dma_wait3A_20 = arith.constant 0 : i32
        %dma_wait3A_21 = tpu.memref_slice %arg4[%add3A_11, %dma_wait3A_20] : memref<163840x128xf32, #tpu.memory_space<hbm>> -> memref<80x128xf32, #tpu.memory_space<hbm>>
        %dma_wait3A_22 = arith.constant 0 : i32
        %dma_wait3A_23 = tpu.memref_slice %arg4[%add3A_11, %dma_wait3A_22] : memref<163840x128xf32, #tpu.memory_space<hbm>> -> memref<80x128xf32, #tpu.memory_space<hbm>>
        tpu.wait_dma2 semaphore(%run_scoped3A : memref<!tpu.dma_semaphore, #tpu.memory_space<semaphore_mem>>) src(%arg6 : memref<80x128xf32, #tpu.memory_space<vmem>>) dst(%dma_wait3A_23 : memref<80x128xf32, #tpu.memory_space<hbm>>)
        tpu.yield
      }) : () -> ()
    }
    %scan3A_5 = arith.constant 64 : i32
    return
  }
}

module attributes {stable_mosaic.version = 14 : i64} {
  func.func @_front_body(%arg0: i32, %arg1: memref<1x1024x3xf32, #tpu.memory_space<vmem>>, %arg2: memref<1x1024x20xi32, #tpu.memory_space<vmem>>) attributes {dimension_semantics = [#tpu.dimension_semantics<arbitrary>], iteration_bounds = array<i64: 8>, scalar_prefetch = 0 : i64, scratch_operands = 0 : i64, tpu.core_type = #tpu.core_type<tc>, window_params = [{transform_indices = @transform_0, window_bounds = array<i64: 1, 1024, 3>}, {transform_indices = @transform_1, window_bounds = array<i64: 1, 1024, 20>}]} {
    %get3A = arith.constant 0 : index
    %get3A_0 = arith.constant 0 : index
    %get3A_1 = arith.constant 0 : index
    %get3A_2 = vector.load %arg1[%get3A, %get3A_0, %get3A_1] : memref<1x1024x3xf32, #tpu.memory_space<vmem>>, vector<1x1024x3xf32>
    %get3A_3 = vector.shape_cast %get3A_2 : vector<1x1024x3xf32> to vector<1024x3xf32>
    %mul3A = arith.mulf %get3A_3, %get3A_3 : vector<1024x3xf32>
    %reduce_sum3A = arith.constant dense<0.000000e+00> : vector<1024xf32>
    %reduce_sum3A_4 = vector.multi_reduction <add>, %mul3A, %reduce_sum3A [1] : vector<1024x3xf32> to vector<1024xf32>
    %dot_general3A = arith.constant dense<0.000000e+00> : vector<1024x1024xf32>
    %dot_general3A_5 = tpu.matmul %get3A_3, %get3A_3, %dot_general3A {dimension_numbers = #tpu.dot_dimension_numbers<[1], [1], [0], [0], [0, 0, 1, 0], [], []>, transpose_lhs_hint = false} : vector<1024x3xf32>, vector<1024x3xf32>, vector<1024x1024xf32> -> vector<1024x1024xf32>
    %mul3A_6 = arith.constant 2.000000e+00 : f32
    %mul3A_7 = vector.broadcast %mul3A_6 : f32 to vector<1024x1024xf32>
    %mul3A_8 = arith.mulf %mul3A_7, %dot_general3A_5 : vector<1024x1024xf32>
    %broadcast_in_dim3A = vector.shape_cast %reduce_sum3A_4 : vector<1024xf32> to vector<1024x1xf32>
    %sub3A = vector.broadcast %broadcast_in_dim3A : vector<1024x1xf32> to vector<1024x1024xf32>
    %sub3A_9 = arith.subf %mul3A_8, %sub3A : vector<1024x1024xf32>
    %broadcast_in_dim3A_10 = vector.shape_cast %reduce_sum3A_4 : vector<1024xf32> to vector<1x1024xf32>
    %sub3A_11 = vector.broadcast %broadcast_in_dim3A_10 : vector<1x1024xf32> to vector<1024x1024xf32>
    %sub3A_12 = arith.subf %sub3A_9, %sub3A_11 : vector<1024x1024xf32>
    %iota3A = tpu.iota {dimensions = array<i32: 1>} : vector<1024x1024xi32>
    %reduce_max3A = arith.constant dense<0xFF800000> : vector<1024xf32>
    %reduce_max3A_13 = vector.multi_reduction <maximumf>, %sub3A_12, %reduce_max3A [1] : vector<1024x1024xf32> to vector<1024xf32>
    %broadcast_in_dim3A_14 = vector.shape_cast %reduce_max3A_13 : vector<1024xf32> to vector<1024x1xf32>
    %eq3A = vector.broadcast %broadcast_in_dim3A_14 : vector<1024x1xf32> to vector<1024x1024xf32>
    %eq3A_15 = arith.cmpf oeq, %sub3A_12, %eq3A : vector<1024x1024xf32>
    %jit3A = arith.constant 1024 : i32
    %broadcast_in_dim3A_16 = vector.broadcast %jit3A : i32 to vector<1024x1024xi32>
    %select_n3A = arith.select %eq3A_15, %iota3A, %broadcast_in_dim3A_16 : vector<1024x1024xi1>, vector<1024x1024xi32>
    %reduce_min3A = arith.constant dense<2147483647> : vector<1024xi32>
    %reduce_min3A_17 = vector.multi_reduction <minsi>, %select_n3A, %reduce_min3A [1] : vector<1024x1024xi32> to vector<1024xi32>
    %broadcast_in_dim3A_18 = vector.shape_cast %reduce_min3A_17 : vector<1024xi32> to vector<1024x1xi32>
    %eq3A_19 = vector.broadcast %broadcast_in_dim3A_18 : vector<1024x1xi32> to vector<1024x1024xi32>
    %eq3A_20 = arith.cmpi eq, %iota3A, %eq3A_19 : vector<1024x1024xi32>
    %jit3A_21 = arith.constant -3.000000e+38 : f32
    %broadcast_in_dim3A_22 = vector.broadcast %jit3A_21 : f32 to vector<1024x1024xf32>
    %select_n3A_23 = arith.select %eq3A_20, %broadcast_in_dim3A_22, %sub3A_12 : vector<1024x1024xi1>, vector<1024x1024xf32>
    %reduce_max3A_24 = arith.constant dense<0xFF800000> : vector<1024xf32>
    %reduce_max3A_25 = vector.multi_reduction <maximumf>, %select_n3A_23, %reduce_max3A_24 [1] : vector<1024x1024xf32> to vector<1024xf32>
    %broadcast_in_dim3A_26 = vector.shape_cast %reduce_max3A_25 : vector<1024xf32> to vector<1024x1xf32>
    %eq3A_27 = vector.broadcast %broadcast_in_dim3A_26 : vector<1024x1xf32> to vector<1024x1024xf32>
    %eq3A_28 = arith.cmpf oeq, %select_n3A_23, %eq3A_27 : vector<1024x1024xf32>
    %jit3A_29 = arith.constant 1024 : i32
    %broadcast_in_dim3A_30 = vector.broadcast %jit3A_29 : i32 to vector<1024x1024xi32>
    %select_n3A_31 = arith.select %eq3A_28, %iota3A, %broadcast_in_dim3A_30 : vector<1024x1024xi1>, vector<1024x1024xi32>
    %reduce_min3A_32 = arith.constant dense<2147483647> : vector<1024xi32>
    %reduce_min3A_33 = vector.multi_reduction <minsi>, %select_n3A_31, %reduce_min3A_32 [1] : vector<1024x1024xi32> to vector<1024xi32>
    %broadcast_in_dim3A_34 = vector.shape_cast %reduce_min3A_33 : vector<1024xi32> to vector<1024x1xi32>
    %eq3A_35 = vector.broadcast %broadcast_in_dim3A_34 : vector<1024x1xi32> to vector<1024x1024xi32>
    %eq3A_36 = arith.cmpi eq, %iota3A, %eq3A_35 : vector<1024x1024xi32>
    %jit3A_37 = arith.constant -3.000000e+38 : f32
    %broadcast_in_dim3A_38 = vector.broadcast %jit3A_37 : f32 to vector<1024x1024xf32>
    %select_n3A_39 = arith.select %eq3A_36, %broadcast_in_dim3A_38, %select_n3A_23 : vector<1024x1024xi1>, vector<1024x1024xf32>
    %reduce_max3A_40 = arith.constant dense<0xFF800000> : vector<1024xf32>
    %reduce_max3A_41 = vector.multi_reduction <maximumf>, %select_n3A_39, %reduce_max3A_40 [1] : vector<1024x1024xf32> to vector<1024xf32>
    %broadcast_in_dim3A_42 = vector.shape_cast %reduce_max3A_41 : vector<1024xf32> to vector<1024x1xf32>
    %eq3A_43 = vector.broadcast %broadcast_in_dim3A_42 : vector<1024x1xf32> to vector<1024x1024xf32>
    %eq3A_44 = arith.cmpf oeq, %select_n3A_39, %eq3A_43 : vector<1024x1024xf32>
    %jit3A_45 = arith.constant 1024 : i32
    %broadcast_in_dim3A_46 = vector.broadcast %jit3A_45 : i32 to vector<1024x1024xi32>
    %select_n3A_47 = arith.select %eq3A_44, %iota3A, %broadcast_in_dim3A_46 : vector<1024x1024xi1>, vector<1024x1024xi32>
    %reduce_min3A_48 = arith.constant dense<2147483647> : vector<1024xi32>
    %reduce_min3A_49 = vector.multi_reduction <minsi>, %select_n3A_47, %reduce_min3A_48 [1] : vector<1024x1024xi32> to vector<1024xi32>
    %broadcast_in_dim3A_50 = vector.shape_cast %reduce_min3A_49 : vector<1024xi32> to vector<1024x1xi32>
    %eq3A_51 = vector.broadcast %broadcast_in_dim3A_50 : vector<1024x1xi32> to vector<1024x1024xi32>
    %eq3A_52 = arith.cmpi eq, %iota3A, %eq3A_51 : vector<1024x1024xi32>
    %jit3A_53 = arith.constant -3.000000e+38 : f32
    %broadcast_in_dim3A_54 = vector.broadcast %jit3A_53 : f32 to vector<1024x1024xf32>
    %select_n3A_55 = arith.select %eq3A_52, %broadcast_in_dim3A_54, %select_n3A_39 : vector<1024x1024xi1>, vector<1024x1024xf32>
    %reduce_max3A_56 = arith.constant dense<0xFF800000> : vector<1024xf32>
    %reduce_max3A_57 = vector.multi_reduction <maximumf>, %select_n3A_55, %reduce_max3A_56 [1] : vector<1024x1024xf32> to vector<1024xf32>
    %broadcast_in_dim3A_58 = vector.shape_cast %reduce_max3A_57 : vector<1024xf32> to vector<1024x1xf32>
    %eq3A_59 = vector.broadcast %broadcast_in_dim3A_58 : vector<1024x1xf32> to vector<1024x1024xf32>
    %eq3A_60 = arith.cmpf oeq, %select_n3A_55, %eq3A_59 : vector<1024x1024xf32>
    %jit3A_61 = arith.constant 1024 : i32
    %broadcast_in_dim3A_62 = vector.broadcast %jit3A_61 : i32 to vector<1024x1024xi32>
    %select_n3A_63 = arith.select %eq3A_60, %iota3A, %broadcast_in_dim3A_62 : vector<1024x1024xi1>, vector<1024x1024xi32>
    %reduce_min3A_64 = arith.constant dense<2147483647> : vector<1024xi32>
    %reduce_min3A_65 = vector.multi_reduction <minsi>, %select_n3A_63, %reduce_min3A_64 [1] : vector<1024x1024xi32> to vector<1024xi32>
    %broadcast_in_dim3A_66 = vector.shape_cast %reduce_min3A_65 : vector<1024xi32> to vector<1024x1xi32>
    %eq3A_67 = vector.broadcast %broadcast_in_dim3A_66 : vector<1024x1xi32> to vector<1024x1024xi32>
    %eq3A_68 = arith.cmpi eq, %iota3A, %eq3A_67 : vector<1024x1024xi32>
    %jit3A_69 = arith.constant -3.000000e+38 : f32
    %broadcast_in_dim3A_70 = vector.broadcast %jit3A_69 : f32 to vector<1024x1024xf32>
    %select_n3A_71 = arith.select %eq3A_68, %broadcast_in_dim3A_70, %select_n3A_55 : vector<1024x1024xi1>, vector<1024x1024xf32>
    %reduce_max3A_72 = arith.constant dense<0xFF800000> : vector<1024xf32>
    %reduce_max3A_73 = vector.multi_reduction <maximumf>, %select_n3A_71, %reduce_max3A_72 [1] : vector<1024x1024xf32> to vector<1024xf32>
    %broadcast_in_dim3A_74 = vector.shape_cast %reduce_max3A_73 : vector<1024xf32> to vector<1024x1xf32>
    %eq3A_75 = vector.broadcast %broadcast_in_dim3A_74 : vector<1024x1xf32> to vector<1024x1024xf32>
    %eq3A_76 = arith.cmpf oeq, %select_n3A_71, %eq3A_75 : vector<1024x1024xf32>
    %jit3A_77 = arith.constant 1024 : i32
    %broadcast_in_dim3A_78 = vector.broadcast %jit3A_77 : i32 to vector<1024x1024xi32>
    %select_n3A_79 = arith.select %eq3A_76, %iota3A, %broadcast_in_dim3A_78 : vector<1024x1024xi1>, vector<1024x1024xi32>
    %reduce_min3A_80 = arith.constant dense<2147483647> : vector<1024xi32>
    %reduce_min3A_81 = vector.multi_reduction <minsi>, %select_n3A_79, %reduce_min3A_80 [1] : vector<1024x1024xi32> to vector<1024xi32>
    %broadcast_in_dim3A_82 = vector.shape_cast %reduce_min3A_81 : vector<1024xi32> to vector<1024x1xi32>
    %eq3A_83 = vector.broadcast %broadcast_in_dim3A_82 : vector<1024x1xi32> to vector<1024x1024xi32>
    %eq3A_84 = arith.cmpi eq, %iota3A, %eq3A_83 : vector<1024x1024xi32>
    %jit3A_85 = arith.constant -3.000000e+38 : f32
    %broadcast_in_dim3A_86 = vector.broadcast %jit3A_85 : f32 to vector<1024x1024xf32>
    %select_n3A_87 = arith.select %eq3A_84, %broadcast_in_dim3A_86, %select_n3A_71 : vector<1024x1024xi1>, vector<1024x1024xf32>
    %reduce_max3A_88 = arith.constant dense<0xFF800000> : vector<1024xf32>
    %reduce_max3A_89 = vector.multi_reduction <maximumf>, %select_n3A_87, %reduce_max3A_88 [1] : vector<1024x1024xf32> to vector<1024xf32>
    %broadcast_in_dim3A_90 = vector.shape_cast %reduce_max3A_89 : vector<1024xf32> to vector<1024x1xf32>
    %eq3A_91 = vector.broadcast %broadcast_in_dim3A_90 : vector<1024x1xf32> to vector<1024x1024xf32>
    %eq3A_92 = arith.cmpf oeq, %select_n3A_87, %eq3A_91 : vector<1024x1024xf32>
    %jit3A_93 = arith.constant 1024 : i32
    %broadcast_in_dim3A_94 = vector.broadcast %jit3A_93 : i32 to vector<1024x1024xi32>
    %select_n3A_95 = arith.select %eq3A_92, %iota3A, %broadcast_in_dim3A_94 : vector<1024x1024xi1>, vector<1024x1024xi32>
    %reduce_min3A_96 = arith.constant dense<2147483647> : vector<1024xi32>
    %reduce_min3A_97 = vector.multi_reduction <minsi>, %select_n3A_95, %reduce_min3A_96 [1] : vector<1024x1024xi32> to vector<1024xi32>
    %broadcast_in_dim3A_98 = vector.shape_cast %reduce_min3A_97 : vector<1024xi32> to vector<1024x1xi32>
    %eq3A_99 = vector.broadcast %broadcast_in_dim3A_98 : vector<1024x1xi32> to vector<1024x1024xi32>
    %eq3A_100 = arith.cmpi eq, %iota3A, %eq3A_99 : vector<1024x1024xi32>
    %jit3A_101 = arith.constant -3.000000e+38 : f32
    %broadcast_in_dim3A_102 = vector.broadcast %jit3A_101 : f32 to vector<1024x1024xf32>
    %select_n3A_103 = arith.select %eq3A_100, %broadcast_in_dim3A_102, %select_n3A_87 : vector<1024x1024xi1>, vector<1024x1024xf32>
    %reduce_max3A_104 = arith.constant dense<0xFF800000> : vector<1024xf32>
    %reduce_max3A_105 = vector.multi_reduction <maximumf>, %select_n3A_103, %reduce_max3A_104 [1] : vector<1024x1024xf32> to vector<1024xf32>
    %broadcast_in_dim3A_106 = vector.shape_cast %reduce_max3A_105 : vector<1024xf32> to vector<1024x1xf32>
    %eq3A_107 = vector.broadcast %broadcast_in_dim3A_106 : vector<1024x1xf32> to vector<1024x1024xf32>
    %eq3A_108 = arith.cmpf oeq, %select_n3A_103, %eq3A_107 : vector<1024x1024xf32>
    %jit3A_109 = arith.constant 1024 : i32
    %broadcast_in_dim3A_110 = vector.broadcast %jit3A_109 : i32 to vector<1024x1024xi32>
    %select_n3A_111 = arith.select %eq3A_108, %iota3A, %broadcast_in_dim3A_110 : vector<1024x1024xi1>, vector<1024x1024xi32>
    %reduce_min3A_112 = arith.constant dense<2147483647> : vector<1024xi32>
    %reduce_min3A_113 = vector.multi_reduction <minsi>, %select_n3A_111, %reduce_min3A_112 [1] : vector<1024x1024xi32> to vector<1024xi32>
    %broadcast_in_dim3A_114 = vector.shape_cast %reduce_min3A_113 : vector<1024xi32> to vector<1024x1xi32>
    %eq3A_115 = vector.broadcast %broadcast_in_dim3A_114 : vector<1024x1xi32> to vector<1024x1024xi32>
    %eq3A_116 = arith.cmpi eq, %iota3A, %eq3A_115 : vector<1024x1024xi32>
    %jit3A_117 = arith.constant -3.000000e+38 : f32
    %broadcast_in_dim3A_118 = vector.broadcast %jit3A_117 : f32 to vector<1024x1024xf32>
    %select_n3A_119 = arith.select %eq3A_116, %broadcast_in_dim3A_118, %select_n3A_103 : vector<1024x1024xi1>, vector<1024x1024xf32>
    %reduce_max3A_120 = arith.constant dense<0xFF800000> : vector<1024xf32>
    %reduce_max3A_121 = vector.multi_reduction <maximumf>, %select_n3A_119, %reduce_max3A_120 [1] : vector<1024x1024xf32> to vector<1024xf32>
    %broadcast_in_dim3A_122 = vector.shape_cast %reduce_max3A_121 : vector<1024xf32> to vector<1024x1xf32>
    %eq3A_123 = vector.broadcast %broadcast_in_dim3A_122 : vector<1024x1xf32> to vector<1024x1024xf32>
    %eq3A_124 = arith.cmpf oeq, %select_n3A_119, %eq3A_123 : vector<1024x1024xf32>
    %jit3A_125 = arith.constant 1024 : i32
    %broadcast_in_dim3A_126 = vector.broadcast %jit3A_125 : i32 to vector<1024x1024xi32>
    %select_n3A_127 = arith.select %eq3A_124, %iota3A, %broadcast_in_dim3A_126 : vector<1024x1024xi1>, vector<1024x1024xi32>
    %reduce_min3A_128 = arith.constant dense<2147483647> : vector<1024xi32>
    %reduce_min3A_129 = vector.multi_reduction <minsi>, %select_n3A_127, %reduce_min3A_128 [1] : vector<1024x1024xi32> to vector<1024xi32>
    %broadcast_in_dim3A_130 = vector.shape_cast %reduce_min3A_129 : vector<1024xi32> to vector<1024x1xi32>
    %eq3A_131 = vector.broadcast %broadcast_in_dim3A_130 : vector<1024x1xi32> to vector<1024x1024xi32>
    %eq3A_132 = arith.cmpi eq, %iota3A, %eq3A_131 : vector<1024x1024xi32>
    %jit3A_133 = arith.constant -3.000000e+38 : f32
    %broadcast_in_dim3A_134 = vector.broadcast %jit3A_133 : f32 to vector<1024x1024xf32>
    %select_n3A_135 = arith.select %eq3A_132, %broadcast_in_dim3A_134, %select_n3A_119 : vector<1024x1024xi1>, vector<1024x1024xf32>
    %reduce_max3A_136 = arith.constant dense<0xFF800000> : vector<1024xf32>
    %reduce_max3A_137 = vector.multi_reduction <maximumf>, %select_n3A_135, %reduce_max3A_136 [1] : vector<1024x1024xf32> to vector<1024xf32>
    %broadcast_in_dim3A_138 = vector.shape_cast %reduce_max3A_137 : vector<1024xf32> to vector<1024x1xf32>
    %eq3A_139 = vector.broadcast %broadcast_in_dim3A_138 : vector<1024x1xf32> to vector<1024x1024xf32>
    %eq3A_140 = arith.cmpf oeq, %select_n3A_135, %eq3A_139 : vector<1024x1024xf32>
    %jit3A_141 = arith.constant 1024 : i32
    %broadcast_in_dim3A_142 = vector.broadcast %jit3A_141 : i32 to vector<1024x1024xi32>
    %select_n3A_143 = arith.select %eq3A_140, %iota3A, %broadcast_in_dim3A_142 : vector<1024x1024xi1>, vector<1024x1024xi32>
    %reduce_min3A_144 = arith.constant dense<2147483647> : vector<1024xi32>
    %reduce_min3A_145 = vector.multi_reduction <minsi>, %select_n3A_143, %reduce_min3A_144 [1] : vector<1024x1024xi32> to vector<1024xi32>
    %broadcast_in_dim3A_146 = vector.shape_cast %reduce_min3A_145 : vector<1024xi32> to vector<1024x1xi32>
    %eq3A_147 = vector.broadcast %broadcast_in_dim3A_146 : vector<1024x1xi32> to vector<1024x1024xi32>
    %eq3A_148 = arith.cmpi eq, %iota3A, %eq3A_147 : vector<1024x1024xi32>
    %jit3A_149 = arith.constant -3.000000e+38 : f32
    %broadcast_in_dim3A_150 = vector.broadcast %jit3A_149 : f32 to vector<1024x1024xf32>
    %select_n3A_151 = arith.select %eq3A_148, %broadcast_in_dim3A_150, %select_n3A_135 : vector<1024x1024xi1>, vector<1024x1024xf32>
    %reduce_max3A_152 = arith.constant dense<0xFF800000> : vector<1024xf32>
    %reduce_max3A_153 = vector.multi_reduction <maximumf>, %select_n3A_151, %reduce_max3A_152 [1] : vector<1024x1024xf32> to vector<1024xf32>
    %broadcast_in_dim3A_154 = vector.shape_cast %reduce_max3A_153 : vector<1024xf32> to vector<1024x1xf32>
    %eq3A_155 = vector.broadcast %broadcast_in_dim3A_154 : vector<1024x1xf32> to vector<1024x1024xf32>
    %eq3A_156 = arith.cmpf oeq, %select_n3A_151, %eq3A_155 : vector<1024x1024xf32>
    %jit3A_157 = arith.constant 1024 : i32
    %broadcast_in_dim3A_158 = vector.broadcast %jit3A_157 : i32 to vector<1024x1024xi32>
    %select_n3A_159 = arith.select %eq3A_156, %iota3A, %broadcast_in_dim3A_158 : vector<1024x1024xi1>, vector<1024x1024xi32>
    %reduce_min3A_160 = arith.constant dense<2147483647> : vector<1024xi32>
    %reduce_min3A_161 = vector.multi_reduction <minsi>, %select_n3A_159, %reduce_min3A_160 [1] : vector<1024x1024xi32> to vector<1024xi32>
    %broadcast_in_dim3A_162 = vector.shape_cast %reduce_min3A_161 : vector<1024xi32> to vector<1024x1xi32>
    %eq3A_163 = vector.broadcast %broadcast_in_dim3A_162 : vector<1024x1xi32> to vector<1024x1024xi32>
    %eq3A_164 = arith.cmpi eq, %iota3A, %eq3A_163 : vector<1024x1024xi32>
    %jit3A_165 = arith.constant -3.000000e+38 : f32
    %broadcast_in_dim3A_166 = vector.broadcast %jit3A_165 : f32 to vector<1024x1024xf32>
    %select_n3A_167 = arith.select %eq3A_164, %broadcast_in_dim3A_166, %select_n3A_151 : vector<1024x1024xi1>, vector<1024x1024xf32>
    %reduce_max3A_168 = arith.constant dense<0xFF800000> : vector<1024xf32>
    %reduce_max3A_169 = vector.multi_reduction <maximumf>, %select_n3A_167, %reduce_max3A_168 [1] : vector<1024x1024xf32> to vector<1024xf32>
    %broadcast_in_dim3A_170 = vector.shape_cast %reduce_max3A_169 : vector<1024xf32> to vector<1024x1xf32>
    %eq3A_171 = vector.broadcast %broadcast_in_dim3A_170 : vector<1024x1xf32> to vector<1024x1024xf32>
    %eq3A_172 = arith.cmpf oeq, %select_n3A_167, %eq3A_171 : vector<1024x1024xf32>
    %jit3A_173 = arith.constant 1024 : i32
    %broadcast_in_dim3A_174 = vector.broadcast %jit3A_173 : i32 to vector<1024x1024xi32>
    %select_n3A_175 = arith.select %eq3A_172, %iota3A, %broadcast_in_dim3A_174 : vector<1024x1024xi1>, vector<1024x1024xi32>
    %reduce_min3A_176 = arith.constant dense<2147483647> : vector<1024xi32>
    %reduce_min3A_177 = vector.multi_reduction <minsi>, %select_n3A_175, %reduce_min3A_176 [1] : vector<1024x1024xi32> to vector<1024xi32>
    %broadcast_in_dim3A_178 = vector.shape_cast %reduce_min3A_177 : vector<1024xi32> to vector<1024x1xi32>
    %eq3A_179 = vector.broadcast %broadcast_in_dim3A_178 : vector<1024x1xi32> to vector<1024x1024xi32>
    %eq3A_180 = arith.cmpi eq, %iota3A, %eq3A_179 : vector<1024x1024xi32>
    %jit3A_181 = arith.constant -3.000000e+38 : f32
    %broadcast_in_dim3A_182 = vector.broadcast %jit3A_181 : f32 to vector<1024x1024xf32>
    %select_n3A_183 = arith.select %eq3A_180, %broadcast_in_dim3A_182, %select_n3A_167 : vector<1024x1024xi1>, vector<1024x1024xf32>
    %reduce_max3A_184 = arith.constant dense<0xFF800000> : vector<1024xf32>
    %reduce_max3A_185 = vector.multi_reduction <maximumf>, %select_n3A_183, %reduce_max3A_184 [1] : vector<1024x1024xf32> to vector<1024xf32>
    %broadcast_in_dim3A_186 = vector.shape_cast %reduce_max3A_185 : vector<1024xf32> to vector<1024x1xf32>
    %eq3A_187 = vector.broadcast %broadcast_in_dim3A_186 : vector<1024x1xf32> to vector<1024x1024xf32>
    %eq3A_188 = arith.cmpf oeq, %select_n3A_183, %eq3A_187 : vector<1024x1024xf32>
    %jit3A_189 = arith.constant 1024 : i32
    %broadcast_in_dim3A_190 = vector.broadcast %jit3A_189 : i32 to vector<1024x1024xi32>
    %select_n3A_191 = arith.select %eq3A_188, %iota3A, %broadcast_in_dim3A_190 : vector<1024x1024xi1>, vector<1024x1024xi32>
    %reduce_min3A_192 = arith.constant dense<2147483647> : vector<1024xi32>
    %reduce_min3A_193 = vector.multi_reduction <minsi>, %select_n3A_191, %reduce_min3A_192 [1] : vector<1024x1024xi32> to vector<1024xi32>
    %broadcast_in_dim3A_194 = vector.shape_cast %reduce_min3A_193 : vector<1024xi32> to vector<1024x1xi32>
    %eq3A_195 = vector.broadcast %broadcast_in_dim3A_194 : vector<1024x1xi32> to vector<1024x1024xi32>
    %eq3A_196 = arith.cmpi eq, %iota3A, %eq3A_195 : vector<1024x1024xi32>
    %jit3A_197 = arith.constant -3.000000e+38 : f32
    %broadcast_in_dim3A_198 = vector.broadcast %jit3A_197 : f32 to vector<1024x1024xf32>
    %select_n3A_199 = arith.select %eq3A_196, %broadcast_in_dim3A_198, %select_n3A_183 : vector<1024x1024xi1>, vector<1024x1024xf32>
    %reduce_max3A_200 = arith.constant dense<0xFF800000> : vector<1024xf32>
    %reduce_max3A_201 = vector.multi_reduction <maximumf>, %select_n3A_199, %reduce_max3A_200 [1] : vector<1024x1024xf32> to vector<1024xf32>
    %broadcast_in_dim3A_202 = vector.shape_cast %reduce_max3A_201 : vector<1024xf32> to vector<1024x1xf32>
    %eq3A_203 = vector.broadcast %broadcast_in_dim3A_202 : vector<1024x1xf32> to vector<1024x1024xf32>
    %eq3A_204 = arith.cmpf oeq, %select_n3A_199, %eq3A_203 : vector<1024x1024xf32>
    %jit3A_205 = arith.constant 1024 : i32
    %broadcast_in_dim3A_206 = vector.broadcast %jit3A_205 : i32 to vector<1024x1024xi32>
    %select_n3A_207 = arith.select %eq3A_204, %iota3A, %broadcast_in_dim3A_206 : vector<1024x1024xi1>, vector<1024x1024xi32>
    %reduce_min3A_208 = arith.constant dense<2147483647> : vector<1024xi32>
    %reduce_min3A_209 = vector.multi_reduction <minsi>, %select_n3A_207, %reduce_min3A_208 [1] : vector<1024x1024xi32> to vector<1024xi32>
    %broadcast_in_dim3A_210 = vector.shape_cast %reduce_min3A_209 : vector<1024xi32> to vector<1024x1xi32>
    %eq3A_211 = vector.broadcast %broadcast_in_dim3A_210 : vector<1024x1xi32> to vector<1024x1024xi32>
    %eq3A_212 = arith.cmpi eq, %iota3A, %eq3A_211 : vector<1024x1024xi32>
    %jit3A_213 = arith.constant -3.000000e+38 : f32
    %broadcast_in_dim3A_214 = vector.broadcast %jit3A_213 : f32 to vector<1024x1024xf32>
    %select_n3A_215 = arith.select %eq3A_212, %broadcast_in_dim3A_214, %select_n3A_199 : vector<1024x1024xi1>, vector<1024x1024xf32>
    %reduce_max3A_216 = arith.constant dense<0xFF800000> : vector<1024xf32>
    %reduce_max3A_217 = vector.multi_reduction <maximumf>, %select_n3A_215, %reduce_max3A_216 [1] : vector<1024x1024xf32> to vector<1024xf32>
    %broadcast_in_dim3A_218 = vector.shape_cast %reduce_max3A_217 : vector<1024xf32> to vector<1024x1xf32>
    %eq3A_219 = vector.broadcast %broadcast_in_dim3A_218 : vector<1024x1xf32> to vector<1024x1024xf32>
    %eq3A_220 = arith.cmpf oeq, %select_n3A_215, %eq3A_219 : vector<1024x1024xf32>
    %jit3A_221 = arith.constant 1024 : i32
    %broadcast_in_dim3A_222 = vector.broadcast %jit3A_221 : i32 to vector<1024x1024xi32>
    %select_n3A_223 = arith.select %eq3A_220, %iota3A, %broadcast_in_dim3A_222 : vector<1024x1024xi1>, vector<1024x1024xi32>
    %reduce_min3A_224 = arith.constant dense<2147483647> : vector<1024xi32>
    %reduce_min3A_225 = vector.multi_reduction <minsi>, %select_n3A_223, %reduce_min3A_224 [1] : vector<1024x1024xi32> to vector<1024xi32>
    %broadcast_in_dim3A_226 = vector.shape_cast %reduce_min3A_225 : vector<1024xi32> to vector<1024x1xi32>
    %eq3A_227 = vector.broadcast %broadcast_in_dim3A_226 : vector<1024x1xi32> to vector<1024x1024xi32>
    %eq3A_228 = arith.cmpi eq, %iota3A, %eq3A_227 : vector<1024x1024xi32>
    %jit3A_229 = arith.constant -3.000000e+38 : f32
    %broadcast_in_dim3A_230 = vector.broadcast %jit3A_229 : f32 to vector<1024x1024xf32>
    %select_n3A_231 = arith.select %eq3A_228, %broadcast_in_dim3A_230, %select_n3A_215 : vector<1024x1024xi1>, vector<1024x1024xf32>
    %reduce_max3A_232 = arith.constant dense<0xFF800000> : vector<1024xf32>
    %reduce_max3A_233 = vector.multi_reduction <maximumf>, %select_n3A_231, %reduce_max3A_232 [1] : vector<1024x1024xf32> to vector<1024xf32>
    %broadcast_in_dim3A_234 = vector.shape_cast %reduce_max3A_233 : vector<1024xf32> to vector<1024x1xf32>
    %eq3A_235 = vector.broadcast %broadcast_in_dim3A_234 : vector<1024x1xf32> to vector<1024x1024xf32>
    %eq3A_236 = arith.cmpf oeq, %select_n3A_231, %eq3A_235 : vector<1024x1024xf32>
    %jit3A_237 = arith.constant 1024 : i32
    %broadcast_in_dim3A_238 = vector.broadcast %jit3A_237 : i32 to vector<1024x1024xi32>
    %select_n3A_239 = arith.select %eq3A_236, %iota3A, %broadcast_in_dim3A_238 : vector<1024x1024xi1>, vector<1024x1024xi32>
    %reduce_min3A_240 = arith.constant dense<2147483647> : vector<1024xi32>
    %reduce_min3A_241 = vector.multi_reduction <minsi>, %select_n3A_239, %reduce_min3A_240 [1] : vector<1024x1024xi32> to vector<1024xi32>
    %broadcast_in_dim3A_242 = vector.shape_cast %reduce_min3A_241 : vector<1024xi32> to vector<1024x1xi32>
    %eq3A_243 = vector.broadcast %broadcast_in_dim3A_242 : vector<1024x1xi32> to vector<1024x1024xi32>
    %eq3A_244 = arith.cmpi eq, %iota3A, %eq3A_243 : vector<1024x1024xi32>
    %jit3A_245 = arith.constant -3.000000e+38 : f32
    %broadcast_in_dim3A_246 = vector.broadcast %jit3A_245 : f32 to vector<1024x1024xf32>
    %select_n3A_247 = arith.select %eq3A_244, %broadcast_in_dim3A_246, %select_n3A_231 : vector<1024x1024xi1>, vector<1024x1024xf32>
    %reduce_max3A_248 = arith.constant dense<0xFF800000> : vector<1024xf32>
    %reduce_max3A_249 = vector.multi_reduction <maximumf>, %select_n3A_247, %reduce_max3A_248 [1] : vector<1024x1024xf32> to vector<1024xf32>
    %broadcast_in_dim3A_250 = vector.shape_cast %reduce_max3A_249 : vector<1024xf32> to vector<1024x1xf32>
    %eq3A_251 = vector.broadcast %broadcast_in_dim3A_250 : vector<1024x1xf32> to vector<1024x1024xf32>
    %eq3A_252 = arith.cmpf oeq, %select_n3A_247, %eq3A_251 : vector<1024x1024xf32>
    %jit3A_253 = arith.constant 1024 : i32
    %broadcast_in_dim3A_254 = vector.broadcast %jit3A_253 : i32 to vector<1024x1024xi32>
    %select_n3A_255 = arith.select %eq3A_252, %iota3A, %broadcast_in_dim3A_254 : vector<1024x1024xi1>, vector<1024x1024xi32>
    %reduce_min3A_256 = arith.constant dense<2147483647> : vector<1024xi32>
    %reduce_min3A_257 = vector.multi_reduction <minsi>, %select_n3A_255, %reduce_min3A_256 [1] : vector<1024x1024xi32> to vector<1024xi32>
    %broadcast_in_dim3A_258 = vector.shape_cast %reduce_min3A_257 : vector<1024xi32> to vector<1024x1xi32>
    %eq3A_259 = vector.broadcast %broadcast_in_dim3A_258 : vector<1024x1xi32> to vector<1024x1024xi32>
    %eq3A_260 = arith.cmpi eq, %iota3A, %eq3A_259 : vector<1024x1024xi32>
    %jit3A_261 = arith.constant -3.000000e+38 : f32
    %broadcast_in_dim3A_262 = vector.broadcast %jit3A_261 : f32 to vector<1024x1024xf32>
    %select_n3A_263 = arith.select %eq3A_260, %broadcast_in_dim3A_262, %select_n3A_247 : vector<1024x1024xi1>, vector<1024x1024xf32>
    %reduce_max3A_264 = arith.constant dense<0xFF800000> : vector<1024xf32>
    %reduce_max3A_265 = vector.multi_reduction <maximumf>, %select_n3A_263, %reduce_max3A_264 [1] : vector<1024x1024xf32> to vector<1024xf32>
    %broadcast_in_dim3A_266 = vector.shape_cast %reduce_max3A_265 : vector<1024xf32> to vector<1024x1xf32>
    %eq3A_267 = vector.broadcast %broadcast_in_dim3A_266 : vector<1024x1xf32> to vector<1024x1024xf32>
    %eq3A_268 = arith.cmpf oeq, %select_n3A_263, %eq3A_267 : vector<1024x1024xf32>
    %jit3A_269 = arith.constant 1024 : i32
    %broadcast_in_dim3A_270 = vector.broadcast %jit3A_269 : i32 to vector<1024x1024xi32>
    %select_n3A_271 = arith.select %eq3A_268, %iota3A, %broadcast_in_dim3A_270 : vector<1024x1024xi1>, vector<1024x1024xi32>
    %reduce_min3A_272 = arith.constant dense<2147483647> : vector<1024xi32>
    %reduce_min3A_273 = vector.multi_reduction <minsi>, %select_n3A_271, %reduce_min3A_272 [1] : vector<1024x1024xi32> to vector<1024xi32>
    %broadcast_in_dim3A_274 = vector.shape_cast %reduce_min3A_273 : vector<1024xi32> to vector<1024x1xi32>
    %eq3A_275 = vector.broadcast %broadcast_in_dim3A_274 : vector<1024x1xi32> to vector<1024x1024xi32>
    %eq3A_276 = arith.cmpi eq, %iota3A, %eq3A_275 : vector<1024x1024xi32>
    %jit3A_277 = arith.constant -3.000000e+38 : f32
    %broadcast_in_dim3A_278 = vector.broadcast %jit3A_277 : f32 to vector<1024x1024xf32>
    %select_n3A_279 = arith.select %eq3A_276, %broadcast_in_dim3A_278, %select_n3A_263 : vector<1024x1024xi1>, vector<1024x1024xf32>
    %reduce_max3A_280 = arith.constant dense<0xFF800000> : vector<1024xf32>
    %reduce_max3A_281 = vector.multi_reduction <maximumf>, %select_n3A_279, %reduce_max3A_280 [1] : vector<1024x1024xf32> to vector<1024xf32>
    %broadcast_in_dim3A_282 = vector.shape_cast %reduce_max3A_281 : vector<1024xf32> to vector<1024x1xf32>
    %eq3A_283 = vector.broadcast %broadcast_in_dim3A_282 : vector<1024x1xf32> to vector<1024x1024xf32>
    %eq3A_284 = arith.cmpf oeq, %select_n3A_279, %eq3A_283 : vector<1024x1024xf32>
    %jit3A_285 = arith.constant 1024 : i32
    %broadcast_in_dim3A_286 = vector.broadcast %jit3A_285 : i32 to vector<1024x1024xi32>
    %select_n3A_287 = arith.select %eq3A_284, %iota3A, %broadcast_in_dim3A_286 : vector<1024x1024xi1>, vector<1024x1024xi32>
    %reduce_min3A_288 = arith.constant dense<2147483647> : vector<1024xi32>
    %reduce_min3A_289 = vector.multi_reduction <minsi>, %select_n3A_287, %reduce_min3A_288 [1] : vector<1024x1024xi32> to vector<1024xi32>
    %broadcast_in_dim3A_290 = vector.shape_cast %reduce_min3A_289 : vector<1024xi32> to vector<1024x1xi32>
    %eq3A_291 = vector.broadcast %broadcast_in_dim3A_290 : vector<1024x1xi32> to vector<1024x1024xi32>
    %eq3A_292 = arith.cmpi eq, %iota3A, %eq3A_291 : vector<1024x1024xi32>
    %jit3A_293 = arith.constant -3.000000e+38 : f32
    %broadcast_in_dim3A_294 = vector.broadcast %jit3A_293 : f32 to vector<1024x1024xf32>
    %select_n3A_295 = arith.select %eq3A_292, %broadcast_in_dim3A_294, %select_n3A_279 : vector<1024x1024xi1>, vector<1024x1024xf32>
    %reduce_max3A_296 = arith.constant dense<0xFF800000> : vector<1024xf32>
    %reduce_max3A_297 = vector.multi_reduction <maximumf>, %select_n3A_295, %reduce_max3A_296 [1] : vector<1024x1024xf32> to vector<1024xf32>
    %broadcast_in_dim3A_298 = vector.shape_cast %reduce_max3A_297 : vector<1024xf32> to vector<1024x1xf32>
    %eq3A_299 = vector.broadcast %broadcast_in_dim3A_298 : vector<1024x1xf32> to vector<1024x1024xf32>
    %eq3A_300 = arith.cmpf oeq, %select_n3A_295, %eq3A_299 : vector<1024x1024xf32>
    %jit3A_301 = arith.constant 1024 : i32
    %broadcast_in_dim3A_302 = vector.broadcast %jit3A_301 : i32 to vector<1024x1024xi32>
    %select_n3A_303 = arith.select %eq3A_300, %iota3A, %broadcast_in_dim3A_302 : vector<1024x1024xi1>, vector<1024x1024xi32>
    %reduce_min3A_304 = arith.constant dense<2147483647> : vector<1024xi32>
    %reduce_min3A_305 = vector.multi_reduction <minsi>, %select_n3A_303, %reduce_min3A_304 [1] : vector<1024x1024xi32> to vector<1024xi32>
    %broadcast_in_dim3A_306 = vector.shape_cast %reduce_min3A_305 : vector<1024xi32> to vector<1024x1xi32>
    %eq3A_307 = vector.broadcast %broadcast_in_dim3A_306 : vector<1024x1xi32> to vector<1024x1024xi32>
    %eq3A_308 = arith.cmpi eq, %iota3A, %eq3A_307 : vector<1024x1024xi32>
    %jit3A_309 = arith.constant -3.000000e+38 : f32
    %broadcast_in_dim3A_310 = vector.broadcast %jit3A_309 : f32 to vector<1024x1024xf32>
    %select_n3A_311 = arith.select %eq3A_308, %broadcast_in_dim3A_310, %select_n3A_295 : vector<1024x1024xi1>, vector<1024x1024xf32>
    %reduce_max3A_312 = arith.constant dense<0xFF800000> : vector<1024xf32>
    %reduce_max3A_313 = vector.multi_reduction <maximumf>, %select_n3A_311, %reduce_max3A_312 [1] : vector<1024x1024xf32> to vector<1024xf32>
    %broadcast_in_dim3A_314 = vector.shape_cast %reduce_max3A_313 : vector<1024xf32> to vector<1024x1xf32>
    %eq3A_315 = vector.broadcast %broadcast_in_dim3A_314 : vector<1024x1xf32> to vector<1024x1024xf32>
    %eq3A_316 = arith.cmpf oeq, %select_n3A_311, %eq3A_315 : vector<1024x1024xf32>
    %jit3A_317 = arith.constant 1024 : i32
    %broadcast_in_dim3A_318 = vector.broadcast %jit3A_317 : i32 to vector<1024x1024xi32>
    %select_n3A_319 = arith.select %eq3A_316, %iota3A, %broadcast_in_dim3A_318 : vector<1024x1024xi1>, vector<1024x1024xi32>
    %reduce_min3A_320 = arith.constant dense<2147483647> : vector<1024xi32>
    %reduce_min3A_321 = vector.multi_reduction <minsi>, %select_n3A_319, %reduce_min3A_320 [1] : vector<1024x1024xi32> to vector<1024xi32>
    %broadcast_in_dim3A_322 = vector.shape_cast %reduce_min3A_321 : vector<1024xi32> to vector<1024x1xi32>
    %concatenate3A = tpu.concatenate %broadcast_in_dim3A_18, %broadcast_in_dim3A_34, %broadcast_in_dim3A_50, %broadcast_in_dim3A_66, %broadcast_in_dim3A_82, %broadcast_in_dim3A_98, %broadcast_in_dim3A_114, %broadcast_in_dim3A_130, %broadcast_in_dim3A_146, %broadcast_in_dim3A_162, %broadcast_in_dim3A_178, %broadcast_in_dim3A_194, %broadcast_in_dim3A_210, %broadcast_in_dim3A_226, %broadcast_in_dim3A_242, %broadcast_in_dim3A_258, %broadcast_in_dim3A_274, %broadcast_in_dim3A_290, %broadcast_in_dim3A_306, %broadcast_in_dim3A_322 in 1 : vector<1024x1xi32>, vector<1024x1xi32>, vector<1024x1xi32>, vector<1024x1xi32>, vector<1024x1xi32>, vector<1024x1xi32>, vector<1024x1xi32>, vector<1024x1xi32>, vector<1024x1xi32>, vector<1024x1xi32>, vector<1024x1xi32>, vector<1024x1xi32>, vector<1024x1xi32>, vector<1024x1xi32>, vector<1024x1xi32>, vector<1024x1xi32>, vector<1024x1xi32>, vector<1024x1xi32>, vector<1024x1xi32>, vector<1024x1xi32> -> vector<1024x20xi32>
    %mul3A_323 = arith.constant 1024 : i32
    %mul3A_324 = arith.muli %arg0, %mul3A_323 : i32
    %add3A = vector.broadcast %mul3A_324 : i32 to vector<1024x20xi32>
    %add3A_325 = arith.addi %concatenate3A, %add3A : vector<1024x20xi32>
    %swap3A = arith.constant 0 : index
    %swap3A_326 = arith.constant 0 : index
    %swap3A_327 = arith.constant 0 : index
    %swap3A_328 = vector.load %arg2[%swap3A, %swap3A_326, %swap3A_327] : memref<1x1024x20xi32, #tpu.memory_space<vmem>>, vector<1x1024x20xi32>
    %swap3A_329 = vector.shape_cast %swap3A_328 : vector<1x1024x20xi32> to vector<1024x20xi32>
    %swap3A_330 = vector.shape_cast %add3A_325 : vector<1024x20xi32> to vector<1x1024x20xi32>
    tpu.vector_store %arg2[%swap3A, %swap3A_326, %swap3A_327], %swap3A_330 {strides = array<i32>} : memref<1x1024x20xi32, #tpu.memory_space<vmem>>, vector<1x1024x20xi32>,
    return
  }
  func.func @transform_0(%arg0: i32) -> (i32, i32, i32) {
    %c0_i32 = arith.constant 0 : i32
    %c0_i32_0 = arith.constant 0 : i32
    %c0_i32_1 = arith.constant 0 : i32
    return %arg0, %c0_i32, %c0_i32_0 : i32, i32, i32
  }
  func.func @transform_1(%arg0: i32) -> (i32, i32, i32) {
    %c0_i32 = arith.constant 0 : i32
    %c0_i32_0 = arith.constant 0 : i32
    %c0_i32_1 = arith.constant 0 : i32
    return %arg0, %c0_i32, %c0_i32_0 : i32, i32, i32
  }
}

module attributes {stable_mosaic.version = 14 : i64} {
  func.func @_conv_body(%arg0: i32, %arg1: i32, %arg2: memref<1x2560x128xf32, #tpu.memory_space<vmem>>, %arg3: memref<1x128x3xf32, #tpu.memory_space<vmem>>, %arg4: memref<64x6xf32, #tpu.memory_space<vmem>>, %arg5: memref<1x128x64xf32, #tpu.memory_space<vmem>>, %arg6: memref<1x128x64xf32, #tpu.memory_space<vmem>>, %arg7: memref<1x1x2x64xf32, #tpu.memory_space<vmem>>) attributes {dimension_semantics = [#tpu.dimension_semantics<arbitrary>, #tpu.dimension_semantics<arbitrary>], iteration_bounds = array<i64: 8, 8>, scalar_prefetch = 0 : i64, scratch_operands = 0 : i64, tpu.core_type = #tpu.core_type<tc>, window_params = [{transform_indices = @transform_0, window_bounds = array<i64: 1, 2560, 128>}, {transform_indices = @transform_1, window_bounds = array<i64: 1, 128, 3>}, {pipeline_mode = #tpu.pipeline_mode<synchronous>, transform_indices = @transform_2, window_bounds = array<i64: 64, 6>}, {transform_indices = @transform_3, window_bounds = array<i64: 1, 128, 64>}, {transform_indices = @transform_4, window_bounds = array<i64: 1, 128, 64>}, {transform_indices = @transform_5, window_bounds = array<i64: 1, 1, 2, 64>}]} {
    %get3A = arith.constant 0 : index
    %get3A_0 = arith.constant 0 : index
    %get3A_1 = arith.constant 0 : index
    %get3A_2 = vector.load %arg2[%get3A, %get3A_0, %get3A_1] : memref<1x2560x128xf32, #tpu.memory_space<vmem>>, vector<1x2560x128xf32>
    %get3A_3 = vector.shape_cast %get3A_2 : vector<1x2560x128xf32> to vector<2560x128xf32>
    %slice3A = vector.extract_strided_slice %get3A_3 {offsets = [0, 0], sizes = [2560, 3], strides = [1, 1]} : vector<2560x128xf32> to vector<2560x3xf32>
    %get3A_4 = arith.constant 0 : index
    %get3A_5 = arith.constant 0 : index
    %get3A_6 = arith.constant 0 : index
    %get3A_7 = vector.load %arg3[%get3A_4, %get3A_5, %get3A_6] : memref<1x128x3xf32, #tpu.memory_space<vmem>>, vector<1x128x3xf32>
    %get3A_8 = vector.shape_cast %get3A_7 : vector<1x128x3xf32> to vector<128x3xf32>
    %broadcast_in_dim3A = vector.shape_cast %get3A_8 : vector<128x3xf32> to vector<128x1x3xf32>
    %broadcast_in_dim3A_9 = vector.shape_cast %broadcast_in_dim3A : vector<128x1x3xf32> to vector<128x1x3xf32>
    %broadcast_in_dim3A_10 = vector.broadcast %broadcast_in_dim3A_9 : vector<128x1x3xf32> to vector<128x20x3xf32>
    %reshape3A = vector.shape_cast %broadcast_in_dim3A_10 : vector<128x20x3xf32> to vector<2560x3xf32>
    %sub3A = arith.subf %slice3A, %reshape3A : vector<2560x3xf32>
    %concatenate3A = tpu.concatenate %sub3A, %reshape3A in 1 : vector<2560x3xf32>, vector<2560x3xf32> -> vector<2560x6xf32>
    %get3A_11 = arith.constant 0 : index
    %get3A_12 = arith.constant 0 : index
    %get3A_13 = vector.load %arg4[%get3A_11, %get3A_12] : memref<64x6xf32, #tpu.memory_space<vmem>>, vector<64x6xf32>
    %dot_general3A = arith.constant dense<0.000000e+00> : vector<2560x64xf32>
    %dot_general3A_14 = tpu.matmul %concatenate3A, %get3A_13, %dot_general3A {dimension_numbers = #tpu.dot_dimension_numbers<[1], [1], [0], [0], [0, 0, 1, 0], [], []>, transpose_lhs_hint = false} : vector<2560x6xf32>, vector<64x6xf32>, vector<2560x64xf32> -> vector<2560x64xf32>
    %reshape3A_15 = vector.shape_cast %dot_general3A_14 : vector<2560x64xf32> to vector<128x20x64xf32>
    %reduce_max3A = arith.constant dense<0xFF800000> : vector<128x64xf32>
    %reduce_max3A_16 = vector.multi_reduction <maximumf>, %reshape3A_15, %reduce_max3A [1] : vector<128x20x64xf32> to vector<128x64xf32>
    %swap3A = arith.constant 0 : index
    %swap3A_17 = arith.constant 0 : index
    %swap3A_18 = arith.constant 0 : index
    %swap3A_19 = vector.load %arg5[%swap3A, %swap3A_17, %swap3A_18] : memref<1x128x64xf32, #tpu.memory_space<vmem>>, vector<1x128x64xf32>
    %swap3A_20 = vector.shape_cast %swap3A_19 : vector<1x128x64xf32> to vector<128x64xf32>
    %swap3A_21 = vector.shape_cast %reduce_max3A_16 : vector<128x64xf32> to vector<1x128x64xf32>
    tpu.vector_store %arg5[%swap3A, %swap3A_17, %swap3A_18], %swap3A_21 {strides = array<i32>} : memref<1x128x64xf32, #tpu.memory_space<vmem>>, vector<1x128x64xf32>,
    %reduce_min3A = arith.constant dense<0x7F800000> : vector<128x64xf32>
    %reduce_min3A_22 = vector.multi_reduction <minimumf>, %reshape3A_15, %reduce_min3A [1] : vector<128x20x64xf32> to vector<128x64xf32>
    %swap3A_23 = arith.constant 0 : index
    %swap3A_24 = arith.constant 0 : index
    %swap3A_25 = arith.constant 0 : index
    %swap3A_26 = vector.load %arg6[%swap3A_23, %swap3A_24, %swap3A_25] : memref<1x128x64xf32, #tpu.memory_space<vmem>>, vector<1x128x64xf32>
    %swap3A_27 = vector.shape_cast %swap3A_26 : vector<1x128x64xf32> to vector<128x64xf32>
    %swap3A_28 = vector.shape_cast %reduce_min3A_22 : vector<128x64xf32> to vector<1x128x64xf32>
    tpu.vector_store %arg6[%swap3A_23, %swap3A_24, %swap3A_25], %swap3A_28 {strides = array<i32>} : memref<1x128x64xf32, #tpu.memory_space<vmem>>, vector<1x128x64xf32>,
    %reduce_sum3A = arith.constant dense<0.000000e+00> : vector<64xf32>
    %reduce_sum3A_29 = vector.multi_reduction <add>, %dot_general3A_14, %reduce_sum3A [0] : vector<2560x64xf32> to vector<64xf32>
    %swap3A_30 = arith.constant 0 : index
    %swap3A_31 = arith.constant 0 : index
    %swap3A_32 = arith.constant 0 : index
    %swap3A_33 = arith.constant 0 : index
    %swap3A_34 = vector.load %arg7[%swap3A_30, %swap3A_31, %swap3A_32, %swap3A_33] : memref<1x1x2x64xf32, #tpu.memory_space<vmem>>, vector<1x1x1x64xf32>
    %swap3A_35 = vector.shape_cast %swap3A_34 : vector<1x1x1x64xf32> to vector<64xf32>
    %swap3A_36 = vector.shape_cast %reduce_sum3A_29 : vector<64xf32> to vector<1x1x1x64xf32>
    tpu.vector_store %arg7[%swap3A_30, %swap3A_31, %swap3A_32, %swap3A_33], %swap3A_36 {strides = array<i32>} : memref<1x1x2x64xf32, #tpu.memory_space<vmem>>, vector<1x1x1x64xf32>,
    %mul3A = arith.mulf %dot_general3A_14, %dot_general3A_14 : vector<2560x64xf32>
    %reduce_sum3A_37 = arith.constant dense<0.000000e+00> : vector<64xf32>
    %reduce_sum3A_38 = vector.multi_reduction <add>, %mul3A, %reduce_sum3A_37 [0] : vector<2560x64xf32> to vector<64xf32>
    %swap3A_39 = arith.constant 0 : index
    %swap3A_40 = arith.constant 0 : index
    %swap3A_41 = arith.constant 1 : index
    %swap3A_42 = arith.constant 0 : index
    %swap3A_43 = vector.load %arg7[%swap3A_39, %swap3A_40, %swap3A_41, %swap3A_42] : memref<1x1x2x64xf32, #tpu.memory_space<vmem>>, vector<1x1x1x64xf32>
    %swap3A_44 = vector.shape_cast %swap3A_43 : vector<1x1x1x64xf32> to vector<64xf32>
    %swap3A_45 = vector.shape_cast %reduce_sum3A_38 : vector<64xf32> to vector<1x1x1x64xf32>
    tpu.vector_store %arg7[%swap3A_39, %swap3A_40, %swap3A_41, %swap3A_42], %swap3A_45 {strides = array<i32>} : memref<1x1x2x64xf32, #tpu.memory_space<vmem>>, vector<1x1x1x64xf32>,
    return
  }
  func.func @transform_0(%arg0: i32, %arg1: i32) -> (i32, i32, i32) {
    %c0_i32 = arith.constant 0 : i32
    %c0_i32_0 = arith.constant 0 : i32
    return %arg0, %arg1, %c0_i32 : i32, i32, i32
  }
  func.func @transform_1(%arg0: i32, %arg1: i32) -> (i32, i32, i32) {
    %c0_i32 = arith.constant 0 : i32
    %c0_i32_0 = arith.constant 0 : i32
    return %arg0, %arg1, %c0_i32 : i32, i32, i32
  }
  func.func @transform_2(%arg0: i32, %arg1: i32) -> (i32, i32) {
    %c0_i32 = arith.constant 0 : i32
    %c0_i32_0 = arith.constant 0 : i32
    %c0_i32_1 = arith.constant 0 : i32
    return %c0_i32, %c0_i32_0 : i32, i32
  }
  func.func @transform_3(%arg0: i32, %arg1: i32) -> (i32, i32, i32) {
    %c0_i32 = arith.constant 0 : i32
    %c0_i32_0 = arith.constant 0 : i32
    return %arg0, %arg1, %c0_i32 : i32, i32, i32
  }
  func.func @transform_4(%arg0: i32, %arg1: i32) -> (i32, i32, i32) {
    %c0_i32 = arith.constant 0 : i32
    %c0_i32_0 = arith.constant 0 : i32
    return %arg0, %arg1, %c0_i32 : i32, i32, i32
  }
  func.func @transform_5(%arg0: i32, %arg1: i32) -> (i32, i32, i32, i32) {
    %c0_i32 = arith.constant 0 : i32
    %c0_i32_0 = arith.constant 0 : i32
    %c0_i32_1 = arith.constant 0 : i32
    return %arg0, %arg1, %c0_i32, %c0_i32_0 : i32, i32, i32, i32
  }
}

module attributes {stable_mosaic.version = 14 : i64} {
  func.func @_combine_body(%arg0: i32, %arg1: memref<1x1024x64xf32, #tpu.memory_space<vmem>>, %arg2: memref<1x1024x64xf32, #tpu.memory_space<vmem>>, %arg3: memref<8x8x2x64xf32, #tpu.memory_space<vmem>>, %arg4: memref<64xf32, #tpu.memory_space<vmem>>, %arg5: memref<64xf32, #tpu.memory_space<vmem>>, %arg6: memref<1x1024x64xf32, #tpu.memory_space<vmem>>) attributes {dimension_semantics = [#tpu.dimension_semantics<arbitrary>], iteration_bounds = array<i64: 8>, scalar_prefetch = 0 : i64, scratch_operands = 0 : i64, tpu.core_type = #tpu.core_type<tc>, window_params = [{transform_indices = @transform_0, window_bounds = array<i64: 1, 1024, 64>}, {transform_indices = @transform_1, window_bounds = array<i64: 1, 1024, 64>}, {pipeline_mode = #tpu.pipeline_mode<synchronous>, transform_indices = @transform_2, window_bounds = array<i64: 8, 8, 2, 64>}, {pipeline_mode = #tpu.pipeline_mode<synchronous>, transform_indices = @transform_3, window_bounds = array<i64: 64>}, {pipeline_mode = #tpu.pipeline_mode<synchronous>, transform_indices = @transform_4, window_bounds = array<i64: 64>}, {transform_indices = @transform_5, window_bounds = array<i64: 1, 1024, 64>}]} {
    %get3A = arith.constant 0 : index
    %get3A_0 = arith.constant 0 : index
    %get3A_1 = arith.constant 0 : index
    %get3A_2 = arith.constant 0 : index
    %get3A_3 = vector.load %arg3[%get3A, %get3A_0, %get3A_1, %get3A_2] : memref<8x8x2x64xf32, #tpu.memory_space<vmem>>, vector<8x8x2x64xf32>
    %reduce_sum3A = arith.constant dense<0.000000e+00> : vector<2x64xf32>
    %reduce_sum3A_4 = vector.multi_reduction <add>, %get3A_3, %reduce_sum3A [0, 1] : vector<8x8x2x64xf32> to vector<2x64xf32>
    %slice3A = vector.extract_strided_slice %reduce_sum3A_4 {offsets = [0, 0], sizes = [1, 64], strides = [1, 1]} : vector<2x64xf32> to vector<1x64xf32>
    %squeeze3A = vector.shape_cast %slice3A : vector<1x64xf32> to vector<64xf32>
    %div3A = arith.constant 1.638400e+05 : f32
    %div3A_5 = vector.broadcast %div3A : f32 to vector<64xf32>
    %div3A_6 = arith.divf %squeeze3A, %div3A_5 : vector<64xf32>
    %slice3A_7 = vector.extract_strided_slice %reduce_sum3A_4 {offsets = [1, 0], sizes = [1, 64], strides = [1, 1]} : vector<2x64xf32> to vector<1x64xf32>
    %squeeze3A_8 = vector.shape_cast %slice3A_7 : vector<1x64xf32> to vector<64xf32>
    %div3A_9 = arith.constant 1.638400e+05 : f32
    %div3A_10 = vector.broadcast %div3A_9 : f32 to vector<64xf32>
    %div3A_11 = arith.divf %squeeze3A_8, %div3A_10 : vector<64xf32>
    %mul3A = arith.mulf %div3A_6, %div3A_6 : vector<64xf32>
    %sub3A = arith.subf %div3A_11, %mul3A : vector<64xf32>
    %get3A_12 = arith.constant 0 : index
    %get3A_13 = vector.load %arg4[%get3A_12] : memref<64xf32, #tpu.memory_space<vmem>>, vector<64xf32>
    %add3A = arith.constant 9.99999974E-6 : f32
    %add3A_14 = vector.broadcast %add3A : f32 to vector<64xf32>
    %add3A_15 = arith.addf %sub3A, %add3A_14 : vector<64xf32>
    %sqrt3A = math.sqrt %add3A_15 : vector<64xf32>
    %div3A_16 = arith.divf %get3A_13, %sqrt3A : vector<64xf32>
    %ge3A = arith.constant 0.000000e+00 : f32
    %ge3A_17 = vector.broadcast %ge3A : f32 to vector<64xf32>
    %ge3A_18 = arith.cmpf oge, %div3A_16, %ge3A_17 : vector<64xf32>
    %broadcast_in_dim3A = vector.shape_cast %ge3A_18 : vector<64xi1> to vector<1x64xi1>
    %get3A_19 = arith.constant 0 : index
    %get3A_20 = arith.constant 0 : index
    %get3A_21 = arith.constant 0 : index
    %get3A_22 = vector.load %arg1[%get3A_19, %get3A_20, %get3A_21] : memref<1x1024x64xf32, #tpu.memory_space<vmem>>, vector<1x1024x64xf32>
    %get3A_23 = vector.shape_cast %get3A_22 : vector<1x1024x64xf32> to vector<1024x64xf32>
    %get3A_24 = arith.constant 0 : index
    %get3A_25 = arith.constant 0 : index
    %get3A_26 = arith.constant 0 : index
    %get3A_27 = vector.load %arg2[%get3A_24, %get3A_25, %get3A_26] : memref<1x1024x64xf32, #tpu.memory_space<vmem>>, vector<1x1024x64xf32>
    %get3A_28 = vector.shape_cast %get3A_27 : vector<1x1024x64xf32> to vector<1024x64xf32>
    %broadcast_in_dim3A_29 = vector.shape_cast %broadcast_in_dim3A : vector<1x64xi1> to vector<1x64xi1>
    %broadcast_in_dim3A_30 = vector.broadcast %broadcast_in_dim3A_29 : vector<1x64xi1> to vector<1024x64xi1>
    %select_n3A = arith.select %broadcast_in_dim3A_30, %get3A_23, %get3A_28 : vector<1024x64xi1>, vector<1024x64xf32>
    %broadcast_in_dim3A_31 = vector.shape_cast %div3A_16 : vector<64xf32> to vector<1x64xf32>
    %broadcast_in_dim3A_32 = vector.shape_cast %div3A_6 : vector<64xf32> to vector<1x64xf32>
    %sub3A_33 = vector.broadcast %broadcast_in_dim3A_32 : vector<1x64xf32> to vector<1024x64xf32>
    %sub3A_34 = arith.subf %select_n3A, %sub3A_33 : vector<1024x64xf32>
    %mul3A_35 = vector.broadcast %broadcast_in_dim3A_31 : vector<1x64xf32> to vector<1024x64xf32>
    %mul3A_36 = arith.mulf %mul3A_35, %sub3A_34 : vector<1024x64xf32>
    %get3A_37 = arith.constant 0 : index
    %get3A_38 = vector.load %arg5[%get3A_37] : memref<64xf32, #tpu.memory_space<vmem>>, vector<64xf32>
    %broadcast_in_dim3A_39 = vector.shape_cast %get3A_38 : vector<64xf32> to vector<1x64xf32>
    %add3A_40 = vector.broadcast %broadcast_in_dim3A_39 : vector<1x64xf32> to vector<1024x64xf32>
    %add3A_41 = arith.addf %mul3A_36, %add3A_40 : vector<1024x64xf32>
    %ge3A_42 = arith.constant 0.000000e+00 : f32
    %ge3A_43 = vector.broadcast %ge3A_42 : f32 to vector<1024x64xf32>
    %ge3A_44 = arith.cmpf oge, %add3A_41, %ge3A_43 : vector<1024x64xf32>
    %mul3A_45 = arith.constant 2.000000e-01 : f32
    %mul3A_46 = vector.broadcast %mul3A_45 : f32 to vector<1024x64xf32>
    %mul3A_47 = arith.mulf %mul3A_46, %add3A_41 : vector<1024x64xf32>
    %select_n3A_48 = arith.select %ge3A_44, %add3A_41, %mul3A_47 : vector<1024x64xi1>, vector<1024x64xf32>
    %swap3A = arith.constant 0 : index
    %swap3A_49 = arith.constant 0 : index
    %swap3A_50 = arith.constant 0 : index
    %swap3A_51 = vector.load %arg6[%swap3A, %swap3A_49, %swap3A_50] : memref<1x1024x64xf32, #tpu.memory_space<vmem>>, vector<1x1024x64xf32>
    %swap3A_52 = vector.shape_cast %swap3A_51 : vector<1x1024x64xf32> to vector<1024x64xf32>
    %swap3A_53 = vector.shape_cast %select_n3A_48 : vector<1024x64xf32> to vector<1x1024x64xf32>
    tpu.vector_store %arg6[%swap3A, %swap3A_49, %swap3A_50], %swap3A_53 {strides = array<i32>} : memref<1x1024x64xf32, #tpu.memory_space<vmem>>, vector<1x1024x64xf32>,
    return
  }
  func.func @transform_0(%arg0: i32) -> (i32, i32, i32) {
    %c0_i32 = arith.constant 0 : i32
    %c0_i32_0 = arith.constant 0 : i32
    %c0_i32_1 = arith.constant 0 : i32
    return %arg0, %c0_i32, %c0_i32_0 : i32, i32, i32
  }
  func.func @transform_1(%arg0: i32) -> (i32, i32, i32) {
    %c0_i32 = arith.constant 0 : i32
    %c0_i32_0 = arith.constant 0 : i32
    %c0_i32_1 = arith.constant 0 : i32
    return %arg0, %c0_i32, %c0_i32_0 : i32, i32, i32
  }
  func.func @transform_2(%arg0: i32) -> (i32, i32, i32, i32) {
    %c0_i32 = arith.constant 0 : i32
    %c0_i32_0 = arith.constant 0 : i32
    %c0_i32_1 = arith.constant 0 : i32
    %c0_i32_2 = arith.constant 0 : i32
    %c0_i32_3 = arith.constant 0 : i32
    return %c0_i32, %c0_i32_0, %c0_i32_1, %c0_i32_2 : i32, i32, i32, i32
  }
  func.func @transform_3(%arg0: i32) -> i32 {
    %c0_i32 = arith.constant 0 : i32
    %c0_i32_0 = arith.constant 0 : i32
    return %c0_i32 : i32
  }
  func.func @transform_4(%arg0: i32) -> i32 {
    %c0_i32 = arith.constant 0 : i32
    %c0_i32_0 = arith.constant 0 : i32
    return %c0_i32 : i32
  }
  func.func @transform_5(%arg0: i32) -> (i32, i32, i32) {
    %c0_i32 = arith.constant 0 : i32
    %c0_i32_0 = arith.constant 0 : i32
    %c0_i32_1 = arith.constant 0 : i32
    return %arg0, %c0_i32, %c0_i32_0 : i32, i32, i32
  }
}

module attributes {stable_mosaic.version = 14 : i64} {
  func.func @_front_body(%arg0: i32, %arg1: memref<1x1024x64xf32, #tpu.memory_space<vmem>>, %arg2: memref<1x1024x20xi32, #tpu.memory_space<vmem>>) attributes {dimension_semantics = [#tpu.dimension_semantics<arbitrary>], iteration_bounds = array<i64: 8>, scalar_prefetch = 0 : i64, scratch_operands = 0 : i64, tpu.core_type = #tpu.core_type<tc>, window_params = [{transform_indices = @transform_0, window_bounds = array<i64: 1, 1024, 64>}, {transform_indices = @transform_1, window_bounds = array<i64: 1, 1024, 20>}]} {
    %get3A = arith.constant 0 : index
    %get3A_0 = arith.constant 0 : index
    %get3A_1 = arith.constant 0 : index
    %get3A_2 = vector.load %arg1[%get3A, %get3A_0, %get3A_1] : memref<1x1024x64xf32, #tpu.memory_space<vmem>>, vector<1x1024x64xf32>
    %get3A_3 = vector.shape_cast %get3A_2 : vector<1x1024x64xf32> to vector<1024x64xf32>
    %mul3A = arith.mulf %get3A_3, %get3A_3 : vector<1024x64xf32>
    %reduce_sum3A = arith.constant dense<0.000000e+00> : vector<1024xf32>
    %reduce_sum3A_4 = vector.multi_reduction <add>, %mul3A, %reduce_sum3A [1] : vector<1024x64xf32> to vector<1024xf32>
    %dot_general3A = arith.constant dense<0.000000e+00> : vector<1024x1024xf32>
    %dot_general3A_5 = tpu.matmul %get3A_3, %get3A_3, %dot_general3A {dimension_numbers = #tpu.dot_dimension_numbers<[1], [1], [0], [0], [0, 0, 1, 0], [], []>, transpose_lhs_hint = false} : vector<1024x64xf32>, vector<1024x64xf32>, vector<1024x1024xf32> -> vector<1024x1024xf32>
    %mul3A_6 = arith.constant 2.000000e+00 : f32
    %mul3A_7 = vector.broadcast %mul3A_6 : f32 to vector<1024x1024xf32>
    %mul3A_8 = arith.mulf %mul3A_7, %dot_general3A_5 : vector<1024x1024xf32>
    %broadcast_in_dim3A = vector.shape_cast %reduce_sum3A_4 : vector<1024xf32> to vector<1024x1xf32>
    %sub3A = vector.broadcast %broadcast_in_dim3A : vector<1024x1xf32> to vector<1024x1024xf32>
    %sub3A_9 = arith.subf %mul3A_8, %sub3A : vector<1024x1024xf32>
    %broadcast_in_dim3A_10 = vector.shape_cast %reduce_sum3A_4 : vector<1024xf32> to vector<1x1024xf32>
    %sub3A_11 = vector.broadcast %broadcast_in_dim3A_10 : vector<1x1024xf32> to vector<1024x1024xf32>
    %sub3A_12 = arith.subf %sub3A_9, %sub3A_11 : vector<1024x1024xf32>
    %iota3A = tpu.iota {dimensions = array<i32: 1>} : vector<1024x1024xi32>
    %reduce_max3A = arith.constant dense<0xFF800000> : vector<1024xf32>
    %reduce_max3A_13 = vector.multi_reduction <maximumf>, %sub3A_12, %reduce_max3A [1] : vector<1024x1024xf32> to vector<1024xf32>
    %broadcast_in_dim3A_14 = vector.shape_cast %reduce_max3A_13 : vector<1024xf32> to vector<1024x1xf32>
    %eq3A = vector.broadcast %broadcast_in_dim3A_14 : vector<1024x1xf32> to vector<1024x1024xf32>
    %eq3A_15 = arith.cmpf oeq, %sub3A_12, %eq3A : vector<1024x1024xf32>
    %jit3A = arith.constant 1024 : i32
    %broadcast_in_dim3A_16 = vector.broadcast %jit3A : i32 to vector<1024x1024xi32>
    %select_n3A = arith.select %eq3A_15, %iota3A, %broadcast_in_dim3A_16 : vector<1024x1024xi1>, vector<1024x1024xi32>
    %reduce_min3A = arith.constant dense<2147483647> : vector<1024xi32>
    %reduce_min3A_17 = vector.multi_reduction <minsi>, %select_n3A, %reduce_min3A [1] : vector<1024x1024xi32> to vector<1024xi32>
    %broadcast_in_dim3A_18 = vector.shape_cast %reduce_min3A_17 : vector<1024xi32> to vector<1024x1xi32>
    %eq3A_19 = vector.broadcast %broadcast_in_dim3A_18 : vector<1024x1xi32> to vector<1024x1024xi32>
    %eq3A_20 = arith.cmpi eq, %iota3A, %eq3A_19 : vector<1024x1024xi32>
    %jit3A_21 = arith.constant -3.000000e+38 : f32
    %broadcast_in_dim3A_22 = vector.broadcast %jit3A_21 : f32 to vector<1024x1024xf32>
    %select_n3A_23 = arith.select %eq3A_20, %broadcast_in_dim3A_22, %sub3A_12 : vector<1024x1024xi1>, vector<1024x1024xf32>
    %reduce_max3A_24 = arith.constant dense<0xFF800000> : vector<1024xf32>
    %reduce_max3A_25 = vector.multi_reduction <maximumf>, %select_n3A_23, %reduce_max3A_24 [1] : vector<1024x1024xf32> to vector<1024xf32>
    %broadcast_in_dim3A_26 = vector.shape_cast %reduce_max3A_25 : vector<1024xf32> to vector<1024x1xf32>
    %eq3A_27 = vector.broadcast %broadcast_in_dim3A_26 : vector<1024x1xf32> to vector<1024x1024xf32>
    %eq3A_28 = arith.cmpf oeq, %select_n3A_23, %eq3A_27 : vector<1024x1024xf32>
    %jit3A_29 = arith.constant 1024 : i32
    %broadcast_in_dim3A_30 = vector.broadcast %jit3A_29 : i32 to vector<1024x1024xi32>
    %select_n3A_31 = arith.select %eq3A_28, %iota3A, %broadcast_in_dim3A_30 : vector<1024x1024xi1>, vector<1024x1024xi32>
    %reduce_min3A_32 = arith.constant dense<2147483647> : vector<1024xi32>
    %reduce_min3A_33 = vector.multi_reduction <minsi>, %select_n3A_31, %reduce_min3A_32 [1] : vector<1024x1024xi32> to vector<1024xi32>
    %broadcast_in_dim3A_34 = vector.shape_cast %reduce_min3A_33 : vector<1024xi32> to vector<1024x1xi32>
    %eq3A_35 = vector.broadcast %broadcast_in_dim3A_34 : vector<1024x1xi32> to vector<1024x1024xi32>
    %eq3A_36 = arith.cmpi eq, %iota3A, %eq3A_35 : vector<1024x1024xi32>
    %jit3A_37 = arith.constant -3.000000e+38 : f32
    %broadcast_in_dim3A_38 = vector.broadcast %jit3A_37 : f32 to vector<1024x1024xf32>
    %select_n3A_39 = arith.select %eq3A_36, %broadcast_in_dim3A_38, %select_n3A_23 : vector<1024x1024xi1>, vector<1024x1024xf32>
    %reduce_max3A_40 = arith.constant dense<0xFF800000> : vector<1024xf32>
    %reduce_max3A_41 = vector.multi_reduction <maximumf>, %select_n3A_39, %reduce_max3A_40 [1] : vector<1024x1024xf32> to vector<1024xf32>
    %broadcast_in_dim3A_42 = vector.shape_cast %reduce_max3A_41 : vector<1024xf32> to vector<1024x1xf32>
    %eq3A_43 = vector.broadcast %broadcast_in_dim3A_42 : vector<1024x1xf32> to vector<1024x1024xf32>
    %eq3A_44 = arith.cmpf oeq, %select_n3A_39, %eq3A_43 : vector<1024x1024xf32>
    %jit3A_45 = arith.constant 1024 : i32
    %broadcast_in_dim3A_46 = vector.broadcast %jit3A_45 : i32 to vector<1024x1024xi32>
    %select_n3A_47 = arith.select %eq3A_44, %iota3A, %broadcast_in_dim3A_46 : vector<1024x1024xi1>, vector<1024x1024xi32>
    %reduce_min3A_48 = arith.constant dense<2147483647> : vector<1024xi32>
    %reduce_min3A_49 = vector.multi_reduction <minsi>, %select_n3A_47, %reduce_min3A_48 [1] : vector<1024x1024xi32> to vector<1024xi32>
    %broadcast_in_dim3A_50 = vector.shape_cast %reduce_min3A_49 : vector<1024xi32> to vector<1024x1xi32>
    %eq3A_51 = vector.broadcast %broadcast_in_dim3A_50 : vector<1024x1xi32> to vector<1024x1024xi32>
    %eq3A_52 = arith.cmpi eq, %iota3A, %eq3A_51 : vector<1024x1024xi32>
    %jit3A_53 = arith.constant -3.000000e+38 : f32
    %broadcast_in_dim3A_54 = vector.broadcast %jit3A_53 : f32 to vector<1024x1024xf32>
    %select_n3A_55 = arith.select %eq3A_52, %broadcast_in_dim3A_54, %select_n3A_39 : vector<1024x1024xi1>, vector<1024x1024xf32>
    %reduce_max3A_56 = arith.constant dense<0xFF800000> : vector<1024xf32>
    %reduce_max3A_57 = vector.multi_reduction <maximumf>, %select_n3A_55, %reduce_max3A_56 [1] : vector<1024x1024xf32> to vector<1024xf32>
    %broadcast_in_dim3A_58 = vector.shape_cast %reduce_max3A_57 : vector<1024xf32> to vector<1024x1xf32>
    %eq3A_59 = vector.broadcast %broadcast_in_dim3A_58 : vector<1024x1xf32> to vector<1024x1024xf32>
    %eq3A_60 = arith.cmpf oeq, %select_n3A_55, %eq3A_59 : vector<1024x1024xf32>
    %jit3A_61 = arith.constant 1024 : i32
    %broadcast_in_dim3A_62 = vector.broadcast %jit3A_61 : i32 to vector<1024x1024xi32>
    %select_n3A_63 = arith.select %eq3A_60, %iota3A, %broadcast_in_dim3A_62 : vector<1024x1024xi1>, vector<1024x1024xi32>
    %reduce_min3A_64 = arith.constant dense<2147483647> : vector<1024xi32>
    %reduce_min3A_65 = vector.multi_reduction <minsi>, %select_n3A_63, %reduce_min3A_64 [1] : vector<1024x1024xi32> to vector<1024xi32>
    %broadcast_in_dim3A_66 = vector.shape_cast %reduce_min3A_65 : vector<1024xi32> to vector<1024x1xi32>
    %eq3A_67 = vector.broadcast %broadcast_in_dim3A_66 : vector<1024x1xi32> to vector<1024x1024xi32>
    %eq3A_68 = arith.cmpi eq, %iota3A, %eq3A_67 : vector<1024x1024xi32>
    %jit3A_69 = arith.constant -3.000000e+38 : f32
    %broadcast_in_dim3A_70 = vector.broadcast %jit3A_69 : f32 to vector<1024x1024xf32>
    %select_n3A_71 = arith.select %eq3A_68, %broadcast_in_dim3A_70, %select_n3A_55 : vector<1024x1024xi1>, vector<1024x1024xf32>
    %reduce_max3A_72 = arith.constant dense<0xFF800000> : vector<1024xf32>
    %reduce_max3A_73 = vector.multi_reduction <maximumf>, %select_n3A_71, %reduce_max3A_72 [1] : vector<1024x1024xf32> to vector<1024xf32>
    %broadcast_in_dim3A_74 = vector.shape_cast %reduce_max3A_73 : vector<1024xf32> to vector<1024x1xf32>
    %eq3A_75 = vector.broadcast %broadcast_in_dim3A_74 : vector<1024x1xf32> to vector<1024x1024xf32>
    %eq3A_76 = arith.cmpf oeq, %select_n3A_71, %eq3A_75 : vector<1024x1024xf32>
    %jit3A_77 = arith.constant 1024 : i32
    %broadcast_in_dim3A_78 = vector.broadcast %jit3A_77 : i32 to vector<1024x1024xi32>
    %select_n3A_79 = arith.select %eq3A_76, %iota3A, %broadcast_in_dim3A_78 : vector<1024x1024xi1>, vector<1024x1024xi32>
    %reduce_min3A_80 = arith.constant dense<2147483647> : vector<1024xi32>
    %reduce_min3A_81 = vector.multi_reduction <minsi>, %select_n3A_79, %reduce_min3A_80 [1] : vector<1024x1024xi32> to vector<1024xi32>
    %broadcast_in_dim3A_82 = vector.shape_cast %reduce_min3A_81 : vector<1024xi32> to vector<1024x1xi32>
    %eq3A_83 = vector.broadcast %broadcast_in_dim3A_82 : vector<1024x1xi32> to vector<1024x1024xi32>
    %eq3A_84 = arith.cmpi eq, %iota3A, %eq3A_83 : vector<1024x1024xi32>
    %jit3A_85 = arith.constant -3.000000e+38 : f32
    %broadcast_in_dim3A_86 = vector.broadcast %jit3A_85 : f32 to vector<1024x1024xf32>
    %select_n3A_87 = arith.select %eq3A_84, %broadcast_in_dim3A_86, %select_n3A_71 : vector<1024x1024xi1>, vector<1024x1024xf32>
    %reduce_max3A_88 = arith.constant dense<0xFF800000> : vector<1024xf32>
    %reduce_max3A_89 = vector.multi_reduction <maximumf>, %select_n3A_87, %reduce_max3A_88 [1] : vector<1024x1024xf32> to vector<1024xf32>
    %broadcast_in_dim3A_90 = vector.shape_cast %reduce_max3A_89 : vector<1024xf32> to vector<1024x1xf32>
    %eq3A_91 = vector.broadcast %broadcast_in_dim3A_90 : vector<1024x1xf32> to vector<1024x1024xf32>
    %eq3A_92 = arith.cmpf oeq, %select_n3A_87, %eq3A_91 : vector<1024x1024xf32>
    %jit3A_93 = arith.constant 1024 : i32
    %broadcast_in_dim3A_94 = vector.broadcast %jit3A_93 : i32 to vector<1024x1024xi32>
    %select_n3A_95 = arith.select %eq3A_92, %iota3A, %broadcast_in_dim3A_94 : vector<1024x1024xi1>, vector<1024x1024xi32>
    %reduce_min3A_96 = arith.constant dense<2147483647> : vector<1024xi32>
    %reduce_min3A_97 = vector.multi_reduction <minsi>, %select_n3A_95, %reduce_min3A_96 [1] : vector<1024x1024xi32> to vector<1024xi32>
    %broadcast_in_dim3A_98 = vector.shape_cast %reduce_min3A_97 : vector<1024xi32> to vector<1024x1xi32>
    %eq3A_99 = vector.broadcast %broadcast_in_dim3A_98 : vector<1024x1xi32> to vector<1024x1024xi32>
    %eq3A_100 = arith.cmpi eq, %iota3A, %eq3A_99 : vector<1024x1024xi32>
    %jit3A_101 = arith.constant -3.000000e+38 : f32
    %broadcast_in_dim3A_102 = vector.broadcast %jit3A_101 : f32 to vector<1024x1024xf32>
    %select_n3A_103 = arith.select %eq3A_100, %broadcast_in_dim3A_102, %select_n3A_87 : vector<1024x1024xi1>, vector<1024x1024xf32>
    %reduce_max3A_104 = arith.constant dense<0xFF800000> : vector<1024xf32>
    %reduce_max3A_105 = vector.multi_reduction <maximumf>, %select_n3A_103, %reduce_max3A_104 [1] : vector<1024x1024xf32> to vector<1024xf32>
    %broadcast_in_dim3A_106 = vector.shape_cast %reduce_max3A_105 : vector<1024xf32> to vector<1024x1xf32>
    %eq3A_107 = vector.broadcast %broadcast_in_dim3A_106 : vector<1024x1xf32> to vector<1024x1024xf32>
    %eq3A_108 = arith.cmpf oeq, %select_n3A_103, %eq3A_107 : vector<1024x1024xf32>
    %jit3A_109 = arith.constant 1024 : i32
    %broadcast_in_dim3A_110 = vector.broadcast %jit3A_109 : i32 to vector<1024x1024xi32>
    %select_n3A_111 = arith.select %eq3A_108, %iota3A, %broadcast_in_dim3A_110 : vector<1024x1024xi1>, vector<1024x1024xi32>
    %reduce_min3A_112 = arith.constant dense<2147483647> : vector<1024xi32>
    %reduce_min3A_113 = vector.multi_reduction <minsi>, %select_n3A_111, %reduce_min3A_112 [1] : vector<1024x1024xi32> to vector<1024xi32>
    %broadcast_in_dim3A_114 = vector.shape_cast %reduce_min3A_113 : vector<1024xi32> to vector<1024x1xi32>
    %eq3A_115 = vector.broadcast %broadcast_in_dim3A_114 : vector<1024x1xi32> to vector<1024x1024xi32>
    %eq3A_116 = arith.cmpi eq, %iota3A, %eq3A_115 : vector<1024x1024xi32>
    %jit3A_117 = arith.constant -3.000000e+38 : f32
    %broadcast_in_dim3A_118 = vector.broadcast %jit3A_117 : f32 to vector<1024x1024xf32>
    %select_n3A_119 = arith.select %eq3A_116, %broadcast_in_dim3A_118, %select_n3A_103 : vector<1024x1024xi1>, vector<1024x1024xf32>
    %reduce_max3A_120 = arith.constant dense<0xFF800000> : vector<1024xf32>
    %reduce_max3A_121 = vector.multi_reduction <maximumf>, %select_n3A_119, %reduce_max3A_120 [1] : vector<1024x1024xf32> to vector<1024xf32>
    %broadcast_in_dim3A_122 = vector.shape_cast %reduce_max3A_121 : vector<1024xf32> to vector<1024x1xf32>
    %eq3A_123 = vector.broadcast %broadcast_in_dim3A_122 : vector<1024x1xf32> to vector<1024x1024xf32>
    %eq3A_124 = arith.cmpf oeq, %select_n3A_119, %eq3A_123 : vector<1024x1024xf32>
    %jit3A_125 = arith.constant 1024 : i32
    %broadcast_in_dim3A_126 = vector.broadcast %jit3A_125 : i32 to vector<1024x1024xi32>
    %select_n3A_127 = arith.select %eq3A_124, %iota3A, %broadcast_in_dim3A_126 : vector<1024x1024xi1>, vector<1024x1024xi32>
    %reduce_min3A_128 = arith.constant dense<2147483647> : vector<1024xi32>
    %reduce_min3A_129 = vector.multi_reduction <minsi>, %select_n3A_127, %reduce_min3A_128 [1] : vector<1024x1024xi32> to vector<1024xi32>
    %broadcast_in_dim3A_130 = vector.shape_cast %reduce_min3A_129 : vector<1024xi32> to vector<1024x1xi32>
    %eq3A_131 = vector.broadcast %broadcast_in_dim3A_130 : vector<1024x1xi32> to vector<1024x1024xi32>
    %eq3A_132 = arith.cmpi eq, %iota3A, %eq3A_131 : vector<1024x1024xi32>
    %jit3A_133 = arith.constant -3.000000e+38 : f32
    %broadcast_in_dim3A_134 = vector.broadcast %jit3A_133 : f32 to vector<1024x1024xf32>
    %select_n3A_135 = arith.select %eq3A_132, %broadcast_in_dim3A_134, %select_n3A_119 : vector<1024x1024xi1>, vector<1024x1024xf32>
    %reduce_max3A_136 = arith.constant dense<0xFF800000> : vector<1024xf32>
    %reduce_max3A_137 = vector.multi_reduction <maximumf>, %select_n3A_135, %reduce_max3A_136 [1] : vector<1024x1024xf32> to vector<1024xf32>
    %broadcast_in_dim3A_138 = vector.shape_cast %reduce_max3A_137 : vector<1024xf32> to vector<1024x1xf32>
    %eq3A_139 = vector.broadcast %broadcast_in_dim3A_138 : vector<1024x1xf32> to vector<1024x1024xf32>
    %eq3A_140 = arith.cmpf oeq, %select_n3A_135, %eq3A_139 : vector<1024x1024xf32>
    %jit3A_141 = arith.constant 1024 : i32
    %broadcast_in_dim3A_142 = vector.broadcast %jit3A_141 : i32 to vector<1024x1024xi32>
    %select_n3A_143 = arith.select %eq3A_140, %iota3A, %broadcast_in_dim3A_142 : vector<1024x1024xi1>, vector<1024x1024xi32>
    %reduce_min3A_144 = arith.constant dense<2147483647> : vector<1024xi32>
    %reduce_min3A_145 = vector.multi_reduction <minsi>, %select_n3A_143, %reduce_min3A_144 [1] : vector<1024x1024xi32> to vector<1024xi32>
    %broadcast_in_dim3A_146 = vector.shape_cast %reduce_min3A_145 : vector<1024xi32> to vector<1024x1xi32>
    %eq3A_147 = vector.broadcast %broadcast_in_dim3A_146 : vector<1024x1xi32> to vector<1024x1024xi32>
    %eq3A_148 = arith.cmpi eq, %iota3A, %eq3A_147 : vector<1024x1024xi32>
    %jit3A_149 = arith.constant -3.000000e+38 : f32
    %broadcast_in_dim3A_150 = vector.broadcast %jit3A_149 : f32 to vector<1024x1024xf32>
    %select_n3A_151 = arith.select %eq3A_148, %broadcast_in_dim3A_150, %select_n3A_135 : vector<1024x1024xi1>, vector<1024x1024xf32>
    %reduce_max3A_152 = arith.constant dense<0xFF800000> : vector<1024xf32>
    %reduce_max3A_153 = vector.multi_reduction <maximumf>, %select_n3A_151, %reduce_max3A_152 [1] : vector<1024x1024xf32> to vector<1024xf32>
    %broadcast_in_dim3A_154 = vector.shape_cast %reduce_max3A_153 : vector<1024xf32> to vector<1024x1xf32>
    %eq3A_155 = vector.broadcast %broadcast_in_dim3A_154 : vector<1024x1xf32> to vector<1024x1024xf32>
    %eq3A_156 = arith.cmpf oeq, %select_n3A_151, %eq3A_155 : vector<1024x1024xf32>
    %jit3A_157 = arith.constant 1024 : i32
    %broadcast_in_dim3A_158 = vector.broadcast %jit3A_157 : i32 to vector<1024x1024xi32>
    %select_n3A_159 = arith.select %eq3A_156, %iota3A, %broadcast_in_dim3A_158 : vector<1024x1024xi1>, vector<1024x1024xi32>
    %reduce_min3A_160 = arith.constant dense<2147483647> : vector<1024xi32>
    %reduce_min3A_161 = vector.multi_reduction <minsi>, %select_n3A_159, %reduce_min3A_160 [1] : vector<1024x1024xi32> to vector<1024xi32>
    %broadcast_in_dim3A_162 = vector.shape_cast %reduce_min3A_161 : vector<1024xi32> to vector<1024x1xi32>
    %eq3A_163 = vector.broadcast %broadcast_in_dim3A_162 : vector<1024x1xi32> to vector<1024x1024xi32>
    %eq3A_164 = arith.cmpi eq, %iota3A, %eq3A_163 : vector<1024x1024xi32>
    %jit3A_165 = arith.constant -3.000000e+38 : f32
    %broadcast_in_dim3A_166 = vector.broadcast %jit3A_165 : f32 to vector<1024x1024xf32>
    %select_n3A_167 = arith.select %eq3A_164, %broadcast_in_dim3A_166, %select_n3A_151 : vector<1024x1024xi1>, vector<1024x1024xf32>
    %reduce_max3A_168 = arith.constant dense<0xFF800000> : vector<1024xf32>
    %reduce_max3A_169 = vector.multi_reduction <maximumf>, %select_n3A_167, %reduce_max3A_168 [1] : vector<1024x1024xf32> to vector<1024xf32>
    %broadcast_in_dim3A_170 = vector.shape_cast %reduce_max3A_169 : vector<1024xf32> to vector<1024x1xf32>
    %eq3A_171 = vector.broadcast %broadcast_in_dim3A_170 : vector<1024x1xf32> to vector<1024x1024xf32>
    %eq3A_172 = arith.cmpf oeq, %select_n3A_167, %eq3A_171 : vector<1024x1024xf32>
    %jit3A_173 = arith.constant 1024 : i32
    %broadcast_in_dim3A_174 = vector.broadcast %jit3A_173 : i32 to vector<1024x1024xi32>
    %select_n3A_175 = arith.select %eq3A_172, %iota3A, %broadcast_in_dim3A_174 : vector<1024x1024xi1>, vector<1024x1024xi32>
    %reduce_min3A_176 = arith.constant dense<2147483647> : vector<1024xi32>
    %reduce_min3A_177 = vector.multi_reduction <minsi>, %select_n3A_175, %reduce_min3A_176 [1] : vector<1024x1024xi32> to vector<1024xi32>
    %broadcast_in_dim3A_178 = vector.shape_cast %reduce_min3A_177 : vector<1024xi32> to vector<1024x1xi32>
    %eq3A_179 = vector.broadcast %broadcast_in_dim3A_178 : vector<1024x1xi32> to vector<1024x1024xi32>
    %eq3A_180 = arith.cmpi eq, %iota3A, %eq3A_179 : vector<1024x1024xi32>
    %jit3A_181 = arith.constant -3.000000e+38 : f32
    %broadcast_in_dim3A_182 = vector.broadcast %jit3A_181 : f32 to vector<1024x1024xf32>
    %select_n3A_183 = arith.select %eq3A_180, %broadcast_in_dim3A_182, %select_n3A_167 : vector<1024x1024xi1>, vector<1024x1024xf32>
    %reduce_max3A_184 = arith.constant dense<0xFF800000> : vector<1024xf32>
    %reduce_max3A_185 = vector.multi_reduction <maximumf>, %select_n3A_183, %reduce_max3A_184 [1] : vector<1024x1024xf32> to vector<1024xf32>
    %broadcast_in_dim3A_186 = vector.shape_cast %reduce_max3A_185 : vector<1024xf32> to vector<1024x1xf32>
    %eq3A_187 = vector.broadcast %broadcast_in_dim3A_186 : vector<1024x1xf32> to vector<1024x1024xf32>
    %eq3A_188 = arith.cmpf oeq, %select_n3A_183, %eq3A_187 : vector<1024x1024xf32>
    %jit3A_189 = arith.constant 1024 : i32
    %broadcast_in_dim3A_190 = vector.broadcast %jit3A_189 : i32 to vector<1024x1024xi32>
    %select_n3A_191 = arith.select %eq3A_188, %iota3A, %broadcast_in_dim3A_190 : vector<1024x1024xi1>, vector<1024x1024xi32>
    %reduce_min3A_192 = arith.constant dense<2147483647> : vector<1024xi32>
    %reduce_min3A_193 = vector.multi_reduction <minsi>, %select_n3A_191, %reduce_min3A_192 [1] : vector<1024x1024xi32> to vector<1024xi32>
    %broadcast_in_dim3A_194 = vector.shape_cast %reduce_min3A_193 : vector<1024xi32> to vector<1024x1xi32>
    %eq3A_195 = vector.broadcast %broadcast_in_dim3A_194 : vector<1024x1xi32> to vector<1024x1024xi32>
    %eq3A_196 = arith.cmpi eq, %iota3A, %eq3A_195 : vector<1024x1024xi32>
    %jit3A_197 = arith.constant -3.000000e+38 : f32
    %broadcast_in_dim3A_198 = vector.broadcast %jit3A_197 : f32 to vector<1024x1024xf32>
    %select_n3A_199 = arith.select %eq3A_196, %broadcast_in_dim3A_198, %select_n3A_183 : vector<1024x1024xi1>, vector<1024x1024xf32>
    %reduce_max3A_200 = arith.constant dense<0xFF800000> : vector<1024xf32>
    %reduce_max3A_201 = vector.multi_reduction <maximumf>, %select_n3A_199, %reduce_max3A_200 [1] : vector<1024x1024xf32> to vector<1024xf32>
    %broadcast_in_dim3A_202 = vector.shape_cast %reduce_max3A_201 : vector<1024xf32> to vector<1024x1xf32>
    %eq3A_203 = vector.broadcast %broadcast_in_dim3A_202 : vector<1024x1xf32> to vector<1024x1024xf32>
    %eq3A_204 = arith.cmpf oeq, %select_n3A_199, %eq3A_203 : vector<1024x1024xf32>
    %jit3A_205 = arith.constant 1024 : i32
    %broadcast_in_dim3A_206 = vector.broadcast %jit3A_205 : i32 to vector<1024x1024xi32>
    %select_n3A_207 = arith.select %eq3A_204, %iota3A, %broadcast_in_dim3A_206 : vector<1024x1024xi1>, vector<1024x1024xi32>
    %reduce_min3A_208 = arith.constant dense<2147483647> : vector<1024xi32>
    %reduce_min3A_209 = vector.multi_reduction <minsi>, %select_n3A_207, %reduce_min3A_208 [1] : vector<1024x1024xi32> to vector<1024xi32>
    %broadcast_in_dim3A_210 = vector.shape_cast %reduce_min3A_209 : vector<1024xi32> to vector<1024x1xi32>
    %eq3A_211 = vector.broadcast %broadcast_in_dim3A_210 : vector<1024x1xi32> to vector<1024x1024xi32>
    %eq3A_212 = arith.cmpi eq, %iota3A, %eq3A_211 : vector<1024x1024xi32>
    %jit3A_213 = arith.constant -3.000000e+38 : f32
    %broadcast_in_dim3A_214 = vector.broadcast %jit3A_213 : f32 to vector<1024x1024xf32>
    %select_n3A_215 = arith.select %eq3A_212, %broadcast_in_dim3A_214, %select_n3A_199 : vector<1024x1024xi1>, vector<1024x1024xf32>
    %reduce_max3A_216 = arith.constant dense<0xFF800000> : vector<1024xf32>
    %reduce_max3A_217 = vector.multi_reduction <maximumf>, %select_n3A_215, %reduce_max3A_216 [1] : vector<1024x1024xf32> to vector<1024xf32>
    %broadcast_in_dim3A_218 = vector.shape_cast %reduce_max3A_217 : vector<1024xf32> to vector<1024x1xf32>
    %eq3A_219 = vector.broadcast %broadcast_in_dim3A_218 : vector<1024x1xf32> to vector<1024x1024xf32>
    %eq3A_220 = arith.cmpf oeq, %select_n3A_215, %eq3A_219 : vector<1024x1024xf32>
    %jit3A_221 = arith.constant 1024 : i32
    %broadcast_in_dim3A_222 = vector.broadcast %jit3A_221 : i32 to vector<1024x1024xi32>
    %select_n3A_223 = arith.select %eq3A_220, %iota3A, %broadcast_in_dim3A_222 : vector<1024x1024xi1>, vector<1024x1024xi32>
    %reduce_min3A_224 = arith.constant dense<2147483647> : vector<1024xi32>
    %reduce_min3A_225 = vector.multi_reduction <minsi>, %select_n3A_223, %reduce_min3A_224 [1] : vector<1024x1024xi32> to vector<1024xi32>
    %broadcast_in_dim3A_226 = vector.shape_cast %reduce_min3A_225 : vector<1024xi32> to vector<1024x1xi32>
    %eq3A_227 = vector.broadcast %broadcast_in_dim3A_226 : vector<1024x1xi32> to vector<1024x1024xi32>
    %eq3A_228 = arith.cmpi eq, %iota3A, %eq3A_227 : vector<1024x1024xi32>
    %jit3A_229 = arith.constant -3.000000e+38 : f32
    %broadcast_in_dim3A_230 = vector.broadcast %jit3A_229 : f32 to vector<1024x1024xf32>
    %select_n3A_231 = arith.select %eq3A_228, %broadcast_in_dim3A_230, %select_n3A_215 : vector<1024x1024xi1>, vector<1024x1024xf32>
    %reduce_max3A_232 = arith.constant dense<0xFF800000> : vector<1024xf32>
    %reduce_max3A_233 = vector.multi_reduction <maximumf>, %select_n3A_231, %reduce_max3A_232 [1] : vector<1024x1024xf32> to vector<1024xf32>
    %broadcast_in_dim3A_234 = vector.shape_cast %reduce_max3A_233 : vector<1024xf32> to vector<1024x1xf32>
    %eq3A_235 = vector.broadcast %broadcast_in_dim3A_234 : vector<1024x1xf32> to vector<1024x1024xf32>
    %eq3A_236 = arith.cmpf oeq, %select_n3A_231, %eq3A_235 : vector<1024x1024xf32>
    %jit3A_237 = arith.constant 1024 : i32
    %broadcast_in_dim3A_238 = vector.broadcast %jit3A_237 : i32 to vector<1024x1024xi32>
    %select_n3A_239 = arith.select %eq3A_236, %iota3A, %broadcast_in_dim3A_238 : vector<1024x1024xi1>, vector<1024x1024xi32>
    %reduce_min3A_240 = arith.constant dense<2147483647> : vector<1024xi32>
    %reduce_min3A_241 = vector.multi_reduction <minsi>, %select_n3A_239, %reduce_min3A_240 [1] : vector<1024x1024xi32> to vector<1024xi32>
    %broadcast_in_dim3A_242 = vector.shape_cast %reduce_min3A_241 : vector<1024xi32> to vector<1024x1xi32>
    %eq3A_243 = vector.broadcast %broadcast_in_dim3A_242 : vector<1024x1xi32> to vector<1024x1024xi32>
    %eq3A_244 = arith.cmpi eq, %iota3A, %eq3A_243 : vector<1024x1024xi32>
    %jit3A_245 = arith.constant -3.000000e+38 : f32
    %broadcast_in_dim3A_246 = vector.broadcast %jit3A_245 : f32 to vector<1024x1024xf32>
    %select_n3A_247 = arith.select %eq3A_244, %broadcast_in_dim3A_246, %select_n3A_231 : vector<1024x1024xi1>, vector<1024x1024xf32>
    %reduce_max3A_248 = arith.constant dense<0xFF800000> : vector<1024xf32>
    %reduce_max3A_249 = vector.multi_reduction <maximumf>, %select_n3A_247, %reduce_max3A_248 [1] : vector<1024x1024xf32> to vector<1024xf32>
    %broadcast_in_dim3A_250 = vector.shape_cast %reduce_max3A_249 : vector<1024xf32> to vector<1024x1xf32>
    %eq3A_251 = vector.broadcast %broadcast_in_dim3A_250 : vector<1024x1xf32> to vector<1024x1024xf32>
    %eq3A_252 = arith.cmpf oeq, %select_n3A_247, %eq3A_251 : vector<1024x1024xf32>
    %jit3A_253 = arith.constant 1024 : i32
    %broadcast_in_dim3A_254 = vector.broadcast %jit3A_253 : i32 to vector<1024x1024xi32>
    %select_n3A_255 = arith.select %eq3A_252, %iota3A, %broadcast_in_dim3A_254 : vector<1024x1024xi1>, vector<1024x1024xi32>
    %reduce_min3A_256 = arith.constant dense<2147483647> : vector<1024xi32>
    %reduce_min3A_257 = vector.multi_reduction <minsi>, %select_n3A_255, %reduce_min3A_256 [1] : vector<1024x1024xi32> to vector<1024xi32>
    %broadcast_in_dim3A_258 = vector.shape_cast %reduce_min3A_257 : vector<1024xi32> to vector<1024x1xi32>
    %eq3A_259 = vector.broadcast %broadcast_in_dim3A_258 : vector<1024x1xi32> to vector<1024x1024xi32>
    %eq3A_260 = arith.cmpi eq, %iota3A, %eq3A_259 : vector<1024x1024xi32>
    %jit3A_261 = arith.constant -3.000000e+38 : f32
    %broadcast_in_dim3A_262 = vector.broadcast %jit3A_261 : f32 to vector<1024x1024xf32>
    %select_n3A_263 = arith.select %eq3A_260, %broadcast_in_dim3A_262, %select_n3A_247 : vector<1024x1024xi1>, vector<1024x1024xf32>
    %reduce_max3A_264 = arith.constant dense<0xFF800000> : vector<1024xf32>
    %reduce_max3A_265 = vector.multi_reduction <maximumf>, %select_n3A_263, %reduce_max3A_264 [1] : vector<1024x1024xf32> to vector<1024xf32>
    %broadcast_in_dim3A_266 = vector.shape_cast %reduce_max3A_265 : vector<1024xf32> to vector<1024x1xf32>
    %eq3A_267 = vector.broadcast %broadcast_in_dim3A_266 : vector<1024x1xf32> to vector<1024x1024xf32>
    %eq3A_268 = arith.cmpf oeq, %select_n3A_263, %eq3A_267 : vector<1024x1024xf32>
    %jit3A_269 = arith.constant 1024 : i32
    %broadcast_in_dim3A_270 = vector.broadcast %jit3A_269 : i32 to vector<1024x1024xi32>
    %select_n3A_271 = arith.select %eq3A_268, %iota3A, %broadcast_in_dim3A_270 : vector<1024x1024xi1>, vector<1024x1024xi32>
    %reduce_min3A_272 = arith.constant dense<2147483647> : vector<1024xi32>
    %reduce_min3A_273 = vector.multi_reduction <minsi>, %select_n3A_271, %reduce_min3A_272 [1] : vector<1024x1024xi32> to vector<1024xi32>
    %broadcast_in_dim3A_274 = vector.shape_cast %reduce_min3A_273 : vector<1024xi32> to vector<1024x1xi32>
    %eq3A_275 = vector.broadcast %broadcast_in_dim3A_274 : vector<1024x1xi32> to vector<1024x1024xi32>
    %eq3A_276 = arith.cmpi eq, %iota3A, %eq3A_275 : vector<1024x1024xi32>
    %jit3A_277 = arith.constant -3.000000e+38 : f32
    %broadcast_in_dim3A_278 = vector.broadcast %jit3A_277 : f32 to vector<1024x1024xf32>
    %select_n3A_279 = arith.select %eq3A_276, %broadcast_in_dim3A_278, %select_n3A_263 : vector<1024x1024xi1>, vector<1024x1024xf32>
    %reduce_max3A_280 = arith.constant dense<0xFF800000> : vector<1024xf32>
    %reduce_max3A_281 = vector.multi_reduction <maximumf>, %select_n3A_279, %reduce_max3A_280 [1] : vector<1024x1024xf32> to vector<1024xf32>
    %broadcast_in_dim3A_282 = vector.shape_cast %reduce_max3A_281 : vector<1024xf32> to vector<1024x1xf32>
    %eq3A_283 = vector.broadcast %broadcast_in_dim3A_282 : vector<1024x1xf32> to vector<1024x1024xf32>
    %eq3A_284 = arith.cmpf oeq, %select_n3A_279, %eq3A_283 : vector<1024x1024xf32>
    %jit3A_285 = arith.constant 1024 : i32
    %broadcast_in_dim3A_286 = vector.broadcast %jit3A_285 : i32 to vector<1024x1024xi32>
    %select_n3A_287 = arith.select %eq3A_284, %iota3A, %broadcast_in_dim3A_286 : vector<1024x1024xi1>, vector<1024x1024xi32>
    %reduce_min3A_288 = arith.constant dense<2147483647> : vector<1024xi32>
    %reduce_min3A_289 = vector.multi_reduction <minsi>, %select_n3A_287, %reduce_min3A_288 [1] : vector<1024x1024xi32> to vector<1024xi32>
    %broadcast_in_dim3A_290 = vector.shape_cast %reduce_min3A_289 : vector<1024xi32> to vector<1024x1xi32>
    %eq3A_291 = vector.broadcast %broadcast_in_dim3A_290 : vector<1024x1xi32> to vector<1024x1024xi32>
    %eq3A_292 = arith.cmpi eq, %iota3A, %eq3A_291 : vector<1024x1024xi32>
    %jit3A_293 = arith.constant -3.000000e+38 : f32
    %broadcast_in_dim3A_294 = vector.broadcast %jit3A_293 : f32 to vector<1024x1024xf32>
    %select_n3A_295 = arith.select %eq3A_292, %broadcast_in_dim3A_294, %select_n3A_279 : vector<1024x1024xi1>, vector<1024x1024xf32>
    %reduce_max3A_296 = arith.constant dense<0xFF800000> : vector<1024xf32>
    %reduce_max3A_297 = vector.multi_reduction <maximumf>, %select_n3A_295, %reduce_max3A_296 [1] : vector<1024x1024xf32> to vector<1024xf32>
    %broadcast_in_dim3A_298 = vector.shape_cast %reduce_max3A_297 : vector<1024xf32> to vector<1024x1xf32>
    %eq3A_299 = vector.broadcast %broadcast_in_dim3A_298 : vector<1024x1xf32> to vector<1024x1024xf32>
    %eq3A_300 = arith.cmpf oeq, %select_n3A_295, %eq3A_299 : vector<1024x1024xf32>
    %jit3A_301 = arith.constant 1024 : i32
    %broadcast_in_dim3A_302 = vector.broadcast %jit3A_301 : i32 to vector<1024x1024xi32>
    %select_n3A_303 = arith.select %eq3A_300, %iota3A, %broadcast_in_dim3A_302 : vector<1024x1024xi1>, vector<1024x1024xi32>
    %reduce_min3A_304 = arith.constant dense<2147483647> : vector<1024xi32>
    %reduce_min3A_305 = vector.multi_reduction <minsi>, %select_n3A_303, %reduce_min3A_304 [1] : vector<1024x1024xi32> to vector<1024xi32>
    %broadcast_in_dim3A_306 = vector.shape_cast %reduce_min3A_305 : vector<1024xi32> to vector<1024x1xi32>
    %eq3A_307 = vector.broadcast %broadcast_in_dim3A_306 : vector<1024x1xi32> to vector<1024x1024xi32>
    %eq3A_308 = arith.cmpi eq, %iota3A, %eq3A_307 : vector<1024x1024xi32>
    %jit3A_309 = arith.constant -3.000000e+38 : f32
    %broadcast_in_dim3A_310 = vector.broadcast %jit3A_309 : f32 to vector<1024x1024xf32>
    %select_n3A_311 = arith.select %eq3A_308, %broadcast_in_dim3A_310, %select_n3A_295 : vector<1024x1024xi1>, vector<1024x1024xf32>
    %reduce_max3A_312 = arith.constant dense<0xFF800000> : vector<1024xf32>
    %reduce_max3A_313 = vector.multi_reduction <maximumf>, %select_n3A_311, %reduce_max3A_312 [1] : vector<1024x1024xf32> to vector<1024xf32>
    %broadcast_in_dim3A_314 = vector.shape_cast %reduce_max3A_313 : vector<1024xf32> to vector<1024x1xf32>
    %eq3A_315 = vector.broadcast %broadcast_in_dim3A_314 : vector<1024x1xf32> to vector<1024x1024xf32>
    %eq3A_316 = arith.cmpf oeq, %select_n3A_311, %eq3A_315 : vector<1024x1024xf32>
    %jit3A_317 = arith.constant 1024 : i32
    %broadcast_in_dim3A_318 = vector.broadcast %jit3A_317 : i32 to vector<1024x1024xi32>
    %select_n3A_319 = arith.select %eq3A_316, %iota3A, %broadcast_in_dim3A_318 : vector<1024x1024xi1>, vector<1024x1024xi32>
    %reduce_min3A_320 = arith.constant dense<2147483647> : vector<1024xi32>
    %reduce_min3A_321 = vector.multi_reduction <minsi>, %select_n3A_319, %reduce_min3A_320 [1] : vector<1024x1024xi32> to vector<1024xi32>
    %broadcast_in_dim3A_322 = vector.shape_cast %reduce_min3A_321 : vector<1024xi32> to vector<1024x1xi32>
    %concatenate3A = tpu.concatenate %broadcast_in_dim3A_18, %broadcast_in_dim3A_34, %broadcast_in_dim3A_50, %broadcast_in_dim3A_66, %broadcast_in_dim3A_82, %broadcast_in_dim3A_98, %broadcast_in_dim3A_114, %broadcast_in_dim3A_130, %broadcast_in_dim3A_146, %broadcast_in_dim3A_162, %broadcast_in_dim3A_178, %broadcast_in_dim3A_194, %broadcast_in_dim3A_210, %broadcast_in_dim3A_226, %broadcast_in_dim3A_242, %broadcast_in_dim3A_258, %broadcast_in_dim3A_274, %broadcast_in_dim3A_290, %broadcast_in_dim3A_306, %broadcast_in_dim3A_322 in 1 : vector<1024x1xi32>, vector<1024x1xi32>, vector<1024x1xi32>, vector<1024x1xi32>, vector<1024x1xi32>, vector<1024x1xi32>, vector<1024x1xi32>, vector<1024x1xi32>, vector<1024x1xi32>, vector<1024x1xi32>, vector<1024x1xi32>, vector<1024x1xi32>, vector<1024x1xi32>, vector<1024x1xi32>, vector<1024x1xi32>, vector<1024x1xi32>, vector<1024x1xi32>, vector<1024x1xi32>, vector<1024x1xi32>, vector<1024x1xi32> -> vector<1024x20xi32>
    %mul3A_323 = arith.constant 1024 : i32
    %mul3A_324 = arith.muli %arg0, %mul3A_323 : i32
    %add3A = vector.broadcast %mul3A_324 : i32 to vector<1024x20xi32>
    %add3A_325 = arith.addi %concatenate3A, %add3A : vector<1024x20xi32>
    %swap3A = arith.constant 0 : index
    %swap3A_326 = arith.constant 0 : index
    %swap3A_327 = arith.constant 0 : index
    %swap3A_328 = vector.load %arg2[%swap3A, %swap3A_326, %swap3A_327] : memref<1x1024x20xi32, #tpu.memory_space<vmem>>, vector<1x1024x20xi32>
    %swap3A_329 = vector.shape_cast %swap3A_328 : vector<1x1024x20xi32> to vector<1024x20xi32>
    %swap3A_330 = vector.shape_cast %add3A_325 : vector<1024x20xi32> to vector<1x1024x20xi32>
    tpu.vector_store %arg2[%swap3A, %swap3A_326, %swap3A_327], %swap3A_330 {strides = array<i32>} : memref<1x1024x20xi32, #tpu.memory_space<vmem>>, vector<1x1024x20xi32>,
    return
  }
  func.func @transform_0(%arg0: i32) -> (i32, i32, i32) {
    %c0_i32 = arith.constant 0 : i32
    %c0_i32_0 = arith.constant 0 : i32
    %c0_i32_1 = arith.constant 0 : i32
    return %arg0, %c0_i32, %c0_i32_0 : i32, i32, i32
  }
  func.func @transform_1(%arg0: i32) -> (i32, i32, i32) {
    %c0_i32 = arith.constant 0 : i32
    %c0_i32_0 = arith.constant 0 : i32
    %c0_i32_1 = arith.constant 0 : i32
    return %arg0, %c0_i32, %c0_i32_0 : i32, i32, i32
  }
}

module attributes {stable_mosaic.version = 14 : i64} {
  func.func @_conv_body(%arg0: i32, %arg1: i32, %arg2: memref<1x2560x128xf32, #tpu.memory_space<vmem>>, %arg3: memref<1x128x64xf32, #tpu.memory_space<vmem>>, %arg4: memref<64x128xf32, #tpu.memory_space<vmem>>, %arg5: memref<1x128x64xf32, #tpu.memory_space<vmem>>, %arg6: memref<1x128x64xf32, #tpu.memory_space<vmem>>, %arg7: memref<1x1x2x64xf32, #tpu.memory_space<vmem>>) attributes {dimension_semantics = [#tpu.dimension_semantics<arbitrary>, #tpu.dimension_semantics<arbitrary>], iteration_bounds = array<i64: 8, 8>, scalar_prefetch = 0 : i64, scratch_operands = 0 : i64, tpu.core_type = #tpu.core_type<tc>, window_params = [{transform_indices = @transform_0, window_bounds = array<i64: 1, 2560, 128>}, {transform_indices = @transform_1, window_bounds = array<i64: 1, 128, 64>}, {pipeline_mode = #tpu.pipeline_mode<synchronous>, transform_indices = @transform_2, window_bounds = array<i64: 64, 128>}, {transform_indices = @transform_3, window_bounds = array<i64: 1, 128, 64>}, {transform_indices = @transform_4, window_bounds = array<i64: 1, 128, 64>}, {transform_indices = @transform_5, window_bounds = array<i64: 1, 1, 2, 64>}]} {
    %get3A = arith.constant 0 : index
    %get3A_0 = arith.constant 0 : index
    %get3A_1 = arith.constant 0 : index
    %get3A_2 = vector.load %arg2[%get3A, %get3A_0, %get3A_1] : memref<1x2560x128xf32, #tpu.memory_space<vmem>>, vector<1x2560x128xf32>
    %get3A_3 = vector.shape_cast %get3A_2 : vector<1x2560x128xf32> to vector<2560x128xf32>
    %slice3A = vector.extract_strided_slice %get3A_3 {offsets = [0, 0], sizes = [2560, 64], strides = [1, 1]} : vector<2560x128xf32> to vector<2560x64xf32>
    %get3A_4 = arith.constant 0 : index
    %get3A_5 = arith.constant 0 : index
    %get3A_6 = arith.constant 0 : index
    %get3A_7 = vector.load %arg3[%get3A_4, %get3A_5, %get3A_6] : memref<1x128x64xf32, #tpu.memory_space<vmem>>, vector<1x128x64xf32>
    %get3A_8 = vector.shape_cast %get3A_7 : vector<1x128x64xf32> to vector<128x64xf32>
    %broadcast_in_dim3A = vector.shape_cast %get3A_8 : vector<128x64xf32> to vector<128x1x64xf32>
    %broadcast_in_dim3A_9 = vector.shape_cast %broadcast_in_dim3A : vector<128x1x64xf32> to vector<128x1x64xf32>
    %broadcast_in_dim3A_10 = vector.broadcast %broadcast_in_dim3A_9 : vector<128x1x64xf32> to vector<128x20x64xf32>
    %reshape3A = vector.shape_cast %broadcast_in_dim3A_10 : vector<128x20x64xf32> to vector<2560x64xf32>
    %sub3A = arith.subf %slice3A, %reshape3A : vector<2560x64xf32>
    %concatenate3A = tpu.concatenate %sub3A, %reshape3A in 1 : vector<2560x64xf32>, vector<2560x64xf32> -> vector<2560x128xf32>
    %get3A_11 = arith.constant 0 : index
    %get3A_12 = arith.constant 0 : index
    %get3A_13 = vector.load %arg4[%get3A_11, %get3A_12] : memref<64x128xf32, #tpu.memory_space<vmem>>, vector<64x128xf32>
    %dot_general3A = arith.constant dense<0.000000e+00> : vector<2560x64xf32>
    %dot_general3A_14 = tpu.matmul %concatenate3A, %get3A_13, %dot_general3A {dimension_numbers = #tpu.dot_dimension_numbers<[1], [1], [0], [0], [0, 0, 1, 0], [], []>, transpose_lhs_hint = false} : vector<2560x128xf32>, vector<64x128xf32>, vector<2560x64xf32> -> vector<2560x64xf32>
    %reshape3A_15 = vector.shape_cast %dot_general3A_14 : vector<2560x64xf32> to vector<128x20x64xf32>
    %reduce_max3A = arith.constant dense<0xFF800000> : vector<128x64xf32>
    %reduce_max3A_16 = vector.multi_reduction <maximumf>, %reshape3A_15, %reduce_max3A [1] : vector<128x20x64xf32> to vector<128x64xf32>
    %swap3A = arith.constant 0 : index
    %swap3A_17 = arith.constant 0 : index
    %swap3A_18 = arith.constant 0 : index
    %swap3A_19 = vector.load %arg5[%swap3A, %swap3A_17, %swap3A_18] : memref<1x128x64xf32, #tpu.memory_space<vmem>>, vector<1x128x64xf32>
    %swap3A_20 = vector.shape_cast %swap3A_19 : vector<1x128x64xf32> to vector<128x64xf32>
    %swap3A_21 = vector.shape_cast %reduce_max3A_16 : vector<128x64xf32> to vector<1x128x64xf32>
    tpu.vector_store %arg5[%swap3A, %swap3A_17, %swap3A_18], %swap3A_21 {strides = array<i32>} : memref<1x128x64xf32, #tpu.memory_space<vmem>>, vector<1x128x64xf32>,
    %reduce_min3A = arith.constant dense<0x7F800000> : vector<128x64xf32>
    %reduce_min3A_22 = vector.multi_reduction <minimumf>, %reshape3A_15, %reduce_min3A [1] : vector<128x20x64xf32> to vector<128x64xf32>
    %swap3A_23 = arith.constant 0 : index
    %swap3A_24 = arith.constant 0 : index
    %swap3A_25 = arith.constant 0 : index
    %swap3A_26 = vector.load %arg6[%swap3A_23, %swap3A_24, %swap3A_25] : memref<1x128x64xf32, #tpu.memory_space<vmem>>, vector<1x128x64xf32>
    %swap3A_27 = vector.shape_cast %swap3A_26 : vector<1x128x64xf32> to vector<128x64xf32>
    %swap3A_28 = vector.shape_cast %reduce_min3A_22 : vector<128x64xf32> to vector<1x128x64xf32>
    tpu.vector_store %arg6[%swap3A_23, %swap3A_24, %swap3A_25], %swap3A_28 {strides = array<i32>} : memref<1x128x64xf32, #tpu.memory_space<vmem>>, vector<1x128x64xf32>,
    %reduce_sum3A = arith.constant dense<0.000000e+00> : vector<64xf32>
    %reduce_sum3A_29 = vector.multi_reduction <add>, %dot_general3A_14, %reduce_sum3A [0] : vector<2560x64xf32> to vector<64xf32>
    %swap3A_30 = arith.constant 0 : index
    %swap3A_31 = arith.constant 0 : index
    %swap3A_32 = arith.constant 0 : index
    %swap3A_33 = arith.constant 0 : index
    %swap3A_34 = vector.load %arg7[%swap3A_30, %swap3A_31, %swap3A_32, %swap3A_33] : memref<1x1x2x64xf32, #tpu.memory_space<vmem>>, vector<1x1x1x64xf32>
    %swap3A_35 = vector.shape_cast %swap3A_34 : vector<1x1x1x64xf32> to vector<64xf32>
    %swap3A_36 = vector.shape_cast %reduce_sum3A_29 : vector<64xf32> to vector<1x1x1x64xf32>
    tpu.vector_store %arg7[%swap3A_30, %swap3A_31, %swap3A_32, %swap3A_33], %swap3A_36 {strides = array<i32>} : memref<1x1x2x64xf32, #tpu.memory_space<vmem>>, vector<1x1x1x64xf32>,
    %mul3A = arith.mulf %dot_general3A_14, %dot_general3A_14 : vector<2560x64xf32>
    %reduce_sum3A_37 = arith.constant dense<0.000000e+00> : vector<64xf32>
    %reduce_sum3A_38 = vector.multi_reduction <add>, %mul3A, %reduce_sum3A_37 [0] : vector<2560x64xf32> to vector<64xf32>
    %swap3A_39 = arith.constant 0 : index
    %swap3A_40 = arith.constant 0 : index
    %swap3A_41 = arith.constant 1 : index
    %swap3A_42 = arith.constant 0 : index
    %swap3A_43 = vector.load %arg7[%swap3A_39, %swap3A_40, %swap3A_41, %swap3A_42] : memref<1x1x2x64xf32, #tpu.memory_space<vmem>>, vector<1x1x1x64xf32>
    %swap3A_44 = vector.shape_cast %swap3A_43 : vector<1x1x1x64xf32> to vector<64xf32>
    %swap3A_45 = vector.shape_cast %reduce_sum3A_38 : vector<64xf32> to vector<1x1x1x64xf32>
    tpu.vector_store %arg7[%swap3A_39, %swap3A_40, %swap3A_41, %swap3A_42], %swap3A_45 {strides = array<i32>} : memref<1x1x2x64xf32, #tpu.memory_space<vmem>>, vector<1x1x1x64xf32>,
    return
  }
  func.func @transform_0(%arg0: i32, %arg1: i32) -> (i32, i32, i32) {
    %c0_i32 = arith.constant 0 : i32
    %c0_i32_0 = arith.constant 0 : i32
    return %arg0, %arg1, %c0_i32 : i32, i32, i32
  }
  func.func @transform_1(%arg0: i32, %arg1: i32) -> (i32, i32, i32) {
    %c0_i32 = arith.constant 0 : i32
    %c0_i32_0 = arith.constant 0 : i32
    return %arg0, %arg1, %c0_i32 : i32, i32, i32
  }
  func.func @transform_2(%arg0: i32, %arg1: i32) -> (i32, i32) {
    %c0_i32 = arith.constant 0 : i32
    %c0_i32_0 = arith.constant 0 : i32
    %c0_i32_1 = arith.constant 0 : i32
    return %c0_i32, %c0_i32_0 : i32, i32
  }
  func.func @transform_3(%arg0: i32, %arg1: i32) -> (i32, i32, i32) {
    %c0_i32 = arith.constant 0 : i32
    %c0_i32_0 = arith.constant 0 : i32
    return %arg0, %arg1, %c0_i32 : i32, i32, i32
  }
  func.func @transform_4(%arg0: i32, %arg1: i32) -> (i32, i32, i32) {
    %c0_i32 = arith.constant 0 : i32
    %c0_i32_0 = arith.constant 0 : i32
    return %arg0, %arg1, %c0_i32 : i32, i32, i32
  }
  func.func @transform_5(%arg0: i32, %arg1: i32) -> (i32, i32, i32, i32) {
    %c0_i32 = arith.constant 0 : i32
    %c0_i32_0 = arith.constant 0 : i32
    %c0_i32_1 = arith.constant 0 : i32
    return %arg0, %arg1, %c0_i32, %c0_i32_0 : i32, i32, i32, i32
  }
}

module attributes {stable_mosaic.version = 14 : i64} {
  func.func @_front_body(%arg0: i32, %arg1: memref<1x1024x256xf32, #tpu.memory_space<vmem>>, %arg2: memref<1x1024x20xi32, #tpu.memory_space<vmem>>) attributes {dimension_semantics = [#tpu.dimension_semantics<arbitrary>], iteration_bounds = array<i64: 8>, scalar_prefetch = 0 : i64, scratch_operands = 0 : i64, tpu.core_type = #tpu.core_type<tc>, window_params = [{transform_indices = @transform_0, window_bounds = array<i64: 1, 1024, 256>}, {transform_indices = @transform_1, window_bounds = array<i64: 1, 1024, 20>}]} {
    %get3A = arith.constant 0 : index
    %get3A_0 = arith.constant 0 : index
    %get3A_1 = arith.constant 0 : index
    %get3A_2 = vector.load %arg1[%get3A, %get3A_0, %get3A_1] : memref<1x1024x256xf32, #tpu.memory_space<vmem>>, vector<1x1024x256xf32>
    %get3A_3 = vector.shape_cast %get3A_2 : vector<1x1024x256xf32> to vector<1024x256xf32>
    %mul3A = arith.mulf %get3A_3, %get3A_3 : vector<1024x256xf32>
    %reduce_sum3A = arith.constant dense<0.000000e+00> : vector<1024xf32>
    %reduce_sum3A_4 = vector.multi_reduction <add>, %mul3A, %reduce_sum3A [1] : vector<1024x256xf32> to vector<1024xf32>
    %dot_general3A = arith.constant dense<0.000000e+00> : vector<1024x1024xf32>
    %dot_general3A_5 = tpu.matmul %get3A_3, %get3A_3, %dot_general3A {dimension_numbers = #tpu.dot_dimension_numbers<[1], [1], [0], [0], [0, 0, 1, 0], [], []>, transpose_lhs_hint = false} : vector<1024x256xf32>, vector<1024x256xf32>, vector<1024x1024xf32> -> vector<1024x1024xf32>
    %mul3A_6 = arith.constant 2.000000e+00 : f32
    %mul3A_7 = vector.broadcast %mul3A_6 : f32 to vector<1024x1024xf32>
    %mul3A_8 = arith.mulf %mul3A_7, %dot_general3A_5 : vector<1024x1024xf32>
    %broadcast_in_dim3A = vector.shape_cast %reduce_sum3A_4 : vector<1024xf32> to vector<1024x1xf32>
    %sub3A = vector.broadcast %broadcast_in_dim3A : vector<1024x1xf32> to vector<1024x1024xf32>
    %sub3A_9 = arith.subf %mul3A_8, %sub3A : vector<1024x1024xf32>
    %broadcast_in_dim3A_10 = vector.shape_cast %reduce_sum3A_4 : vector<1024xf32> to vector<1x1024xf32>
    %sub3A_11 = vector.broadcast %broadcast_in_dim3A_10 : vector<1x1024xf32> to vector<1024x1024xf32>
    %sub3A_12 = arith.subf %sub3A_9, %sub3A_11 : vector<1024x1024xf32>
    %iota3A = tpu.iota {dimensions = array<i32: 1>} : vector<1024x1024xi32>
    %reduce_max3A = arith.constant dense<0xFF800000> : vector<1024xf32>
    %reduce_max3A_13 = vector.multi_reduction <maximumf>, %sub3A_12, %reduce_max3A [1] : vector<1024x1024xf32> to vector<1024xf32>
    %broadcast_in_dim3A_14 = vector.shape_cast %reduce_max3A_13 : vector<1024xf32> to vector<1024x1xf32>
    %eq3A = vector.broadcast %broadcast_in_dim3A_14 : vector<1024x1xf32> to vector<1024x1024xf32>
    %eq3A_15 = arith.cmpf oeq, %sub3A_12, %eq3A : vector<1024x1024xf32>
    %jit3A = arith.constant 1024 : i32
    %broadcast_in_dim3A_16 = vector.broadcast %jit3A : i32 to vector<1024x1024xi32>
    %select_n3A = arith.select %eq3A_15, %iota3A, %broadcast_in_dim3A_16 : vector<1024x1024xi1>, vector<1024x1024xi32>
    %reduce_min3A = arith.constant dense<2147483647> : vector<1024xi32>
    %reduce_min3A_17 = vector.multi_reduction <minsi>, %select_n3A, %reduce_min3A [1] : vector<1024x1024xi32> to vector<1024xi32>
    %broadcast_in_dim3A_18 = vector.shape_cast %reduce_min3A_17 : vector<1024xi32> to vector<1024x1xi32>
    %eq3A_19 = vector.broadcast %broadcast_in_dim3A_18 : vector<1024x1xi32> to vector<1024x1024xi32>
    %eq3A_20 = arith.cmpi eq, %iota3A, %eq3A_19 : vector<1024x1024xi32>
    %jit3A_21 = arith.constant -3.000000e+38 : f32
    %broadcast_in_dim3A_22 = vector.broadcast %jit3A_21 : f32 to vector<1024x1024xf32>
    %select_n3A_23 = arith.select %eq3A_20, %broadcast_in_dim3A_22, %sub3A_12 : vector<1024x1024xi1>, vector<1024x1024xf32>
    %reduce_max3A_24 = arith.constant dense<0xFF800000> : vector<1024xf32>
    %reduce_max3A_25 = vector.multi_reduction <maximumf>, %select_n3A_23, %reduce_max3A_24 [1] : vector<1024x1024xf32> to vector<1024xf32>
    %broadcast_in_dim3A_26 = vector.shape_cast %reduce_max3A_25 : vector<1024xf32> to vector<1024x1xf32>
    %eq3A_27 = vector.broadcast %broadcast_in_dim3A_26 : vector<1024x1xf32> to vector<1024x1024xf32>
    %eq3A_28 = arith.cmpf oeq, %select_n3A_23, %eq3A_27 : vector<1024x1024xf32>
    %jit3A_29 = arith.constant 1024 : i32
    %broadcast_in_dim3A_30 = vector.broadcast %jit3A_29 : i32 to vector<1024x1024xi32>
    %select_n3A_31 = arith.select %eq3A_28, %iota3A, %broadcast_in_dim3A_30 : vector<1024x1024xi1>, vector<1024x1024xi32>
    %reduce_min3A_32 = arith.constant dense<2147483647> : vector<1024xi32>
    %reduce_min3A_33 = vector.multi_reduction <minsi>, %select_n3A_31, %reduce_min3A_32 [1] : vector<1024x1024xi32> to vector<1024xi32>
    %broadcast_in_dim3A_34 = vector.shape_cast %reduce_min3A_33 : vector<1024xi32> to vector<1024x1xi32>
    %eq3A_35 = vector.broadcast %broadcast_in_dim3A_34 : vector<1024x1xi32> to vector<1024x1024xi32>
    %eq3A_36 = arith.cmpi eq, %iota3A, %eq3A_35 : vector<1024x1024xi32>
    %jit3A_37 = arith.constant -3.000000e+38 : f32
    %broadcast_in_dim3A_38 = vector.broadcast %jit3A_37 : f32 to vector<1024x1024xf32>
    %select_n3A_39 = arith.select %eq3A_36, %broadcast_in_dim3A_38, %select_n3A_23 : vector<1024x1024xi1>, vector<1024x1024xf32>
    %reduce_max3A_40 = arith.constant dense<0xFF800000> : vector<1024xf32>
    %reduce_max3A_41 = vector.multi_reduction <maximumf>, %select_n3A_39, %reduce_max3A_40 [1] : vector<1024x1024xf32> to vector<1024xf32>
    %broadcast_in_dim3A_42 = vector.shape_cast %reduce_max3A_41 : vector<1024xf32> to vector<1024x1xf32>
    %eq3A_43 = vector.broadcast %broadcast_in_dim3A_42 : vector<1024x1xf32> to vector<1024x1024xf32>
    %eq3A_44 = arith.cmpf oeq, %select_n3A_39, %eq3A_43 : vector<1024x1024xf32>
    %jit3A_45 = arith.constant 1024 : i32
    %broadcast_in_dim3A_46 = vector.broadcast %jit3A_45 : i32 to vector<1024x1024xi32>
    %select_n3A_47 = arith.select %eq3A_44, %iota3A, %broadcast_in_dim3A_46 : vector<1024x1024xi1>, vector<1024x1024xi32>
    %reduce_min3A_48 = arith.constant dense<2147483647> : vector<1024xi32>
    %reduce_min3A_49 = vector.multi_reduction <minsi>, %select_n3A_47, %reduce_min3A_48 [1] : vector<1024x1024xi32> to vector<1024xi32>
    %broadcast_in_dim3A_50 = vector.shape_cast %reduce_min3A_49 : vector<1024xi32> to vector<1024x1xi32>
    %eq3A_51 = vector.broadcast %broadcast_in_dim3A_50 : vector<1024x1xi32> to vector<1024x1024xi32>
    %eq3A_52 = arith.cmpi eq, %iota3A, %eq3A_51 : vector<1024x1024xi32>
    %jit3A_53 = arith.constant -3.000000e+38 : f32
    %broadcast_in_dim3A_54 = vector.broadcast %jit3A_53 : f32 to vector<1024x1024xf32>
    %select_n3A_55 = arith.select %eq3A_52, %broadcast_in_dim3A_54, %select_n3A_39 : vector<1024x1024xi1>, vector<1024x1024xf32>
    %reduce_max3A_56 = arith.constant dense<0xFF800000> : vector<1024xf32>
    %reduce_max3A_57 = vector.multi_reduction <maximumf>, %select_n3A_55, %reduce_max3A_56 [1] : vector<1024x1024xf32> to vector<1024xf32>
    %broadcast_in_dim3A_58 = vector.shape_cast %reduce_max3A_57 : vector<1024xf32> to vector<1024x1xf32>
    %eq3A_59 = vector.broadcast %broadcast_in_dim3A_58 : vector<1024x1xf32> to vector<1024x1024xf32>
    %eq3A_60 = arith.cmpf oeq, %select_n3A_55, %eq3A_59 : vector<1024x1024xf32>
    %jit3A_61 = arith.constant 1024 : i32
    %broadcast_in_dim3A_62 = vector.broadcast %jit3A_61 : i32 to vector<1024x1024xi32>
    %select_n3A_63 = arith.select %eq3A_60, %iota3A, %broadcast_in_dim3A_62 : vector<1024x1024xi1>, vector<1024x1024xi32>
    %reduce_min3A_64 = arith.constant dense<2147483647> : vector<1024xi32>
    %reduce_min3A_65 = vector.multi_reduction <minsi>, %select_n3A_63, %reduce_min3A_64 [1] : vector<1024x1024xi32> to vector<1024xi32>
    %broadcast_in_dim3A_66 = vector.shape_cast %reduce_min3A_65 : vector<1024xi32> to vector<1024x1xi32>
    %eq3A_67 = vector.broadcast %broadcast_in_dim3A_66 : vector<1024x1xi32> to vector<1024x1024xi32>
    %eq3A_68 = arith.cmpi eq, %iota3A, %eq3A_67 : vector<1024x1024xi32>
    %jit3A_69 = arith.constant -3.000000e+38 : f32
    %broadcast_in_dim3A_70 = vector.broadcast %jit3A_69 : f32 to vector<1024x1024xf32>
    %select_n3A_71 = arith.select %eq3A_68, %broadcast_in_dim3A_70, %select_n3A_55 : vector<1024x1024xi1>, vector<1024x1024xf32>
    %reduce_max3A_72 = arith.constant dense<0xFF800000> : vector<1024xf32>
    %reduce_max3A_73 = vector.multi_reduction <maximumf>, %select_n3A_71, %reduce_max3A_72 [1] : vector<1024x1024xf32> to vector<1024xf32>
    %broadcast_in_dim3A_74 = vector.shape_cast %reduce_max3A_73 : vector<1024xf32> to vector<1024x1xf32>
    %eq3A_75 = vector.broadcast %broadcast_in_dim3A_74 : vector<1024x1xf32> to vector<1024x1024xf32>
    %eq3A_76 = arith.cmpf oeq, %select_n3A_71, %eq3A_75 : vector<1024x1024xf32>
    %jit3A_77 = arith.constant 1024 : i32
    %broadcast_in_dim3A_78 = vector.broadcast %jit3A_77 : i32 to vector<1024x1024xi32>
    %select_n3A_79 = arith.select %eq3A_76, %iota3A, %broadcast_in_dim3A_78 : vector<1024x1024xi1>, vector<1024x1024xi32>
    %reduce_min3A_80 = arith.constant dense<2147483647> : vector<1024xi32>
    %reduce_min3A_81 = vector.multi_reduction <minsi>, %select_n3A_79, %reduce_min3A_80 [1] : vector<1024x1024xi32> to vector<1024xi32>
    %broadcast_in_dim3A_82 = vector.shape_cast %reduce_min3A_81 : vector<1024xi32> to vector<1024x1xi32>
    %eq3A_83 = vector.broadcast %broadcast_in_dim3A_82 : vector<1024x1xi32> to vector<1024x1024xi32>
    %eq3A_84 = arith.cmpi eq, %iota3A, %eq3A_83 : vector<1024x1024xi32>
    %jit3A_85 = arith.constant -3.000000e+38 : f32
    %broadcast_in_dim3A_86 = vector.broadcast %jit3A_85 : f32 to vector<1024x1024xf32>
    %select_n3A_87 = arith.select %eq3A_84, %broadcast_in_dim3A_86, %select_n3A_71 : vector<1024x1024xi1>, vector<1024x1024xf32>
    %reduce_max3A_88 = arith.constant dense<0xFF800000> : vector<1024xf32>
    %reduce_max3A_89 = vector.multi_reduction <maximumf>, %select_n3A_87, %reduce_max3A_88 [1] : vector<1024x1024xf32> to vector<1024xf32>
    %broadcast_in_dim3A_90 = vector.shape_cast %reduce_max3A_89 : vector<1024xf32> to vector<1024x1xf32>
    %eq3A_91 = vector.broadcast %broadcast_in_dim3A_90 : vector<1024x1xf32> to vector<1024x1024xf32>
    %eq3A_92 = arith.cmpf oeq, %select_n3A_87, %eq3A_91 : vector<1024x1024xf32>
    %jit3A_93 = arith.constant 1024 : i32
    %broadcast_in_dim3A_94 = vector.broadcast %jit3A_93 : i32 to vector<1024x1024xi32>
    %select_n3A_95 = arith.select %eq3A_92, %iota3A, %broadcast_in_dim3A_94 : vector<1024x1024xi1>, vector<1024x1024xi32>
    %reduce_min3A_96 = arith.constant dense<2147483647> : vector<1024xi32>
    %reduce_min3A_97 = vector.multi_reduction <minsi>, %select_n3A_95, %reduce_min3A_96 [1] : vector<1024x1024xi32> to vector<1024xi32>
    %broadcast_in_dim3A_98 = vector.shape_cast %reduce_min3A_97 : vector<1024xi32> to vector<1024x1xi32>
    %eq3A_99 = vector.broadcast %broadcast_in_dim3A_98 : vector<1024x1xi32> to vector<1024x1024xi32>
    %eq3A_100 = arith.cmpi eq, %iota3A, %eq3A_99 : vector<1024x1024xi32>
    %jit3A_101 = arith.constant -3.000000e+38 : f32
    %broadcast_in_dim3A_102 = vector.broadcast %jit3A_101 : f32 to vector<1024x1024xf32>
    %select_n3A_103 = arith.select %eq3A_100, %broadcast_in_dim3A_102, %select_n3A_87 : vector<1024x1024xi1>, vector<1024x1024xf32>
    %reduce_max3A_104 = arith.constant dense<0xFF800000> : vector<1024xf32>
    %reduce_max3A_105 = vector.multi_reduction <maximumf>, %select_n3A_103, %reduce_max3A_104 [1] : vector<1024x1024xf32> to vector<1024xf32>
    %broadcast_in_dim3A_106 = vector.shape_cast %reduce_max3A_105 : vector<1024xf32> to vector<1024x1xf32>
    %eq3A_107 = vector.broadcast %broadcast_in_dim3A_106 : vector<1024x1xf32> to vector<1024x1024xf32>
    %eq3A_108 = arith.cmpf oeq, %select_n3A_103, %eq3A_107 : vector<1024x1024xf32>
    %jit3A_109 = arith.constant 1024 : i32
    %broadcast_in_dim3A_110 = vector.broadcast %jit3A_109 : i32 to vector<1024x1024xi32>
    %select_n3A_111 = arith.select %eq3A_108, %iota3A, %broadcast_in_dim3A_110 : vector<1024x1024xi1>, vector<1024x1024xi32>
    %reduce_min3A_112 = arith.constant dense<2147483647> : vector<1024xi32>
    %reduce_min3A_113 = vector.multi_reduction <minsi>, %select_n3A_111, %reduce_min3A_112 [1] : vector<1024x1024xi32> to vector<1024xi32>
    %broadcast_in_dim3A_114 = vector.shape_cast %reduce_min3A_113 : vector<1024xi32> to vector<1024x1xi32>
    %eq3A_115 = vector.broadcast %broadcast_in_dim3A_114 : vector<1024x1xi32> to vector<1024x1024xi32>
    %eq3A_116 = arith.cmpi eq, %iota3A, %eq3A_115 : vector<1024x1024xi32>
    %jit3A_117 = arith.constant -3.000000e+38 : f32
    %broadcast_in_dim3A_118 = vector.broadcast %jit3A_117 : f32 to vector<1024x1024xf32>
    %select_n3A_119 = arith.select %eq3A_116, %broadcast_in_dim3A_118, %select_n3A_103 : vector<1024x1024xi1>, vector<1024x1024xf32>
    %reduce_max3A_120 = arith.constant dense<0xFF800000> : vector<1024xf32>
    %reduce_max3A_121 = vector.multi_reduction <maximumf>, %select_n3A_119, %reduce_max3A_120 [1] : vector<1024x1024xf32> to vector<1024xf32>
    %broadcast_in_dim3A_122 = vector.shape_cast %reduce_max3A_121 : vector<1024xf32> to vector<1024x1xf32>
    %eq3A_123 = vector.broadcast %broadcast_in_dim3A_122 : vector<1024x1xf32> to vector<1024x1024xf32>
    %eq3A_124 = arith.cmpf oeq, %select_n3A_119, %eq3A_123 : vector<1024x1024xf32>
    %jit3A_125 = arith.constant 1024 : i32
    %broadcast_in_dim3A_126 = vector.broadcast %jit3A_125 : i32 to vector<1024x1024xi32>
    %select_n3A_127 = arith.select %eq3A_124, %iota3A, %broadcast_in_dim3A_126 : vector<1024x1024xi1>, vector<1024x1024xi32>
    %reduce_min3A_128 = arith.constant dense<2147483647> : vector<1024xi32>
    %reduce_min3A_129 = vector.multi_reduction <minsi>, %select_n3A_127, %reduce_min3A_128 [1] : vector<1024x1024xi32> to vector<1024xi32>
    %broadcast_in_dim3A_130 = vector.shape_cast %reduce_min3A_129 : vector<1024xi32> to vector<1024x1xi32>
    %eq3A_131 = vector.broadcast %broadcast_in_dim3A_130 : vector<1024x1xi32> to vector<1024x1024xi32>
    %eq3A_132 = arith.cmpi eq, %iota3A, %eq3A_131 : vector<1024x1024xi32>
    %jit3A_133 = arith.constant -3.000000e+38 : f32
    %broadcast_in_dim3A_134 = vector.broadcast %jit3A_133 : f32 to vector<1024x1024xf32>
    %select_n3A_135 = arith.select %eq3A_132, %broadcast_in_dim3A_134, %select_n3A_119 : vector<1024x1024xi1>, vector<1024x1024xf32>
    %reduce_max3A_136 = arith.constant dense<0xFF800000> : vector<1024xf32>
    %reduce_max3A_137 = vector.multi_reduction <maximumf>, %select_n3A_135, %reduce_max3A_136 [1] : vector<1024x1024xf32> to vector<1024xf32>
    %broadcast_in_dim3A_138 = vector.shape_cast %reduce_max3A_137 : vector<1024xf32> to vector<1024x1xf32>
    %eq3A_139 = vector.broadcast %broadcast_in_dim3A_138 : vector<1024x1xf32> to vector<1024x1024xf32>
    %eq3A_140 = arith.cmpf oeq, %select_n3A_135, %eq3A_139 : vector<1024x1024xf32>
    %jit3A_141 = arith.constant 1024 : i32
    %broadcast_in_dim3A_142 = vector.broadcast %jit3A_141 : i32 to vector<1024x1024xi32>
    %select_n3A_143 = arith.select %eq3A_140, %iota3A, %broadcast_in_dim3A_142 : vector<1024x1024xi1>, vector<1024x1024xi32>
    %reduce_min3A_144 = arith.constant dense<2147483647> : vector<1024xi32>
    %reduce_min3A_145 = vector.multi_reduction <minsi>, %select_n3A_143, %reduce_min3A_144 [1] : vector<1024x1024xi32> to vector<1024xi32>
    %broadcast_in_dim3A_146 = vector.shape_cast %reduce_min3A_145 : vector<1024xi32> to vector<1024x1xi32>
    %eq3A_147 = vector.broadcast %broadcast_in_dim3A_146 : vector<1024x1xi32> to vector<1024x1024xi32>
    %eq3A_148 = arith.cmpi eq, %iota3A, %eq3A_147 : vector<1024x1024xi32>
    %jit3A_149 = arith.constant -3.000000e+38 : f32
    %broadcast_in_dim3A_150 = vector.broadcast %jit3A_149 : f32 to vector<1024x1024xf32>
    %select_n3A_151 = arith.select %eq3A_148, %broadcast_in_dim3A_150, %select_n3A_135 : vector<1024x1024xi1>, vector<1024x1024xf32>
    %reduce_max3A_152 = arith.constant dense<0xFF800000> : vector<1024xf32>
    %reduce_max3A_153 = vector.multi_reduction <maximumf>, %select_n3A_151, %reduce_max3A_152 [1] : vector<1024x1024xf32> to vector<1024xf32>
    %broadcast_in_dim3A_154 = vector.shape_cast %reduce_max3A_153 : vector<1024xf32> to vector<1024x1xf32>
    %eq3A_155 = vector.broadcast %broadcast_in_dim3A_154 : vector<1024x1xf32> to vector<1024x1024xf32>
    %eq3A_156 = arith.cmpf oeq, %select_n3A_151, %eq3A_155 : vector<1024x1024xf32>
    %jit3A_157 = arith.constant 1024 : i32
    %broadcast_in_dim3A_158 = vector.broadcast %jit3A_157 : i32 to vector<1024x1024xi32>
    %select_n3A_159 = arith.select %eq3A_156, %iota3A, %broadcast_in_dim3A_158 : vector<1024x1024xi1>, vector<1024x1024xi32>
    %reduce_min3A_160 = arith.constant dense<2147483647> : vector<1024xi32>
    %reduce_min3A_161 = vector.multi_reduction <minsi>, %select_n3A_159, %reduce_min3A_160 [1] : vector<1024x1024xi32> to vector<1024xi32>
    %broadcast_in_dim3A_162 = vector.shape_cast %reduce_min3A_161 : vector<1024xi32> to vector<1024x1xi32>
    %eq3A_163 = vector.broadcast %broadcast_in_dim3A_162 : vector<1024x1xi32> to vector<1024x1024xi32>
    %eq3A_164 = arith.cmpi eq, %iota3A, %eq3A_163 : vector<1024x1024xi32>
    %jit3A_165 = arith.constant -3.000000e+38 : f32
    %broadcast_in_dim3A_166 = vector.broadcast %jit3A_165 : f32 to vector<1024x1024xf32>
    %select_n3A_167 = arith.select %eq3A_164, %broadcast_in_dim3A_166, %select_n3A_151 : vector<1024x1024xi1>, vector<1024x1024xf32>
    %reduce_max3A_168 = arith.constant dense<0xFF800000> : vector<1024xf32>
    %reduce_max3A_169 = vector.multi_reduction <maximumf>, %select_n3A_167, %reduce_max3A_168 [1] : vector<1024x1024xf32> to vector<1024xf32>
    %broadcast_in_dim3A_170 = vector.shape_cast %reduce_max3A_169 : vector<1024xf32> to vector<1024x1xf32>
    %eq3A_171 = vector.broadcast %broadcast_in_dim3A_170 : vector<1024x1xf32> to vector<1024x1024xf32>
    %eq3A_172 = arith.cmpf oeq, %select_n3A_167, %eq3A_171 : vector<1024x1024xf32>
    %jit3A_173 = arith.constant 1024 : i32
    %broadcast_in_dim3A_174 = vector.broadcast %jit3A_173 : i32 to vector<1024x1024xi32>
    %select_n3A_175 = arith.select %eq3A_172, %iota3A, %broadcast_in_dim3A_174 : vector<1024x1024xi1>, vector<1024x1024xi32>
    %reduce_min3A_176 = arith.constant dense<2147483647> : vector<1024xi32>
    %reduce_min3A_177 = vector.multi_reduction <minsi>, %select_n3A_175, %reduce_min3A_176 [1] : vector<1024x1024xi32> to vector<1024xi32>
    %broadcast_in_dim3A_178 = vector.shape_cast %reduce_min3A_177 : vector<1024xi32> to vector<1024x1xi32>
    %eq3A_179 = vector.broadcast %broadcast_in_dim3A_178 : vector<1024x1xi32> to vector<1024x1024xi32>
    %eq3A_180 = arith.cmpi eq, %iota3A, %eq3A_179 : vector<1024x1024xi32>
    %jit3A_181 = arith.constant -3.000000e+38 : f32
    %broadcast_in_dim3A_182 = vector.broadcast %jit3A_181 : f32 to vector<1024x1024xf32>
    %select_n3A_183 = arith.select %eq3A_180, %broadcast_in_dim3A_182, %select_n3A_167 : vector<1024x1024xi1>, vector<1024x1024xf32>
    %reduce_max3A_184 = arith.constant dense<0xFF800000> : vector<1024xf32>
    %reduce_max3A_185 = vector.multi_reduction <maximumf>, %select_n3A_183, %reduce_max3A_184 [1] : vector<1024x1024xf32> to vector<1024xf32>
    %broadcast_in_dim3A_186 = vector.shape_cast %reduce_max3A_185 : vector<1024xf32> to vector<1024x1xf32>
    %eq3A_187 = vector.broadcast %broadcast_in_dim3A_186 : vector<1024x1xf32> to vector<1024x1024xf32>
    %eq3A_188 = arith.cmpf oeq, %select_n3A_183, %eq3A_187 : vector<1024x1024xf32>
    %jit3A_189 = arith.constant 1024 : i32
    %broadcast_in_dim3A_190 = vector.broadcast %jit3A_189 : i32 to vector<1024x1024xi32>
    %select_n3A_191 = arith.select %eq3A_188, %iota3A, %broadcast_in_dim3A_190 : vector<1024x1024xi1>, vector<1024x1024xi32>
    %reduce_min3A_192 = arith.constant dense<2147483647> : vector<1024xi32>
    %reduce_min3A_193 = vector.multi_reduction <minsi>, %select_n3A_191, %reduce_min3A_192 [1] : vector<1024x1024xi32> to vector<1024xi32>
    %broadcast_in_dim3A_194 = vector.shape_cast %reduce_min3A_193 : vector<1024xi32> to vector<1024x1xi32>
    %eq3A_195 = vector.broadcast %broadcast_in_dim3A_194 : vector<1024x1xi32> to vector<1024x1024xi32>
    %eq3A_196 = arith.cmpi eq, %iota3A, %eq3A_195 : vector<1024x1024xi32>
    %jit3A_197 = arith.constant -3.000000e+38 : f32
    %broadcast_in_dim3A_198 = vector.broadcast %jit3A_197 : f32 to vector<1024x1024xf32>
    %select_n3A_199 = arith.select %eq3A_196, %broadcast_in_dim3A_198, %select_n3A_183 : vector<1024x1024xi1>, vector<1024x1024xf32>
    %reduce_max3A_200 = arith.constant dense<0xFF800000> : vector<1024xf32>
    %reduce_max3A_201 = vector.multi_reduction <maximumf>, %select_n3A_199, %reduce_max3A_200 [1] : vector<1024x1024xf32> to vector<1024xf32>
    %broadcast_in_dim3A_202 = vector.shape_cast %reduce_max3A_201 : vector<1024xf32> to vector<1024x1xf32>
    %eq3A_203 = vector.broadcast %broadcast_in_dim3A_202 : vector<1024x1xf32> to vector<1024x1024xf32>
    %eq3A_204 = arith.cmpf oeq, %select_n3A_199, %eq3A_203 : vector<1024x1024xf32>
    %jit3A_205 = arith.constant 1024 : i32
    %broadcast_in_dim3A_206 = vector.broadcast %jit3A_205 : i32 to vector<1024x1024xi32>
    %select_n3A_207 = arith.select %eq3A_204, %iota3A, %broadcast_in_dim3A_206 : vector<1024x1024xi1>, vector<1024x1024xi32>
    %reduce_min3A_208 = arith.constant dense<2147483647> : vector<1024xi32>
    %reduce_min3A_209 = vector.multi_reduction <minsi>, %select_n3A_207, %reduce_min3A_208 [1] : vector<1024x1024xi32> to vector<1024xi32>
    %broadcast_in_dim3A_210 = vector.shape_cast %reduce_min3A_209 : vector<1024xi32> to vector<1024x1xi32>
    %eq3A_211 = vector.broadcast %broadcast_in_dim3A_210 : vector<1024x1xi32> to vector<1024x1024xi32>
    %eq3A_212 = arith.cmpi eq, %iota3A, %eq3A_211 : vector<1024x1024xi32>
    %jit3A_213 = arith.constant -3.000000e+38 : f32
    %broadcast_in_dim3A_214 = vector.broadcast %jit3A_213 : f32 to vector<1024x1024xf32>
    %select_n3A_215 = arith.select %eq3A_212, %broadcast_in_dim3A_214, %select_n3A_199 : vector<1024x1024xi1>, vector<1024x1024xf32>
    %reduce_max3A_216 = arith.constant dense<0xFF800000> : vector<1024xf32>
    %reduce_max3A_217 = vector.multi_reduction <maximumf>, %select_n3A_215, %reduce_max3A_216 [1] : vector<1024x1024xf32> to vector<1024xf32>
    %broadcast_in_dim3A_218 = vector.shape_cast %reduce_max3A_217 : vector<1024xf32> to vector<1024x1xf32>
    %eq3A_219 = vector.broadcast %broadcast_in_dim3A_218 : vector<1024x1xf32> to vector<1024x1024xf32>
    %eq3A_220 = arith.cmpf oeq, %select_n3A_215, %eq3A_219 : vector<1024x1024xf32>
    %jit3A_221 = arith.constant 1024 : i32
    %broadcast_in_dim3A_222 = vector.broadcast %jit3A_221 : i32 to vector<1024x1024xi32>
    %select_n3A_223 = arith.select %eq3A_220, %iota3A, %broadcast_in_dim3A_222 : vector<1024x1024xi1>, vector<1024x1024xi32>
    %reduce_min3A_224 = arith.constant dense<2147483647> : vector<1024xi32>
    %reduce_min3A_225 = vector.multi_reduction <minsi>, %select_n3A_223, %reduce_min3A_224 [1] : vector<1024x1024xi32> to vector<1024xi32>
    %broadcast_in_dim3A_226 = vector.shape_cast %reduce_min3A_225 : vector<1024xi32> to vector<1024x1xi32>
    %eq3A_227 = vector.broadcast %broadcast_in_dim3A_226 : vector<1024x1xi32> to vector<1024x1024xi32>
    %eq3A_228 = arith.cmpi eq, %iota3A, %eq3A_227 : vector<1024x1024xi32>
    %jit3A_229 = arith.constant -3.000000e+38 : f32
    %broadcast_in_dim3A_230 = vector.broadcast %jit3A_229 : f32 to vector<1024x1024xf32>
    %select_n3A_231 = arith.select %eq3A_228, %broadcast_in_dim3A_230, %select_n3A_215 : vector<1024x1024xi1>, vector<1024x1024xf32>
    %reduce_max3A_232 = arith.constant dense<0xFF800000> : vector<1024xf32>
    %reduce_max3A_233 = vector.multi_reduction <maximumf>, %select_n3A_231, %reduce_max3A_232 [1] : vector<1024x1024xf32> to vector<1024xf32>
    %broadcast_in_dim3A_234 = vector.shape_cast %reduce_max3A_233 : vector<1024xf32> to vector<1024x1xf32>
    %eq3A_235 = vector.broadcast %broadcast_in_dim3A_234 : vector<1024x1xf32> to vector<1024x1024xf32>
    %eq3A_236 = arith.cmpf oeq, %select_n3A_231, %eq3A_235 : vector<1024x1024xf32>
    %jit3A_237 = arith.constant 1024 : i32
    %broadcast_in_dim3A_238 = vector.broadcast %jit3A_237 : i32 to vector<1024x1024xi32>
    %select_n3A_239 = arith.select %eq3A_236, %iota3A, %broadcast_in_dim3A_238 : vector<1024x1024xi1>, vector<1024x1024xi32>
    %reduce_min3A_240 = arith.constant dense<2147483647> : vector<1024xi32>
    %reduce_min3A_241 = vector.multi_reduction <minsi>, %select_n3A_239, %reduce_min3A_240 [1] : vector<1024x1024xi32> to vector<1024xi32>
    %broadcast_in_dim3A_242 = vector.shape_cast %reduce_min3A_241 : vector<1024xi32> to vector<1024x1xi32>
    %eq3A_243 = vector.broadcast %broadcast_in_dim3A_242 : vector<1024x1xi32> to vector<1024x1024xi32>
    %eq3A_244 = arith.cmpi eq, %iota3A, %eq3A_243 : vector<1024x1024xi32>
    %jit3A_245 = arith.constant -3.000000e+38 : f32
    %broadcast_in_dim3A_246 = vector.broadcast %jit3A_245 : f32 to vector<1024x1024xf32>
    %select_n3A_247 = arith.select %eq3A_244, %broadcast_in_dim3A_246, %select_n3A_231 : vector<1024x1024xi1>, vector<1024x1024xf32>
    %reduce_max3A_248 = arith.constant dense<0xFF800000> : vector<1024xf32>
    %reduce_max3A_249 = vector.multi_reduction <maximumf>, %select_n3A_247, %reduce_max3A_248 [1] : vector<1024x1024xf32> to vector<1024xf32>
    %broadcast_in_dim3A_250 = vector.shape_cast %reduce_max3A_249 : vector<1024xf32> to vector<1024x1xf32>
    %eq3A_251 = vector.broadcast %broadcast_in_dim3A_250 : vector<1024x1xf32> to vector<1024x1024xf32>
    %eq3A_252 = arith.cmpf oeq, %select_n3A_247, %eq3A_251 : vector<1024x1024xf32>
    %jit3A_253 = arith.constant 1024 : i32
    %broadcast_in_dim3A_254 = vector.broadcast %jit3A_253 : i32 to vector<1024x1024xi32>
    %select_n3A_255 = arith.select %eq3A_252, %iota3A, %broadcast_in_dim3A_254 : vector<1024x1024xi1>, vector<1024x1024xi32>
    %reduce_min3A_256 = arith.constant dense<2147483647> : vector<1024xi32>
    %reduce_min3A_257 = vector.multi_reduction <minsi>, %select_n3A_255, %reduce_min3A_256 [1] : vector<1024x1024xi32> to vector<1024xi32>
    %broadcast_in_dim3A_258 = vector.shape_cast %reduce_min3A_257 : vector<1024xi32> to vector<1024x1xi32>
    %eq3A_259 = vector.broadcast %broadcast_in_dim3A_258 : vector<1024x1xi32> to vector<1024x1024xi32>
    %eq3A_260 = arith.cmpi eq, %iota3A, %eq3A_259 : vector<1024x1024xi32>
    %jit3A_261 = arith.constant -3.000000e+38 : f32
    %broadcast_in_dim3A_262 = vector.broadcast %jit3A_261 : f32 to vector<1024x1024xf32>
    %select_n3A_263 = arith.select %eq3A_260, %broadcast_in_dim3A_262, %select_n3A_247 : vector<1024x1024xi1>, vector<1024x1024xf32>
    %reduce_max3A_264 = arith.constant dense<0xFF800000> : vector<1024xf32>
    %reduce_max3A_265 = vector.multi_reduction <maximumf>, %select_n3A_263, %reduce_max3A_264 [1] : vector<1024x1024xf32> to vector<1024xf32>
    %broadcast_in_dim3A_266 = vector.shape_cast %reduce_max3A_265 : vector<1024xf32> to vector<1024x1xf32>
    %eq3A_267 = vector.broadcast %broadcast_in_dim3A_266 : vector<1024x1xf32> to vector<1024x1024xf32>
    %eq3A_268 = arith.cmpf oeq, %select_n3A_263, %eq3A_267 : vector<1024x1024xf32>
    %jit3A_269 = arith.constant 1024 : i32
    %broadcast_in_dim3A_270 = vector.broadcast %jit3A_269 : i32 to vector<1024x1024xi32>
    %select_n3A_271 = arith.select %eq3A_268, %iota3A, %broadcast_in_dim3A_270 : vector<1024x1024xi1>, vector<1024x1024xi32>
    %reduce_min3A_272 = arith.constant dense<2147483647> : vector<1024xi32>
    %reduce_min3A_273 = vector.multi_reduction <minsi>, %select_n3A_271, %reduce_min3A_272 [1] : vector<1024x1024xi32> to vector<1024xi32>
    %broadcast_in_dim3A_274 = vector.shape_cast %reduce_min3A_273 : vector<1024xi32> to vector<1024x1xi32>
    %eq3A_275 = vector.broadcast %broadcast_in_dim3A_274 : vector<1024x1xi32> to vector<1024x1024xi32>
    %eq3A_276 = arith.cmpi eq, %iota3A, %eq3A_275 : vector<1024x1024xi32>
    %jit3A_277 = arith.constant -3.000000e+38 : f32
    %broadcast_in_dim3A_278 = vector.broadcast %jit3A_277 : f32 to vector<1024x1024xf32>
    %select_n3A_279 = arith.select %eq3A_276, %broadcast_in_dim3A_278, %select_n3A_263 : vector<1024x1024xi1>, vector<1024x1024xf32>
    %reduce_max3A_280 = arith.constant dense<0xFF800000> : vector<1024xf32>
    %reduce_max3A_281 = vector.multi_reduction <maximumf>, %select_n3A_279, %reduce_max3A_280 [1] : vector<1024x1024xf32> to vector<1024xf32>
    %broadcast_in_dim3A_282 = vector.shape_cast %reduce_max3A_281 : vector<1024xf32> to vector<1024x1xf32>
    %eq3A_283 = vector.broadcast %broadcast_in_dim3A_282 : vector<1024x1xf32> to vector<1024x1024xf32>
    %eq3A_284 = arith.cmpf oeq, %select_n3A_279, %eq3A_283 : vector<1024x1024xf32>
    %jit3A_285 = arith.constant 1024 : i32
    %broadcast_in_dim3A_286 = vector.broadcast %jit3A_285 : i32 to vector<1024x1024xi32>
    %select_n3A_287 = arith.select %eq3A_284, %iota3A, %broadcast_in_dim3A_286 : vector<1024x1024xi1>, vector<1024x1024xi32>
    %reduce_min3A_288 = arith.constant dense<2147483647> : vector<1024xi32>
    %reduce_min3A_289 = vector.multi_reduction <minsi>, %select_n3A_287, %reduce_min3A_288 [1] : vector<1024x1024xi32> to vector<1024xi32>
    %broadcast_in_dim3A_290 = vector.shape_cast %reduce_min3A_289 : vector<1024xi32> to vector<1024x1xi32>
    %eq3A_291 = vector.broadcast %broadcast_in_dim3A_290 : vector<1024x1xi32> to vector<1024x1024xi32>
    %eq3A_292 = arith.cmpi eq, %iota3A, %eq3A_291 : vector<1024x1024xi32>
    %jit3A_293 = arith.constant -3.000000e+38 : f32
    %broadcast_in_dim3A_294 = vector.broadcast %jit3A_293 : f32 to vector<1024x1024xf32>
    %select_n3A_295 = arith.select %eq3A_292, %broadcast_in_dim3A_294, %select_n3A_279 : vector<1024x1024xi1>, vector<1024x1024xf32>
    %reduce_max3A_296 = arith.constant dense<0xFF800000> : vector<1024xf32>
    %reduce_max3A_297 = vector.multi_reduction <maximumf>, %select_n3A_295, %reduce_max3A_296 [1] : vector<1024x1024xf32> to vector<1024xf32>
    %broadcast_in_dim3A_298 = vector.shape_cast %reduce_max3A_297 : vector<1024xf32> to vector<1024x1xf32>
    %eq3A_299 = vector.broadcast %broadcast_in_dim3A_298 : vector<1024x1xf32> to vector<1024x1024xf32>
    %eq3A_300 = arith.cmpf oeq, %select_n3A_295, %eq3A_299 : vector<1024x1024xf32>
    %jit3A_301 = arith.constant 1024 : i32
    %broadcast_in_dim3A_302 = vector.broadcast %jit3A_301 : i32 to vector<1024x1024xi32>
    %select_n3A_303 = arith.select %eq3A_300, %iota3A, %broadcast_in_dim3A_302 : vector<1024x1024xi1>, vector<1024x1024xi32>
    %reduce_min3A_304 = arith.constant dense<2147483647> : vector<1024xi32>
    %reduce_min3A_305 = vector.multi_reduction <minsi>, %select_n3A_303, %reduce_min3A_304 [1] : vector<1024x1024xi32> to vector<1024xi32>
    %broadcast_in_dim3A_306 = vector.shape_cast %reduce_min3A_305 : vector<1024xi32> to vector<1024x1xi32>
    %eq3A_307 = vector.broadcast %broadcast_in_dim3A_306 : vector<1024x1xi32> to vector<1024x1024xi32>
    %eq3A_308 = arith.cmpi eq, %iota3A, %eq3A_307 : vector<1024x1024xi32>
    %jit3A_309 = arith.constant -3.000000e+38 : f32
    %broadcast_in_dim3A_310 = vector.broadcast %jit3A_309 : f32 to vector<1024x1024xf32>
    %select_n3A_311 = arith.select %eq3A_308, %broadcast_in_dim3A_310, %select_n3A_295 : vector<1024x1024xi1>, vector<1024x1024xf32>
    %reduce_max3A_312 = arith.constant dense<0xFF800000> : vector<1024xf32>
    %reduce_max3A_313 = vector.multi_reduction <maximumf>, %select_n3A_311, %reduce_max3A_312 [1] : vector<1024x1024xf32> to vector<1024xf32>
    %broadcast_in_dim3A_314 = vector.shape_cast %reduce_max3A_313 : vector<1024xf32> to vector<1024x1xf32>
    %eq3A_315 = vector.broadcast %broadcast_in_dim3A_314 : vector<1024x1xf32> to vector<1024x1024xf32>
    %eq3A_316 = arith.cmpf oeq, %select_n3A_311, %eq3A_315 : vector<1024x1024xf32>
    %jit3A_317 = arith.constant 1024 : i32
    %broadcast_in_dim3A_318 = vector.broadcast %jit3A_317 : i32 to vector<1024x1024xi32>
    %select_n3A_319 = arith.select %eq3A_316, %iota3A, %broadcast_in_dim3A_318 : vector<1024x1024xi1>, vector<1024x1024xi32>
    %reduce_min3A_320 = arith.constant dense<2147483647> : vector<1024xi32>
    %reduce_min3A_321 = vector.multi_reduction <minsi>, %select_n3A_319, %reduce_min3A_320 [1] : vector<1024x1024xi32> to vector<1024xi32>
    %broadcast_in_dim3A_322 = vector.shape_cast %reduce_min3A_321 : vector<1024xi32> to vector<1024x1xi32>
    %concatenate3A = tpu.concatenate %broadcast_in_dim3A_18, %broadcast_in_dim3A_34, %broadcast_in_dim3A_50, %broadcast_in_dim3A_66, %broadcast_in_dim3A_82, %broadcast_in_dim3A_98, %broadcast_in_dim3A_114, %broadcast_in_dim3A_130, %broadcast_in_dim3A_146, %broadcast_in_dim3A_162, %broadcast_in_dim3A_178, %broadcast_in_dim3A_194, %broadcast_in_dim3A_210, %broadcast_in_dim3A_226, %broadcast_in_dim3A_242, %broadcast_in_dim3A_258, %broadcast_in_dim3A_274, %broadcast_in_dim3A_290, %broadcast_in_dim3A_306, %broadcast_in_dim3A_322 in 1 : vector<1024x1xi32>, vector<1024x1xi32>, vector<1024x1xi32>, vector<1024x1xi32>, vector<1024x1xi32>, vector<1024x1xi32>, vector<1024x1xi32>, vector<1024x1xi32>, vector<1024x1xi32>, vector<1024x1xi32>, vector<1024x1xi32>, vector<1024x1xi32>, vector<1024x1xi32>, vector<1024x1xi32>, vector<1024x1xi32>, vector<1024x1xi32>, vector<1024x1xi32>, vector<1024x1xi32>, vector<1024x1xi32>, vector<1024x1xi32> -> vector<1024x20xi32>
    %mul3A_323 = arith.constant 1024 : i32
    %mul3A_324 = arith.muli %arg0, %mul3A_323 : i32
    %add3A = vector.broadcast %mul3A_324 : i32 to vector<1024x20xi32>
    %add3A_325 = arith.addi %concatenate3A, %add3A : vector<1024x20xi32>
    %swap3A = arith.constant 0 : index
    %swap3A_326 = arith.constant 0 : index
    %swap3A_327 = arith.constant 0 : index
    %swap3A_328 = vector.load %arg2[%swap3A, %swap3A_326, %swap3A_327] : memref<1x1024x20xi32, #tpu.memory_space<vmem>>, vector<1x1024x20xi32>
    %swap3A_329 = vector.shape_cast %swap3A_328 : vector<1x1024x20xi32> to vector<1024x20xi32>
    %swap3A_330 = vector.shape_cast %add3A_325 : vector<1024x20xi32> to vector<1x1024x20xi32>
    tpu.vector_store %arg2[%swap3A, %swap3A_326, %swap3A_327], %swap3A_330 {strides = array<i32>} : memref<1x1024x20xi32, #tpu.memory_space<vmem>>, vector<1x1024x20xi32>,
    return
  }
  func.func @transform_0(%arg0: i32) -> (i32, i32, i32) {
    %c0_i32 = arith.constant 0 : i32
    %c0_i32_0 = arith.constant 0 : i32
    %c0_i32_1 = arith.constant 0 : i32
    return %arg0, %c0_i32, %c0_i32_0 : i32, i32, i32
  }
  func.func @transform_1(%arg0: i32) -> (i32, i32, i32) {
    %c0_i32 = arith.constant 0 : i32
    %c0_i32_0 = arith.constant 0 : i32
    %c0_i32_1 = arith.constant 0 : i32
    return %arg0, %c0_i32, %c0_i32_0 : i32, i32, i32
  }
}

module attributes {stable_mosaic.version = 14 : i64} {
  func.func @_conv_body(%arg0: i32, %arg1: i32, %arg2: memref<1x2560x128xf32, #tpu.memory_space<vmem>>, %arg3: memref<1x128x128xf32, #tpu.memory_space<vmem>>, %arg4: memref<256x512xf32, #tpu.memory_space<vmem>>, %arg5: memref<1x128x256xf32, #tpu.memory_space<vmem>>, %arg6: memref<1x128x256xf32, #tpu.memory_space<vmem>>, %arg7: memref<1x1x2x256xf32, #tpu.memory_space<vmem>>) attributes {dimension_semantics = [#tpu.dimension_semantics<arbitrary>, #tpu.dimension_semantics<arbitrary>], iteration_bounds = array<i64: 8, 8>, scalar_prefetch = 0 : i64, scratch_operands = 0 : i64, tpu.core_type = #tpu.core_type<tc>, window_params = [{transform_indices = @transform_0, window_bounds = array<i64: 1, 2560, 128>}, {transform_indices = @transform_1, window_bounds = array<i64: 1, 128, 128>}, {pipeline_mode = #tpu.pipeline_mode<synchronous>, transform_indices = @transform_2, window_bounds = array<i64: 256, 512>}, {transform_indices = @transform_3, window_bounds = array<i64: 1, 128, 256>}, {transform_indices = @transform_4, window_bounds = array<i64: 1, 128, 256>}, {transform_indices = @transform_5, window_bounds = array<i64: 1, 1, 2, 256>}]} {
    %get3A = arith.constant 0 : index
    %get3A_0 = arith.constant 0 : index
    %get3A_1 = arith.constant 0 : index
    %get3A_2 = vector.load %arg2[%get3A, %get3A_0, %get3A_1] : memref<1x2560x128xf32, #tpu.memory_space<vmem>>, vector<1x2560x128xf32>
    %get3A_3 = vector.shape_cast %get3A_2 : vector<1x2560x128xf32> to vector<2560x128xf32>
    %get3A_4 = arith.constant 0 : index
    %get3A_5 = arith.constant 0 : index
    %get3A_6 = arith.constant 0 : index
    %get3A_7 = vector.load %arg3[%get3A_4, %get3A_5, %get3A_6] : memref<1x128x128xf32, #tpu.memory_space<vmem>>, vector<1x128x128xf32>
    %get3A_8 = vector.shape_cast %get3A_7 : vector<1x128x128xf32> to vector<128x128xf32>
    %broadcast_in_dim3A = vector.shape_cast %get3A_8 : vector<128x128xf32> to vector<128x1x128xf32>
    %broadcast_in_dim3A_9 = vector.shape_cast %broadcast_in_dim3A : vector<128x1x128xf32> to vector<128x1x128xf32>
    %broadcast_in_dim3A_10 = vector.broadcast %broadcast_in_dim3A_9 : vector<128x1x128xf32> to vector<128x20x128xf32>
    %reshape3A = vector.shape_cast %broadcast_in_dim3A_10 : vector<128x20x128xf32> to vector<2560x128xf32>
    %sub3A = arith.subf %get3A_3, %reshape3A : vector<2560x128xf32>
    %concatenate3A = tpu.concatenate %sub3A, %sub3A, %reshape3A, %reshape3A in 1 : vector<2560x128xf32>, vector<2560x128xf32>, vector<2560x128xf32>, vector<2560x128xf32> -> vector<2560x512xf32>
    %get3A_11 = arith.constant 0 : index
    %get3A_12 = arith.constant 0 : index
    %get3A_13 = vector.load %arg4[%get3A_11, %get3A_12] : memref<256x512xf32, #tpu.memory_space<vmem>>, vector<256x512xf32>
    %dot_general3A = arith.constant dense<0.000000e+00> : vector<2560x256xf32>
    %dot_general3A_14 = tpu.matmul %concatenate3A, %get3A_13, %dot_general3A {dimension_numbers = #tpu.dot_dimension_numbers<[1], [1], [0], [0], [0, 0, 1, 0], [], []>, transpose_lhs_hint = false} : vector<2560x512xf32>, vector<256x512xf32>, vector<2560x256xf32> -> vector<2560x256xf32>
    %reshape3A_15 = vector.shape_cast %dot_general3A_14 : vector<2560x256xf32> to vector<128x20x256xf32>
    %reduce_max3A = arith.constant dense<0xFF800000> : vector<128x256xf32>
    %reduce_max3A_16 = vector.multi_reduction <maximumf>, %reshape3A_15, %reduce_max3A [1] : vector<128x20x256xf32> to vector<128x256xf32>
    %swap3A = arith.constant 0 : index
    %swap3A_17 = arith.constant 0 : index
    %swap3A_18 = arith.constant 0 : index
    %swap3A_19 = vector.load %arg5[%swap3A, %swap3A_17, %swap3A_18] : memref<1x128x256xf32, #tpu.memory_space<vmem>>, vector<1x128x256xf32>
    %swap3A_20 = vector.shape_cast %swap3A_19 : vector<1x128x256xf32> to vector<128x256xf32>
    %swap3A_21 = vector.shape_cast %reduce_max3A_16 : vector<128x256xf32> to vector<1x128x256xf32>
    tpu.vector_store %arg5[%swap3A, %swap3A_17, %swap3A_18], %swap3A_21 {strides = array<i32>} : memref<1x128x256xf32, #tpu.memory_space<vmem>>, vector<1x128x256xf32>,
    %reduce_min3A = arith.constant dense<0x7F800000> : vector<128x256xf32>
    %reduce_min3A_22 = vector.multi_reduction <minimumf>, %reshape3A_15, %reduce_min3A [1] : vector<128x20x256xf32> to vector<128x256xf32>
    %swap3A_23 = arith.constant 0 : index
    %swap3A_24 = arith.constant 0 : index
    %swap3A_25 = arith.constant 0 : index
    %swap3A_26 = vector.load %arg6[%swap3A_23, %swap3A_24, %swap3A_25] : memref<1x128x256xf32, #tpu.memory_space<vmem>>, vector<1x128x256xf32>
    %swap3A_27 = vector.shape_cast %swap3A_26 : vector<1x128x256xf32> to vector<128x256xf32>
    %swap3A_28 = vector.shape_cast %reduce_min3A_22 : vector<128x256xf32> to vector<1x128x256xf32>
    tpu.vector_store %arg6[%swap3A_23, %swap3A_24, %swap3A_25], %swap3A_28 {strides = array<i32>} : memref<1x128x256xf32, #tpu.memory_space<vmem>>, vector<1x128x256xf32>,
    %reduce_sum3A = arith.constant dense<0.000000e+00> : vector<256xf32>
    %reduce_sum3A_29 = vector.multi_reduction <add>, %dot_general3A_14, %reduce_sum3A [0] : vector<2560x256xf32> to vector<256xf32>
    %swap3A_30 = arith.constant 0 : index
    %swap3A_31 = arith.constant 0 : index
    %swap3A_32 = arith.constant 0 : index
    %swap3A_33 = arith.constant 0 : index
    %swap3A_34 = vector.load %arg7[%swap3A_30, %swap3A_31, %swap3A_32, %swap3A_33] : memref<1x1x2x256xf32, #tpu.memory_space<vmem>>, vector<1x1x1x256xf32>
    %swap3A_35 = vector.shape_cast %swap3A_34 : vector<1x1x1x256xf32> to vector<256xf32>
    %swap3A_36 = vector.shape_cast %reduce_sum3A_29 : vector<256xf32> to vector<1x1x1x256xf32>
    tpu.vector_store %arg7[%swap3A_30, %swap3A_31, %swap3A_32, %swap3A_33], %swap3A_36 {strides = array<i32>} : memref<1x1x2x256xf32, #tpu.memory_space<vmem>>, vector<1x1x1x256xf32>,
    %mul3A = arith.mulf %dot_general3A_14, %dot_general3A_14 : vector<2560x256xf32>
    %reduce_sum3A_37 = arith.constant dense<0.000000e+00> : vector<256xf32>
    %reduce_sum3A_38 = vector.multi_reduction <add>, %mul3A, %reduce_sum3A_37 [0] : vector<2560x256xf32> to vector<256xf32>
    %swap3A_39 = arith.constant 0 : index
    %swap3A_40 = arith.constant 0 : index
    %swap3A_41 = arith.constant 1 : index
    %swap3A_42 = arith.constant 0 : index
    %swap3A_43 = vector.load %arg7[%swap3A_39, %swap3A_40, %swap3A_41, %swap3A_42] : memref<1x1x2x256xf32, #tpu.memory_space<vmem>>, vector<1x1x1x256xf32>
    %swap3A_44 = vector.shape_cast %swap3A_43 : vector<1x1x1x256xf32> to vector<256xf32>
    %swap3A_45 = vector.shape_cast %reduce_sum3A_38 : vector<256xf32> to vector<1x1x1x256xf32>
    tpu.vector_store %arg7[%swap3A_39, %swap3A_40, %swap3A_41, %swap3A_42], %swap3A_45 {strides = array<i32>} : memref<1x1x2x256xf32, #tpu.memory_space<vmem>>, vector<1x1x1x256xf32>,
    return
  }
  func.func @transform_0(%arg0: i32, %arg1: i32) -> (i32, i32, i32) {
    %c0_i32 = arith.constant 0 : i32
    %c0_i32_0 = arith.constant 0 : i32
    return %arg0, %arg1, %c0_i32 : i32, i32, i32
  }
  func.func @transform_1(%arg0: i32, %arg1: i32) -> (i32, i32, i32) {
    %c0_i32 = arith.constant 0 : i32
    %c0_i32_0 = arith.constant 0 : i32
    return %arg0, %arg1, %c0_i32 : i32, i32, i32
  }
  func.func @transform_2(%arg0: i32, %arg1: i32) -> (i32, i32) {
    %c0_i32 = arith.constant 0 : i32
    %c0_i32_0 = arith.constant 0 : i32
    %c0_i32_1 = arith.constant 0 : i32
    return %c0_i32, %c0_i32_0 : i32, i32
  }
  func.func @transform_3(%arg0: i32, %arg1: i32) -> (i32, i32, i32) {
    %c0_i32 = arith.constant 0 : i32
    %c0_i32_0 = arith.constant 0 : i32
    return %arg0, %arg1, %c0_i32 : i32, i32, i32
  }
  func.func @transform_4(%arg0: i32, %arg1: i32) -> (i32, i32, i32) {
    %c0_i32 = arith.constant 0 : i32
    %c0_i32_0 = arith.constant 0 : i32
    return %arg0, %arg1, %c0_i32 : i32, i32, i32
  }
  func.func @transform_5(%arg0: i32, %arg1: i32) -> (i32, i32, i32, i32) {
    %c0_i32 = arith.constant 0 : i32
    %c0_i32_0 = arith.constant 0 : i32
    %c0_i32_1 = arith.constant 0 : i32
    return %arg0, %arg1, %c0_i32, %c0_i32_0 : i32, i32, i32, i32
  }
}

module attributes {stable_mosaic.version = 14 : i64} {
  func.func @_combine_body(%arg0: i32, %arg1: memref<1x1024x256xf32, #tpu.memory_space<vmem>>, %arg2: memref<1x1024x256xf32, #tpu.memory_space<vmem>>, %arg3: memref<8x8x2x256xf32, #tpu.memory_space<vmem>>, %arg4: memref<256xf32, #tpu.memory_space<vmem>>, %arg5: memref<256xf32, #tpu.memory_space<vmem>>, %arg6: memref<1x1024x256xf32, #tpu.memory_space<vmem>>) attributes {dimension_semantics = [#tpu.dimension_semantics<arbitrary>], iteration_bounds = array<i64: 8>, scalar_prefetch = 0 : i64, scratch_operands = 0 : i64, tpu.core_type = #tpu.core_type<tc>, window_params = [{transform_indices = @transform_0, window_bounds = array<i64: 1, 1024, 256>}, {transform_indices = @transform_1, window_bounds = array<i64: 1, 1024, 256>}, {pipeline_mode = #tpu.pipeline_mode<synchronous>, transform_indices = @transform_2, window_bounds = array<i64: 8, 8, 2, 256>}, {pipeline_mode = #tpu.pipeline_mode<synchronous>, transform_indices = @transform_3, window_bounds = array<i64: 256>}, {pipeline_mode = #tpu.pipeline_mode<synchronous>, transform_indices = @transform_4, window_bounds = array<i64: 256>}, {transform_indices = @transform_5, window_bounds = array<i64: 1, 1024, 256>}]} {
    %get3A = arith.constant 0 : index
    %get3A_0 = arith.constant 0 : index
    %get3A_1 = arith.constant 0 : index
    %get3A_2 = arith.constant 0 : index
    %get3A_3 = vector.load %arg3[%get3A, %get3A_0, %get3A_1, %get3A_2] : memref<8x8x2x256xf32, #tpu.memory_space<vmem>>, vector<8x8x2x256xf32>
    %reduce_sum3A = arith.constant dense<0.000000e+00> : vector<2x256xf32>
    %reduce_sum3A_4 = vector.multi_reduction <add>, %get3A_3, %reduce_sum3A [0, 1] : vector<8x8x2x256xf32> to vector<2x256xf32>
    %slice3A = vector.extract_strided_slice %reduce_sum3A_4 {offsets = [0, 0], sizes = [1, 256], strides = [1, 1]} : vector<2x256xf32> to vector<1x256xf32>
    %squeeze3A = vector.shape_cast %slice3A : vector<1x256xf32> to vector<256xf32>
    %div3A = arith.constant 1.638400e+05 : f32
    %div3A_5 = vector.broadcast %div3A : f32 to vector<256xf32>
    %div3A_6 = arith.divf %squeeze3A, %div3A_5 : vector<256xf32>
    %slice3A_7 = vector.extract_strided_slice %reduce_sum3A_4 {offsets = [1, 0], sizes = [1, 256], strides = [1, 1]} : vector<2x256xf32> to vector<1x256xf32>
    %squeeze3A_8 = vector.shape_cast %slice3A_7 : vector<1x256xf32> to vector<256xf32>
    %div3A_9 = arith.constant 1.638400e+05 : f32
    %div3A_10 = vector.broadcast %div3A_9 : f32 to vector<256xf32>
    %div3A_11 = arith.divf %squeeze3A_8, %div3A_10 : vector<256xf32>
    %mul3A = arith.mulf %div3A_6, %div3A_6 : vector<256xf32>
    %sub3A = arith.subf %div3A_11, %mul3A : vector<256xf32>
    %get3A_12 = arith.constant 0 : index
    %get3A_13 = vector.load %arg4[%get3A_12] : memref<256xf32, #tpu.memory_space<vmem>>, vector<256xf32>
    %add3A = arith.constant 9.99999974E-6 : f32
    %add3A_14 = vector.broadcast %add3A : f32 to vector<256xf32>
    %add3A_15 = arith.addf %sub3A, %add3A_14 : vector<256xf32>
    %sqrt3A = math.sqrt %add3A_15 : vector<256xf32>
    %div3A_16 = arith.divf %get3A_13, %sqrt3A : vector<256xf32>
    %ge3A = arith.constant 0.000000e+00 : f32
    %ge3A_17 = vector.broadcast %ge3A : f32 to vector<256xf32>
    %ge3A_18 = arith.cmpf oge, %div3A_16, %ge3A_17 : vector<256xf32>
    %broadcast_in_dim3A = vector.shape_cast %ge3A_18 : vector<256xi1> to vector<1x256xi1>
    %get3A_19 = arith.constant 0 : index
    %get3A_20 = arith.constant 0 : index
    %get3A_21 = arith.constant 0 : index
    %get3A_22 = vector.load %arg1[%get3A_19, %get3A_20, %get3A_21] : memref<1x1024x256xf32, #tpu.memory_space<vmem>>, vector<1x1024x256xf32>
    %get3A_23 = vector.shape_cast %get3A_22 : vector<1x1024x256xf32> to vector<1024x256xf32>
    %get3A_24 = arith.constant 0 : index
    %get3A_25 = arith.constant 0 : index
    %get3A_26 = arith.constant 0 : index
    %get3A_27 = vector.load %arg2[%get3A_24, %get3A_25, %get3A_26] : memref<1x1024x256xf32, #tpu.memory_space<vmem>>, vector<1x1024x256xf32>
    %get3A_28 = vector.shape_cast %get3A_27 : vector<1x1024x256xf32> to vector<1024x256xf32>
    %broadcast_in_dim3A_29 = vector.shape_cast %broadcast_in_dim3A : vector<1x256xi1> to vector<1x256xi1>
    %broadcast_in_dim3A_30 = vector.broadcast %broadcast_in_dim3A_29 : vector<1x256xi1> to vector<1024x256xi1>
    %select_n3A = arith.select %broadcast_in_dim3A_30, %get3A_23, %get3A_28 : vector<1024x256xi1>, vector<1024x256xf32>
    %broadcast_in_dim3A_31 = vector.shape_cast %div3A_16 : vector<256xf32> to vector<1x256xf32>
    %broadcast_in_dim3A_32 = vector.shape_cast %div3A_6 : vector<256xf32> to vector<1x256xf32>
    %sub3A_33 = vector.broadcast %broadcast_in_dim3A_32 : vector<1x256xf32> to vector<1024x256xf32>
    %sub3A_34 = arith.subf %select_n3A, %sub3A_33 : vector<1024x256xf32>
    %mul3A_35 = vector.broadcast %broadcast_in_dim3A_31 : vector<1x256xf32> to vector<1024x256xf32>
    %mul3A_36 = arith.mulf %mul3A_35, %sub3A_34 : vector<1024x256xf32>
    %get3A_37 = arith.constant 0 : index
    %get3A_38 = vector.load %arg5[%get3A_37] : memref<256xf32, #tpu.memory_space<vmem>>, vector<256xf32>
    %broadcast_in_dim3A_39 = vector.shape_cast %get3A_38 : vector<256xf32> to vector<1x256xf32>
    %add3A_40 = vector.broadcast %broadcast_in_dim3A_39 : vector<1x256xf32> to vector<1024x256xf32>
    %add3A_41 = arith.addf %mul3A_36, %add3A_40 : vector<1024x256xf32>
    %ge3A_42 = arith.constant 0.000000e+00 : f32
    %ge3A_43 = vector.broadcast %ge3A_42 : f32 to vector<1024x256xf32>
    %ge3A_44 = arith.cmpf oge, %add3A_41, %ge3A_43 : vector<1024x256xf32>
    %mul3A_45 = arith.constant 2.000000e-01 : f32
    %mul3A_46 = vector.broadcast %mul3A_45 : f32 to vector<1024x256xf32>
    %mul3A_47 = arith.mulf %mul3A_46, %add3A_41 : vector<1024x256xf32>
    %select_n3A_48 = arith.select %ge3A_44, %add3A_41, %mul3A_47 : vector<1024x256xi1>, vector<1024x256xf32>
    %swap3A = arith.constant 0 : index
    %swap3A_49 = arith.constant 0 : index
    %swap3A_50 = arith.constant 0 : index
    %swap3A_51 = vector.load %arg6[%swap3A, %swap3A_49, %swap3A_50] : memref<1x1024x256xf32, #tpu.memory_space<vmem>>, vector<1x1024x256xf32>
    %swap3A_52 = vector.shape_cast %swap3A_51 : vector<1x1024x256xf32> to vector<1024x256xf32>
    %swap3A_53 = vector.shape_cast %select_n3A_48 : vector<1024x256xf32> to vector<1x1024x256xf32>
    tpu.vector_store %arg6[%swap3A, %swap3A_49, %swap3A_50], %swap3A_53 {strides = array<i32>} : memref<1x1024x256xf32, #tpu.memory_space<vmem>>, vector<1x1024x256xf32>,
    return
  }
  func.func @transform_0(%arg0: i32) -> (i32, i32, i32) {
    %c0_i32 = arith.constant 0 : i32
    %c0_i32_0 = arith.constant 0 : i32
    %c0_i32_1 = arith.constant 0 : i32
    return %arg0, %c0_i32, %c0_i32_0 : i32, i32, i32
  }
  func.func @transform_1(%arg0: i32) -> (i32, i32, i32) {
    %c0_i32 = arith.constant 0 : i32
    %c0_i32_0 = arith.constant 0 : i32
    %c0_i32_1 = arith.constant 0 : i32
    return %arg0, %c0_i32, %c0_i32_0 : i32, i32, i32
  }
  func.func @transform_2(%arg0: i32) -> (i32, i32, i32, i32) {
    %c0_i32 = arith.constant 0 : i32
    %c0_i32_0 = arith.constant 0 : i32
    %c0_i32_1 = arith.constant 0 : i32
    %c0_i32_2 = arith.constant 0 : i32
    %c0_i32_3 = arith.constant 0 : i32
    return %c0_i32, %c0_i32_0, %c0_i32_1, %c0_i32_2 : i32, i32, i32, i32
  }
  func.func @transform_3(%arg0: i32) -> i32 {
    %c0_i32 = arith.constant 0 : i32
    %c0_i32_0 = arith.constant 0 : i32
    return %c0_i32 : i32
  }
  func.func @transform_4(%arg0: i32) -> i32 {
    %c0_i32 = arith.constant 0 : i32
    %c0_i32_0 = arith.constant 0 : i32
    return %c0_i32 : i32
  }
  func.func @transform_5(%arg0: i32) -> (i32, i32, i32) {
    %c0_i32 = arith.constant 0 : i32
    %c0_i32_0 = arith.constant 0 : i32
    %c0_i32_1 = arith.constant 0 : i32
    return %arg0, %c0_i32, %c0_i32_0 : i32, i32, i32
  }
}

module attributes {stable_mosaic.version = 14 : i64} {
  func.func @_head_body(%arg0: i32, %arg1: memref<1x1024x128xf32, #tpu.memory_space<vmem>>, %arg2: memref<1024x128xf32, #tpu.memory_space<vmem>>, %arg3: memref<1x1x1024xf32, #tpu.memory_space<vmem>>, %arg4: memref<1x1x1024xf32, #tpu.memory_space<vmem>>, %arg5: memref<1x1x1024xf32, #tpu.memory_space<vmem>>, %arg6: memref<1x1x1024xf32, #tpu.memory_space<vmem>>) attributes {dimension_semantics = [#tpu.dimension_semantics<arbitrary>], iteration_bounds = array<i64: 8>, scalar_prefetch = 0 : i64, scratch_operands = 0 : i64, tpu.core_type = #tpu.core_type<tc>, window_params = [{transform_indices = @transform_0, window_bounds = array<i64: 1, 1024, 128>}, {pipeline_mode = #tpu.pipeline_mode<synchronous>, transform_indices = @transform_1, window_bounds = array<i64: 1024, 128>}, {transform_indices = @transform_2, window_bounds = array<i64: 1, 1, 1024>}, {transform_indices = @transform_3, window_bounds = array<i64: 1, 1, 1024>}, {transform_indices = @transform_4, window_bounds = array<i64: 1, 1, 1024>}, {transform_indices = @transform_5, window_bounds = array<i64: 1, 1, 1024>}]} {
    %get3A = arith.constant 0 : index
    %get3A_0 = arith.constant 0 : index
    %get3A_1 = arith.constant 0 : index
    %get3A_2 = vector.load %arg1[%get3A, %get3A_0, %get3A_1] : memref<1x1024x128xf32, #tpu.memory_space<vmem>>, vector<1x1024x128xf32>
    %get3A_3 = vector.shape_cast %get3A_2 : vector<1x1024x128xf32> to vector<1024x128xf32>
    %get3A_4 = arith.constant 0 : index
    %get3A_5 = arith.constant 0 : index
    %get3A_6 = vector.load %arg2[%get3A_4, %get3A_5] : memref<1024x128xf32, #tpu.memory_space<vmem>>, vector<1024x128xf32>
    %dot_general3A = arith.constant dense<0.000000e+00> : vector<1024x1024xf32>
    %dot_general3A_7 = tpu.matmul %get3A_3, %get3A_6, %dot_general3A {dimension_numbers = #tpu.dot_dimension_numbers<[1], [1], [0], [0], [0, 0, 1, 0], [], []>, transpose_lhs_hint = false} : vector<1024x128xf32>, vector<1024x128xf32>, vector<1024x1024xf32> -> vector<1024x1024xf32>
    %reduce_max3A = arith.constant dense<0xFF800000> : vector<1024xf32>
    %reduce_max3A_8 = vector.multi_reduction <maximumf>, %dot_general3A_7, %reduce_max3A [0] : vector<1024x1024xf32> to vector<1024xf32>
    %swap3A = arith.constant 0 : index
    %swap3A_9 = arith.constant 0 : index
    %swap3A_10 = arith.constant 0 : index
    %swap3A_11 = vector.load %arg3[%swap3A, %swap3A_9, %swap3A_10] : memref<1x1x1024xf32, #tpu.memory_space<vmem>>, vector<1x1x1024xf32>
    %swap3A_12 = vector.shape_cast %swap3A_11 : vector<1x1x1024xf32> to vector<1024xf32>
    %swap3A_13 = vector.shape_cast %reduce_max3A_8 : vector<1024xf32> to vector<1x1x1024xf32>
    tpu.vector_store %arg3[%swap3A, %swap3A_9, %swap3A_10], %swap3A_13 {strides = array<i32>} : memref<1x1x1024xf32, #tpu.memory_space<vmem>>, vector<1x1x1024xf32>,
    %reduce_min3A = arith.constant dense<0x7F800000> : vector<1024xf32>
    %reduce_min3A_14 = vector.multi_reduction <minimumf>, %dot_general3A_7, %reduce_min3A [0] : vector<1024x1024xf32> to vector<1024xf32>
    %swap3A_15 = arith.constant 0 : index
    %swap3A_16 = arith.constant 0 : index
    %swap3A_17 = arith.constant 0 : index
    %swap3A_18 = vector.load %arg4[%swap3A_15, %swap3A_16, %swap3A_17] : memref<1x1x1024xf32, #tpu.memory_space<vmem>>, vector<1x1x1024xf32>
    %swap3A_19 = vector.shape_cast %swap3A_18 : vector<1x1x1024xf32> to vector<1024xf32>
    %swap3A_20 = vector.shape_cast %reduce_min3A_14 : vector<1024xf32> to vector<1x1x1024xf32>
    tpu.vector_store %arg4[%swap3A_15, %swap3A_16, %swap3A_17], %swap3A_20 {strides = array<i32>} : memref<1x1x1024xf32, #tpu.memory_space<vmem>>, vector<1x1x1024xf32>,
    %reduce_sum3A = arith.constant dense<0.000000e+00> : vector<1024xf32>
    %reduce_sum3A_21 = vector.multi_reduction <add>, %dot_general3A_7, %reduce_sum3A [0] : vector<1024x1024xf32> to vector<1024xf32>
    %swap3A_22 = arith.constant 0 : index
    %swap3A_23 = arith.constant 0 : index
    %swap3A_24 = arith.constant 0 : index
    %swap3A_25 = vector.load %arg5[%swap3A_22, %swap3A_23, %swap3A_24] : memref<1x1x1024xf32, #tpu.memory_space<vmem>>, vector<1x1x1024xf32>
    %swap3A_26 = vector.shape_cast %swap3A_25 : vector<1x1x1024xf32> to vector<1024xf32>
    %swap3A_27 = vector.shape_cast %reduce_sum3A_21 : vector<1024xf32> to vector<1x1x1024xf32>
    tpu.vector_store %arg5[%swap3A_22, %swap3A_23, %swap3A_24], %swap3A_27 {strides = array<i32>} : memref<1x1x1024xf32, #tpu.memory_space<vmem>>, vector<1x1x1024xf32>,
    %mul3A = arith.mulf %dot_general3A_7, %dot_general3A_7 : vector<1024x1024xf32>
    %reduce_sum3A_28 = arith.constant dense<0.000000e+00> : vector<1024xf32>
    %reduce_sum3A_29 = vector.multi_reduction <add>, %mul3A, %reduce_sum3A_28 [0] : vector<1024x1024xf32> to vector<1024xf32>
    %swap3A_30 = arith.constant 0 : index
    %swap3A_31 = arith.constant 0 : index
    %swap3A_32 = arith.constant 0 : index
    %swap3A_33 = vector.load %arg6[%swap3A_30, %swap3A_31, %swap3A_32] : memref<1x1x1024xf32, #tpu.memory_space<vmem>>, vector<1x1x1024xf32>
    %swap3A_34 = vector.shape_cast %swap3A_33 : vector<1x1x1024xf32> to vector<1024xf32>
    %swap3A_35 = vector.shape_cast %reduce_sum3A_29 : vector<1024xf32> to vector<1x1x1024xf32>
    tpu.vector_store %arg6[%swap3A_30, %swap3A_31, %swap3A_32], %swap3A_35 {strides = array<i32>} : memref<1x1x1024xf32, #tpu.memory_space<vmem>>, vector<1x1x1024xf32>,
    return
  }
  func.func @transform_0(%arg0: i32) -> (i32, i32, i32) {
    %c0_i32 = arith.constant 0 : i32
    %c0_i32_0 = arith.constant 0 : i32
    %c0_i32_1 = arith.constant 0 : i32
    return %arg0, %c0_i32, %c0_i32_0 : i32, i32, i32
  }
  func.func @transform_1(%arg0: i32) -> (i32, i32) {
    %c0_i32 = arith.constant 0 : i32
    %c0_i32_0 = arith.constant 0 : i32
    %c0_i32_1 = arith.constant 0 : i32
    return %c0_i32, %c0_i32_0 : i32, i32
  }
  func.func @transform_2(%arg0: i32) -> (i32, i32, i32) {
    %c0_i32 = arith.constant 0 : i32
    %c0_i32_0 = arith.constant 0 : i32
    %c0_i32_1 = arith.constant 0 : i32
    return %arg0, %c0_i32, %c0_i32_0 : i32, i32, i32
  }
  func.func @transform_3(%arg0: i32) -> (i32, i32, i32) {
    %c0_i32 = arith.constant 0 : i32
    %c0_i32_0 = arith.constant 0 : i32
    %c0_i32_1 = arith.constant 0 : i32
    return %arg0, %c0_i32, %c0_i32_0 : i32, i32, i32
  }
  func.func @transform_4(%arg0: i32) -> (i32, i32, i32) {
    %c0_i32 = arith.constant 0 : i32
    %c0_i32_0 = arith.constant 0 : i32
    %c0_i32_1 = arith.constant 0 : i32
    return %arg0, %c0_i32, %c0_i32_0 : i32, i32, i32
  }
  func.func @transform_5(%arg0: i32) -> (i32, i32, i32) {
    %c0_i32 = arith.constant 0 : i32
    %c0_i32_0 = arith.constant 0 : i32
    %c0_i32_1 = arith.constant 0 : i32
    return %arg0, %c0_i32, %c0_i32_0 : i32, i32, i32
  }
}

module attributes {stable_mosaic.version = 14 : i64} {
  func.func @_conv_body(%arg0: i32, %arg1: i32, %arg2: memref<1x2560x256xf32, #tpu.memory_space<vmem>>, %arg3: memref<1x128x256xf32, #tpu.memory_space<vmem>>, %arg4: memref<256x512xf32, #tpu.memory_space<vmem>>, %arg5: memref<1x128x256xf32, #tpu.memory_space<vmem>>, %arg6: memref<1x128x256xf32, #tpu.memory_space<vmem>>, %arg7: memref<1x1x2x256xf32, #tpu.memory_space<vmem>>) attributes {dimension_semantics = [#tpu.dimension_semantics<arbitrary>, #tpu.dimension_semantics<arbitrary>], iteration_bounds = array<i64: 8, 8>, scalar_prefetch = 0 : i64, scratch_operands = 0 : i64, tpu.core_type = #tpu.core_type<tc>, window_params = [{transform_indices = @transform_0, window_bounds = array<i64: 1, 2560, 256>}, {transform_indices = @transform_1, window_bounds = array<i64: 1, 128, 256>}, {pipeline_mode = #tpu.pipeline_mode<synchronous>, transform_indices = @transform_2, window_bounds = array<i64: 256, 512>}, {transform_indices = @transform_3, window_bounds = array<i64: 1, 128, 256>}, {transform_indices = @transform_4, window_bounds = array<i64: 1, 128, 256>}, {transform_indices = @transform_5, window_bounds = array<i64: 1, 1, 2, 256>}]} {
    %get3A = arith.constant 0 : index
    %get3A_0 = arith.constant 0 : index
    %get3A_1 = arith.constant 0 : index
    %get3A_2 = vector.load %arg2[%get3A, %get3A_0, %get3A_1] : memref<1x2560x256xf32, #tpu.memory_space<vmem>>, vector<1x2560x256xf32>
    %get3A_3 = vector.shape_cast %get3A_2 : vector<1x2560x256xf32> to vector<2560x256xf32>
    %get3A_4 = arith.constant 0 : index
    %get3A_5 = arith.constant 0 : index
    %get3A_6 = arith.constant 0 : index
    %get3A_7 = vector.load %arg3[%get3A_4, %get3A_5, %get3A_6] : memref<1x128x256xf32, #tpu.memory_space<vmem>>, vector<1x128x256xf32>
    %get3A_8 = vector.shape_cast %get3A_7 : vector<1x128x256xf32> to vector<128x256xf32>
    %broadcast_in_dim3A = vector.shape_cast %get3A_8 : vector<128x256xf32> to vector<128x1x256xf32>
    %broadcast_in_dim3A_9 = vector.shape_cast %broadcast_in_dim3A : vector<128x1x256xf32> to vector<128x1x256xf32>
    %broadcast_in_dim3A_10 = vector.broadcast %broadcast_in_dim3A_9 : vector<128x1x256xf32> to vector<128x20x256xf32>
    %reshape3A = vector.shape_cast %broadcast_in_dim3A_10 : vector<128x20x256xf32> to vector<2560x256xf32>
    %sub3A = arith.subf %get3A_3, %reshape3A : vector<2560x256xf32>
    %concatenate3A = tpu.concatenate %sub3A, %reshape3A in 1 : vector<2560x256xf32>, vector<2560x256xf32> -> vector<2560x512xf32>
    %get3A_11 = arith.constant 0 : index
    %get3A_12 = arith.constant 0 : index
    %get3A_13 = vector.load %arg4[%get3A_11, %get3A_12] : memref<256x512xf32, #tpu.memory_space<vmem>>, vector<256x512xf32>
    %dot_general3A = arith.constant dense<0.000000e+00> : vector<2560x256xf32>
    %dot_general3A_14 = tpu.matmul %concatenate3A, %get3A_13, %dot_general3A {dimension_numbers = #tpu.dot_dimension_numbers<[1], [1], [0], [0], [0, 0, 1, 0], [], []>, transpose_lhs_hint = false} : vector<2560x512xf32>, vector<256x512xf32>, vector<2560x256xf32> -> vector<2560x256xf32>
    %reshape3A_15 = vector.shape_cast %dot_general3A_14 : vector<2560x256xf32> to vector<128x20x256xf32>
    %reduce_max3A = arith.constant dense<0xFF800000> : vector<128x256xf32>
    %reduce_max3A_16 = vector.multi_reduction <maximumf>, %reshape3A_15, %reduce_max3A [1] : vector<128x20x256xf32> to vector<128x256xf32>
    %swap3A = arith.constant 0 : index
    %swap3A_17 = arith.constant 0 : index
    %swap3A_18 = arith.constant 0 : index
    %swap3A_19 = vector.load %arg5[%swap3A, %swap3A_17, %swap3A_18] : memref<1x128x256xf32, #tpu.memory_space<vmem>>, vector<1x128x256xf32>
    %swap3A_20 = vector.shape_cast %swap3A_19 : vector<1x128x256xf32> to vector<128x256xf32>
    %swap3A_21 = vector.shape_cast %reduce_max3A_16 : vector<128x256xf32> to vector<1x128x256xf32>
    tpu.vector_store %arg5[%swap3A, %swap3A_17, %swap3A_18], %swap3A_21 {strides = array<i32>} : memref<1x128x256xf32, #tpu.memory_space<vmem>>, vector<1x128x256xf32>,
    %reduce_min3A = arith.constant dense<0x7F800000> : vector<128x256xf32>
    %reduce_min3A_22 = vector.multi_reduction <minimumf>, %reshape3A_15, %reduce_min3A [1] : vector<128x20x256xf32> to vector<128x256xf32>
    %swap3A_23 = arith.constant 0 : index
    %swap3A_24 = arith.constant 0 : index
    %swap3A_25 = arith.constant 0 : index
    %swap3A_26 = vector.load %arg6[%swap3A_23, %swap3A_24, %swap3A_25] : memref<1x128x256xf32, #tpu.memory_space<vmem>>, vector<1x128x256xf32>
    %swap3A_27 = vector.shape_cast %swap3A_26 : vector<1x128x256xf32> to vector<128x256xf32>
    %swap3A_28 = vector.shape_cast %reduce_min3A_22 : vector<128x256xf32> to vector<1x128x256xf32>
    tpu.vector_store %arg6[%swap3A_23, %swap3A_24, %swap3A_25], %swap3A_28 {strides = array<i32>} : memref<1x128x256xf32, #tpu.memory_space<vmem>>, vector<1x128x256xf32>,
    %reduce_sum3A = arith.constant dense<0.000000e+00> : vector<256xf32>
    %reduce_sum3A_29 = vector.multi_reduction <add>, %dot_general3A_14, %reduce_sum3A [0] : vector<2560x256xf32> to vector<256xf32>
    %swap3A_30 = arith.constant 0 : index
    %swap3A_31 = arith.constant 0 : index
    %swap3A_32 = arith.constant 0 : index
    %swap3A_33 = arith.constant 0 : index
    %swap3A_34 = vector.load %arg7[%swap3A_30, %swap3A_31, %swap3A_32, %swap3A_33] : memref<1x1x2x256xf32, #tpu.memory_space<vmem>>, vector<1x1x1x256xf32>
    %swap3A_35 = vector.shape_cast %swap3A_34 : vector<1x1x1x256xf32> to vector<256xf32>
    %swap3A_36 = vector.shape_cast %reduce_sum3A_29 : vector<256xf32> to vector<1x1x1x256xf32>
    tpu.vector_store %arg7[%swap3A_30, %swap3A_31, %swap3A_32, %swap3A_33], %swap3A_36 {strides = array<i32>} : memref<1x1x2x256xf32, #tpu.memory_space<vmem>>, vector<1x1x1x256xf32>,
    %mul3A = arith.mulf %dot_general3A_14, %dot_general3A_14 : vector<2560x256xf32>
    %reduce_sum3A_37 = arith.constant dense<0.000000e+00> : vector<256xf32>
    %reduce_sum3A_38 = vector.multi_reduction <add>, %mul3A, %reduce_sum3A_37 [0] : vector<2560x256xf32> to vector<256xf32>
    %swap3A_39 = arith.constant 0 : index
    %swap3A_40 = arith.constant 0 : index
    %swap3A_41 = arith.constant 1 : index
    %swap3A_42 = arith.constant 0 : index
    %swap3A_43 = vector.load %arg7[%swap3A_39, %swap3A_40, %swap3A_41, %swap3A_42] : memref<1x1x2x256xf32, #tpu.memory_space<vmem>>, vector<1x1x1x256xf32>
    %swap3A_44 = vector.shape_cast %swap3A_43 : vector<1x1x1x256xf32> to vector<256xf32>
    %swap3A_45 = vector.shape_cast %reduce_sum3A_38 : vector<256xf32> to vector<1x1x1x256xf32>
    tpu.vector_store %arg7[%swap3A_39, %swap3A_40, %swap3A_41, %swap3A_42], %swap3A_45 {strides = array<i32>} : memref<1x1x2x256xf32, #tpu.memory_space<vmem>>, vector<1x1x1x256xf32>,
    return
  }
  func.func @transform_0(%arg0: i32, %arg1: i32) -> (i32, i32, i32) {
    %c0_i32 = arith.constant 0 : i32
    %c0_i32_0 = arith.constant 0 : i32
    return %arg0, %arg1, %c0_i32 : i32, i32, i32
  }
  func.func @transform_1(%arg0: i32, %arg1: i32) -> (i32, i32, i32) {
    %c0_i32 = arith.constant 0 : i32
    %c0_i32_0 = arith.constant 0 : i32
    return %arg0, %arg1, %c0_i32 : i32, i32, i32
  }
  func.func @transform_2(%arg0: i32, %arg1: i32) -> (i32, i32) {
    %c0_i32 = arith.constant 0 : i32
    %c0_i32_0 = arith.constant 0 : i32
    %c0_i32_1 = arith.constant 0 : i32
    return %c0_i32, %c0_i32_0 : i32, i32
  }
  func.func @transform_3(%arg0: i32, %arg1: i32) -> (i32, i32, i32) {
    %c0_i32 = arith.constant 0 : i32
    %c0_i32_0 = arith.constant 0 : i32
    return %arg0, %arg1, %c0_i32 : i32, i32, i32
  }
  func.func @transform_4(%arg0: i32, %arg1: i32) -> (i32, i32, i32) {
    %c0_i32 = arith.constant 0 : i32
    %c0_i32_0 = arith.constant 0 : i32
    return %arg0, %arg1, %c0_i32 : i32, i32, i32
  }
  func.func @transform_5(%arg0: i32, %arg1: i32) -> (i32, i32, i32, i32) {
    %c0_i32 = arith.constant 0 : i32
    %c0_i32_0 = arith.constant 0 : i32
    %c0_i32_1 = arith.constant 0 : i32
    return %arg0, %arg1, %c0_i32, %c0_i32_0 : i32, i32, i32, i32
  }
}

module attributes {stable_mosaic.version = 14 : i64} {
  func.func @_head_body(%arg0: i32, %arg1: memref<1x1024x512xf32, #tpu.memory_space<vmem>>, %arg2: memref<1024x512xf32, #tpu.memory_space<vmem>>, %arg3: memref<1x1x1024xf32, #tpu.memory_space<vmem>>, %arg4: memref<1x1x1024xf32, #tpu.memory_space<vmem>>, %arg5: memref<1x1x1024xf32, #tpu.memory_space<vmem>>, %arg6: memref<1x1x1024xf32, #tpu.memory_space<vmem>>) attributes {dimension_semantics = [#tpu.dimension_semantics<arbitrary>], iteration_bounds = array<i64: 8>, scalar_prefetch = 0 : i64, scratch_operands = 0 : i64, tpu.core_type = #tpu.core_type<tc>, window_params = [{transform_indices = @transform_0, window_bounds = array<i64: 1, 1024, 512>}, {pipeline_mode = #tpu.pipeline_mode<synchronous>, transform_indices = @transform_1, window_bounds = array<i64: 1024, 512>}, {transform_indices = @transform_2, window_bounds = array<i64: 1, 1, 1024>}, {transform_indices = @transform_3, window_bounds = array<i64: 1, 1, 1024>}, {transform_indices = @transform_4, window_bounds = array<i64: 1, 1, 1024>}, {transform_indices = @transform_5, window_bounds = array<i64: 1, 1, 1024>}]} {
    %get3A = arith.constant 0 : index
    %get3A_0 = arith.constant 0 : index
    %get3A_1 = arith.constant 0 : index
    %get3A_2 = vector.load %arg1[%get3A, %get3A_0, %get3A_1] : memref<1x1024x512xf32, #tpu.memory_space<vmem>>, vector<1x1024x512xf32>
    %get3A_3 = vector.shape_cast %get3A_2 : vector<1x1024x512xf32> to vector<1024x512xf32>
    %get3A_4 = arith.constant 0 : index
    %get3A_5 = arith.constant 0 : index
    %get3A_6 = vector.load %arg2[%get3A_4, %get3A_5] : memref<1024x512xf32, #tpu.memory_space<vmem>>, vector<1024x512xf32>
    %dot_general3A = arith.constant dense<0.000000e+00> : vector<1024x1024xf32>
    %dot_general3A_7 = tpu.matmul %get3A_3, %get3A_6, %dot_general3A {dimension_numbers = #tpu.dot_dimension_numbers<[1], [1], [0], [0], [0, 0, 1, 0], [], []>, transpose_lhs_hint = false} : vector<1024x512xf32>, vector<1024x512xf32>, vector<1024x1024xf32> -> vector<1024x1024xf32>
    %reduce_max3A = arith.constant dense<0xFF800000> : vector<1024xf32>
    %reduce_max3A_8 = vector.multi_reduction <maximumf>, %dot_general3A_7, %reduce_max3A [0] : vector<1024x1024xf32> to vector<1024xf32>
    %swap3A = arith.constant 0 : index
    %swap3A_9 = arith.constant 0 : index
    %swap3A_10 = arith.constant 0 : index
    %swap3A_11 = vector.load %arg3[%swap3A, %swap3A_9, %swap3A_10] : memref<1x1x1024xf32, #tpu.memory_space<vmem>>, vector<1x1x1024xf32>
    %swap3A_12 = vector.shape_cast %swap3A_11 : vector<1x1x1024xf32> to vector<1024xf32>
    %swap3A_13 = vector.shape_cast %reduce_max3A_8 : vector<1024xf32> to vector<1x1x1024xf32>
    tpu.vector_store %arg3[%swap3A, %swap3A_9, %swap3A_10], %swap3A_13 {strides = array<i32>} : memref<1x1x1024xf32, #tpu.memory_space<vmem>>, vector<1x1x1024xf32>,
    %reduce_min3A = arith.constant dense<0x7F800000> : vector<1024xf32>
    %reduce_min3A_14 = vector.multi_reduction <minimumf>, %dot_general3A_7, %reduce_min3A [0] : vector<1024x1024xf32> to vector<1024xf32>
    %swap3A_15 = arith.constant 0 : index
    %swap3A_16 = arith.constant 0 : index
    %swap3A_17 = arith.constant 0 : index
    %swap3A_18 = vector.load %arg4[%swap3A_15, %swap3A_16, %swap3A_17] : memref<1x1x1024xf32, #tpu.memory_space<vmem>>, vector<1x1x1024xf32>
    %swap3A_19 = vector.shape_cast %swap3A_18 : vector<1x1x1024xf32> to vector<1024xf32>
    %swap3A_20 = vector.shape_cast %reduce_min3A_14 : vector<1024xf32> to vector<1x1x1024xf32>
    tpu.vector_store %arg4[%swap3A_15, %swap3A_16, %swap3A_17], %swap3A_20 {strides = array<i32>} : memref<1x1x1024xf32, #tpu.memory_space<vmem>>, vector<1x1x1024xf32>,
    %reduce_sum3A = arith.constant dense<0.000000e+00> : vector<1024xf32>
    %reduce_sum3A_21 = vector.multi_reduction <add>, %dot_general3A_7, %reduce_sum3A [0] : vector<1024x1024xf32> to vector<1024xf32>
    %swap3A_22 = arith.constant 0 : index
    %swap3A_23 = arith.constant 0 : index
    %swap3A_24 = arith.constant 0 : index
    %swap3A_25 = vector.load %arg5[%swap3A_22, %swap3A_23, %swap3A_24] : memref<1x1x1024xf32, #tpu.memory_space<vmem>>, vector<1x1x1024xf32>
    %swap3A_26 = vector.shape_cast %swap3A_25 : vector<1x1x1024xf32> to vector<1024xf32>
    %swap3A_27 = vector.shape_cast %reduce_sum3A_21 : vector<1024xf32> to vector<1x1x1024xf32>
    tpu.vector_store %arg5[%swap3A_22, %swap3A_23, %swap3A_24], %swap3A_27 {strides = array<i32>} : memref<1x1x1024xf32, #tpu.memory_space<vmem>>, vector<1x1x1024xf32>,
    %mul3A = arith.mulf %dot_general3A_7, %dot_general3A_7 : vector<1024x1024xf32>
    %reduce_sum3A_28 = arith.constant dense<0.000000e+00> : vector<1024xf32>
    %reduce_sum3A_29 = vector.multi_reduction <add>, %mul3A, %reduce_sum3A_28 [0] : vector<1024x1024xf32> to vector<1024xf32>
    %swap3A_30 = arith.constant 0 : index
    %swap3A_31 = arith.constant 0 : index
    %swap3A_32 = arith.constant 0 : index
    %swap3A_33 = vector.load %arg6[%swap3A_30, %swap3A_31, %swap3A_32] : memref<1x1x1024xf32, #tpu.memory_space<vmem>>, vector<1x1x1024xf32>
    %swap3A_34 = vector.shape_cast %swap3A_33 : vector<1x1x1024xf32> to vector<1024xf32>
    %swap3A_35 = vector.shape_cast %reduce_sum3A_29 : vector<1024xf32> to vector<1x1x1024xf32>
    tpu.vector_store %arg6[%swap3A_30, %swap3A_31, %swap3A_32], %swap3A_35 {strides = array<i32>} : memref<1x1x1024xf32, #tpu.memory_space<vmem>>, vector<1x1x1024xf32>,
    return
  }
  func.func @transform_0(%arg0: i32) -> (i32, i32, i32) {
    %c0_i32 = arith.constant 0 : i32
    %c0_i32_0 = arith.constant 0 : i32
    %c0_i32_1 = arith.constant 0 : i32
    return %arg0, %c0_i32, %c0_i32_0 : i32, i32, i32
  }
  func.func @transform_1(%arg0: i32) -> (i32, i32) {
    %c0_i32 = arith.constant 0 : i32
    %c0_i32_0 = arith.constant 0 : i32
    %c0_i32_1 = arith.constant 0 : i32
    return %c0_i32, %c0_i32_0 : i32, i32
  }
  func.func @transform_2(%arg0: i32) -> (i32, i32, i32) {
    %c0_i32 = arith.constant 0 : i32
    %c0_i32_0 = arith.constant 0 : i32
    %c0_i32_1 = arith.constant 0 : i32
    return %arg0, %c0_i32, %c0_i32_0 : i32, i32, i32
  }
  func.func @transform_3(%arg0: i32) -> (i32, i32, i32) {
    %c0_i32 = arith.constant 0 : i32
    %c0_i32_0 = arith.constant 0 : i32
    %c0_i32_1 = arith.constant 0 : i32
    return %arg0, %c0_i32, %c0_i32_0 : i32, i32, i32
  }
  func.func @transform_4(%arg0: i32) -> (i32, i32, i32) {
    %c0_i32 = arith.constant 0 : i32
    %c0_i32_0 = arith.constant 0 : i32
    %c0_i32_1 = arith.constant 0 : i32
    return %arg0, %c0_i32, %c0_i32_0 : i32, i32, i32
  }
  func.func @transform_5(%arg0: i32) -> (i32, i32, i32) {
    %c0_i32 = arith.constant 0 : i32
    %c0_i32_0 = arith.constant 0 : i32
    %c0_i32_1 = arith.constant 0 : i32
    return %arg0, %c0_i32, %c0_i32_0 : i32, i32, i32
  }
}

module attributes {stable_mosaic.version = 14 : i64} {
  func.func @_mlp_body(%arg0: memref<8x1024xf32, #tpu.memory_space<vmem>>, %arg1: memref<8x1024xf32, #tpu.memory_space<vmem>>, %arg2: memref<8x1024xf32, #tpu.memory_space<vmem>>, %arg3: memref<8x1024xf32, #tpu.memory_space<vmem>>, %arg4: memref<8x1024xf32, #tpu.memory_space<vmem>>, %arg5: memref<8x1024xf32, #tpu.memory_space<vmem>>, %arg6: memref<8x1024xf32, #tpu.memory_space<vmem>>, %arg7: memref<8x1024xf32, #tpu.memory_space<vmem>>, %arg8: memref<1024xf32, #tpu.memory_space<vmem>>, %arg9: memref<1024xf32, #tpu.memory_space<vmem>>, %arg10: memref<1024xf32, #tpu.memory_space<vmem>>, %arg11: memref<1024xf32, #tpu.memory_space<vmem>>, %arg12: memref<512x2048xf32, #tpu.memory_space<vmem>>, %arg13: memref<512xf32, #tpu.memory_space<vmem>>, %arg14: memref<512xf32, #tpu.memory_space<vmem>>, %arg15: memref<256x512xf32, #tpu.memory_space<vmem>>, %arg16: memref<256xf32, #tpu.memory_space<vmem>>, %arg17: memref<256xf32, #tpu.memory_space<vmem>>, %arg18: memref<256xf32, #tpu.memory_space<vmem>>, %arg19: memref<40x256xf32, #tpu.memory_space<vmem>>, %arg20: memref<40xf32, #tpu.memory_space<vmem>>, %arg21: memref<8x40xf32, #tpu.memory_space<vmem>>) attributes {dimension_semantics = [], scalar_prefetch = 0 : i64, scratch_operands = 0 : i64, tpu.core_type = #tpu.core_type<tc>} {
    %get3A = arith.constant 0 : index
    %get3A_0 = arith.constant 0 : index
    %get3A_1 = vector.load %arg2[%get3A, %get3A_0] : memref<8x1024xf32, #tpu.memory_space<vmem>>, vector<8x1024xf32>
    %reduce_sum3A = arith.constant dense<0.000000e+00> : vector<1024xf32>
    %reduce_sum3A_2 = vector.multi_reduction <add>, %get3A_1, %reduce_sum3A [0] : vector<8x1024xf32> to vector<1024xf32>
    %div3A = arith.constant 8.192000e+03 : f32
    %div3A_3 = vector.broadcast %div3A : f32 to vector<1024xf32>
    %div3A_4 = arith.divf %reduce_sum3A_2, %div3A_3 : vector<1024xf32>
    %get3A_5 = arith.constant 0 : index
    %get3A_6 = arith.constant 0 : index
    %get3A_7 = vector.load %arg3[%get3A_5, %get3A_6] : memref<8x1024xf32, #tpu.memory_space<vmem>>, vector<8x1024xf32>
    %reduce_sum3A_8 = arith.constant dense<0.000000e+00> : vector<1024xf32>
    %reduce_sum3A_9 = vector.multi_reduction <add>, %get3A_7, %reduce_sum3A_8 [0] : vector<8x1024xf32> to vector<1024xf32>
    %div3A_10 = arith.constant 8.192000e+03 : f32
    %div3A_11 = vector.broadcast %div3A_10 : f32 to vector<1024xf32>
    %div3A_12 = arith.divf %reduce_sum3A_9, %div3A_11 : vector<1024xf32>
    %mul3A = arith.mulf %div3A_4, %div3A_4 : vector<1024xf32>
    %sub3A = arith.subf %div3A_12, %mul3A : vector<1024xf32>
    %get3A_13 = arith.constant 0 : index
    %get3A_14 = vector.load %arg8[%get3A_13] : memref<1024xf32, #tpu.memory_space<vmem>>, vector<1024xf32>
    %add3A = arith.constant 9.99999974E-6 : f32
    %add3A_15 = vector.broadcast %add3A : f32 to vector<1024xf32>
    %add3A_16 = arith.addf %sub3A, %add3A_15 : vector<1024xf32>
    %sqrt3A = math.sqrt %add3A_16 : vector<1024xf32>
    %div3A_17 = arith.divf %get3A_14, %sqrt3A : vector<1024xf32>
    %ge3A = arith.constant 0.000000e+00 : f32
    %ge3A_18 = vector.broadcast %ge3A : f32 to vector<1024xf32>
    %ge3A_19 = arith.cmpf oge, %div3A_17, %ge3A_18 : vector<1024xf32>
    %broadcast_in_dim3A = vector.shape_cast %ge3A_19 : vector<1024xi1> to vector<1x1024xi1>
    %get3A_20 = arith.constant 0 : index
    %get3A_21 = arith.constant 0 : index
    %get3A_22 = vector.load %arg0[%get3A_20, %get3A_21] : memref<8x1024xf32, #tpu.memory_space<vmem>>, vector<8x1024xf32>
    %get3A_23 = arith.constant 0 : index
    %get3A_24 = arith.constant 0 : index
    %get3A_25 = vector.load %arg1[%get3A_23, %get3A_24] : memref<8x1024xf32, #tpu.memory_space<vmem>>, vector<8x1024xf32>
    %broadcast_in_dim3A_26 = vector.shape_cast %broadcast_in_dim3A : vector<1x1024xi1> to vector<1x1024xi1>
    %broadcast_in_dim3A_27 = vector.broadcast %broadcast_in_dim3A_26 : vector<1x1024xi1> to vector<8x1024xi1>
    %select_n3A = arith.select %broadcast_in_dim3A_27, %get3A_22, %get3A_25 : vector<8x1024xi1>, vector<8x1024xf32>
    %broadcast_in_dim3A_28 = vector.shape_cast %div3A_17 : vector<1024xf32> to vector<1x1024xf32>
    %broadcast_in_dim3A_29 = vector.shape_cast %div3A_4 : vector<1024xf32> to vector<1x1024xf32>
    %sub3A_30 = vector.broadcast %broadcast_in_dim3A_29 : vector<1x1024xf32> to vector<8x1024xf32>
    %sub3A_31 = arith.subf %select_n3A, %sub3A_30 : vector<8x1024xf32>
    %mul3A_32 = vector.broadcast %broadcast_in_dim3A_28 : vector<1x1024xf32> to vector<8x1024xf32>
    %mul3A_33 = arith.mulf %mul3A_32, %sub3A_31 : vector<8x1024xf32>
    %get3A_34 = arith.constant 0 : index
    %get3A_35 = vector.load %arg9[%get3A_34] : memref<1024xf32, #tpu.memory_space<vmem>>, vector<1024xf32>
    %broadcast_in_dim3A_36 = vector.shape_cast %get3A_35 : vector<1024xf32> to vector<1x1024xf32>
    %add3A_37 = vector.broadcast %broadcast_in_dim3A_36 : vector<1x1024xf32> to vector<8x1024xf32>
    %add3A_38 = arith.addf %mul3A_33, %add3A_37 : vector<8x1024xf32>
    %ge3A_39 = arith.constant 0.000000e+00 : f32
    %ge3A_40 = vector.broadcast %ge3A_39 : f32 to vector<8x1024xf32>
    %ge3A_41 = arith.cmpf oge, %add3A_38, %ge3A_40 : vector<8x1024xf32>
    %mul3A_42 = arith.constant 2.000000e-01 : f32
    %mul3A_43 = vector.broadcast %mul3A_42 : f32 to vector<8x1024xf32>
    %mul3A_44 = arith.mulf %mul3A_43, %add3A_38 : vector<8x1024xf32>
    %select_n3A_45 = arith.select %ge3A_41, %add3A_38, %mul3A_44 : vector<8x1024xi1>, vector<8x1024xf32>
    %get3A_46 = arith.constant 0 : index
    %get3A_47 = arith.constant 0 : index
    %get3A_48 = vector.load %arg6[%get3A_46, %get3A_47] : memref<8x1024xf32, #tpu.memory_space<vmem>>, vector<8x1024xf32>
    %reduce_sum3A_49 = arith.constant dense<0.000000e+00> : vector<1024xf32>
    %reduce_sum3A_50 = vector.multi_reduction <add>, %get3A_48, %reduce_sum3A_49 [0] : vector<8x1024xf32> to vector<1024xf32>
    %div3A_51 = arith.constant 8.192000e+03 : f32
    %div3A_52 = vector.broadcast %div3A_51 : f32 to vector<1024xf32>
    %div3A_53 = arith.divf %reduce_sum3A_50, %div3A_52 : vector<1024xf32>
    %get3A_54 = arith.constant 0 : index
    %get3A_55 = arith.constant 0 : index
    %get3A_56 = vector.load %arg7[%get3A_54, %get3A_55] : memref<8x1024xf32, #tpu.memory_space<vmem>>, vector<8x1024xf32>
    %reduce_sum3A_57 = arith.constant dense<0.000000e+00> : vector<1024xf32>
    %reduce_sum3A_58 = vector.multi_reduction <add>, %get3A_56, %reduce_sum3A_57 [0] : vector<8x1024xf32> to vector<1024xf32>
    %div3A_59 = arith.constant 8.192000e+03 : f32
    %div3A_60 = vector.broadcast %div3A_59 : f32 to vector<1024xf32>
    %div3A_61 = arith.divf %reduce_sum3A_58, %div3A_60 : vector<1024xf32>
    %mul3A_62 = arith.mulf %div3A_53, %div3A_53 : vector<1024xf32>
    %sub3A_63 = arith.subf %div3A_61, %mul3A_62 : vector<1024xf32>
    %get3A_64 = arith.constant 0 : index
    %get3A_65 = vector.load %arg10[%get3A_64] : memref<1024xf32, #tpu.memory_space<vmem>>, vector<1024xf32>
    %add3A_66 = arith.constant 9.99999974E-6 : f32
    %add3A_67 = vector.broadcast %add3A_66 : f32 to vector<1024xf32>
    %add3A_68 = arith.addf %sub3A_63, %add3A_67 : vector<1024xf32>
    %sqrt3A_69 = math.sqrt %add3A_68 : vector<1024xf32>
    %div3A_70 = arith.divf %get3A_65, %sqrt3A_69 : vector<1024xf32>
    %ge3A_71 = arith.constant 0.000000e+00 : f32
    %ge3A_72 = vector.broadcast %ge3A_71 : f32 to vector<1024xf32>
    %ge3A_73 = arith.cmpf oge, %div3A_70, %ge3A_72 : vector<1024xf32>
    %broadcast_in_dim3A_74 = vector.shape_cast %ge3A_73 : vector<1024xi1> to vector<1x1024xi1>
    %get3A_75 = arith.constant 0 : index
    %get3A_76 = arith.constant 0 : index
    %get3A_77 = vector.load %arg4[%get3A_75, %get3A_76] : memref<8x1024xf32, #tpu.memory_space<vmem>>, vector<8x1024xf32>
    %get3A_78 = arith.constant 0 : index
    %get3A_79 = arith.constant 0 : index
    %get3A_80 = vector.load %arg5[%get3A_78, %get3A_79] : memref<8x1024xf32, #tpu.memory_space<vmem>>, vector<8x1024xf32>
    %broadcast_in_dim3A_81 = vector.shape_cast %broadcast_in_dim3A_74 : vector<1x1024xi1> to vector<1x1024xi1>
    %broadcast_in_dim3A_82 = vector.broadcast %broadcast_in_dim3A_81 : vector<1x1024xi1> to vector<8x1024xi1>
    %select_n3A_83 = arith.select %broadcast_in_dim3A_82, %get3A_77, %get3A_80 : vector<8x1024xi1>, vector<8x1024xf32>
    %broadcast_in_dim3A_84 = vector.shape_cast %div3A_70 : vector<1024xf32> to vector<1x1024xf32>
    %broadcast_in_dim3A_85 = vector.shape_cast %div3A_53 : vector<1024xf32> to vector<1x1024xf32>
    %sub3A_86 = vector.broadcast %broadcast_in_dim3A_85 : vector<1x1024xf32> to vector<8x1024xf32>
    %sub3A_87 = arith.subf %select_n3A_83, %sub3A_86 : vector<8x1024xf32>
    %mul3A_88 = vector.broadcast %broadcast_in_dim3A_84 : vector<1x1024xf32> to vector<8x1024xf32>
    %mul3A_89 = arith.mulf %mul3A_88, %sub3A_87 : vector<8x1024xf32>
    %get3A_90 = arith.constant 0 : index
    %get3A_91 = vector.load %arg11[%get3A_90] : memref<1024xf32, #tpu.memory_space<vmem>>, vector<1024xf32>
    %broadcast_in_dim3A_92 = vector.shape_cast %get3A_91 : vector<1024xf32> to vector<1x1024xf32>
    %add3A_93 = vector.broadcast %broadcast_in_dim3A_92 : vector<1x1024xf32> to vector<8x1024xf32>
    %add3A_94 = arith.addf %mul3A_89, %add3A_93 : vector<8x1024xf32>
    %ge3A_95 = arith.constant 0.000000e+00 : f32
    %ge3A_96 = vector.broadcast %ge3A_95 : f32 to vector<8x1024xf32>
    %ge3A_97 = arith.cmpf oge, %add3A_94, %ge3A_96 : vector<8x1024xf32>
    %mul3A_98 = arith.constant 2.000000e-01 : f32
    %mul3A_99 = vector.broadcast %mul3A_98 : f32 to vector<8x1024xf32>
    %mul3A_100 = arith.mulf %mul3A_99, %add3A_94 : vector<8x1024xf32>
    %select_n3A_101 = arith.select %ge3A_97, %add3A_94, %mul3A_100 : vector<8x1024xi1>, vector<8x1024xf32>
    %concatenate3A = tpu.concatenate %select_n3A_45, %select_n3A_101 in 1 : vector<8x1024xf32>, vector<8x1024xf32> -> vector<8x2048xf32>
    %get3A_102 = arith.constant 0 : index
    %get3A_103 = arith.constant 0 : index
    %get3A_104 = vector.load %arg12[%get3A_102, %get3A_103] : memref<512x2048xf32, #tpu.memory_space<vmem>>, vector<512x2048xf32>
    %dot_general3A = arith.constant dense<0.000000e+00> : vector<8x512xf32>
    %dot_general3A_105 = tpu.matmul %concatenate3A, %get3A_104, %dot_general3A {dimension_numbers = #tpu.dot_dimension_numbers<[1], [1], [0], [0], [0, 0, 1, 0], [], []>, transpose_lhs_hint = false} : vector<8x2048xf32>, vector<512x2048xf32>, vector<8x512xf32> -> vector<8x512xf32>
    %reduce_sum3A_106 = arith.constant dense<0.000000e+00> : vector<512xf32>
    %reduce_sum3A_107 = vector.multi_reduction <add>, %dot_general3A_105, %reduce_sum3A_106 [0] : vector<8x512xf32> to vector<512xf32>
    %broadcast_in_dim3A_108 = vector.shape_cast %reduce_sum3A_107 : vector<512xf32> to vector<1x512xf32>
    %div3A_109 = arith.constant 8.000000e+00 : f32
    %div3A_110 = vector.broadcast %div3A_109 : f32 to vector<1x512xf32>
    %div3A_111 = arith.divf %broadcast_in_dim3A_108, %div3A_110 : vector<1x512xf32>
    %mul3A_112 = arith.mulf %dot_general3A_105, %dot_general3A_105 : vector<8x512xf32>
    %reduce_sum3A_113 = arith.constant dense<0.000000e+00> : vector<512xf32>
    %reduce_sum3A_114 = vector.multi_reduction <add>, %mul3A_112, %reduce_sum3A_113 [0] : vector<8x512xf32> to vector<512xf32>
    %broadcast_in_dim3A_115 = vector.shape_cast %reduce_sum3A_114 : vector<512xf32> to vector<1x512xf32>
    %div3A_116 = arith.constant 8.000000e+00 : f32
    %div3A_117 = vector.broadcast %div3A_116 : f32 to vector<1x512xf32>
    %div3A_118 = arith.divf %broadcast_in_dim3A_115, %div3A_117 : vector<1x512xf32>
    %mul3A_119 = arith.mulf %div3A_111, %div3A_111 : vector<1x512xf32>
    %sub3A_120 = arith.subf %div3A_118, %mul3A_119 : vector<1x512xf32>
    %sub3A_121 = vector.broadcast %div3A_111 : vector<1x512xf32> to vector<8x512xf32>
    %sub3A_122 = arith.subf %dot_general3A_105, %sub3A_121 : vector<8x512xf32>
    %add3A_123 = arith.constant 9.99999974E-6 : f32
    %add3A_124 = vector.broadcast %add3A_123 : f32 to vector<1x512xf32>
    %add3A_125 = arith.addf %sub3A_120, %add3A_124 : vector<1x512xf32>
    %sqrt3A_126 = math.sqrt %add3A_125 : vector<1x512xf32>
    %div3A_127 = vector.broadcast %sqrt3A_126 : vector<1x512xf32> to vector<8x512xf32>
    %div3A_128 = arith.divf %sub3A_122, %div3A_127 : vector<8x512xf32>
    %get3A_129 = arith.constant 0 : index
    %get3A_130 = vector.load %arg13[%get3A_129] : memref<512xf32, #tpu.memory_space<vmem>>, vector<512xf32>
    %broadcast_in_dim3A_131 = vector.shape_cast %get3A_130 : vector<512xf32> to vector<1x512xf32>
    %mul3A_132 = vector.broadcast %broadcast_in_dim3A_131 : vector<1x512xf32> to vector<8x512xf32>
    %mul3A_133 = arith.mulf %div3A_128, %mul3A_132 : vector<8x512xf32>
    %get3A_134 = arith.constant 0 : index
    %get3A_135 = vector.load %arg14[%get3A_134] : memref<512xf32, #tpu.memory_space<vmem>>, vector<512xf32>
    %broadcast_in_dim3A_136 = vector.shape_cast %get3A_135 : vector<512xf32> to vector<1x512xf32>
    %add3A_137 = vector.broadcast %broadcast_in_dim3A_136 : vector<1x512xf32> to vector<8x512xf32>
    %add3A_138 = arith.addf %mul3A_133, %add3A_137 : vector<8x512xf32>
    %ge3A_139 = arith.constant 0.000000e+00 : f32
    %ge3A_140 = vector.broadcast %ge3A_139 : f32 to vector<8x512xf32>
    %ge3A_141 = arith.cmpf oge, %add3A_138, %ge3A_140 : vector<8x512xf32>
    %mul3A_142 = arith.constant 2.000000e-01 : f32
    %mul3A_143 = vector.broadcast %mul3A_142 : f32 to vector<8x512xf32>
    %mul3A_144 = arith.mulf %mul3A_143, %add3A_138 : vector<8x512xf32>
    %select_n3A_145 = arith.select %ge3A_141, %add3A_138, %mul3A_144 : vector<8x512xi1>, vector<8x512xf32>
    %get3A_146 = arith.constant 0 : index
    %get3A_147 = arith.constant 0 : index
    %get3A_148 = vector.load %arg15[%get3A_146, %get3A_147] : memref<256x512xf32, #tpu.memory_space<vmem>>, vector<256x512xf32>
    %dot_general3A_149 = arith.constant dense<0.000000e+00> : vector<8x256xf32>
    %dot_general3A_150 = tpu.matmul %select_n3A_145, %get3A_148, %dot_general3A_149 {dimension_numbers = #tpu.dot_dimension_numbers<[1], [1], [0], [0], [0, 0, 1, 0], [], []>, transpose_lhs_hint = false} : vector<8x512xf32>, vector<256x512xf32>, vector<8x256xf32> -> vector<8x256xf32>
    %get3A_151 = arith.constant 0 : index
    %get3A_152 = vector.load %arg16[%get3A_151] : memref<256xf32, #tpu.memory_space<vmem>>, vector<256xf32>
    %broadcast_in_dim3A_153 = vector.shape_cast %get3A_152 : vector<256xf32> to vector<1x256xf32>
    %add3A_154 = vector.broadcast %broadcast_in_dim3A_153 : vector<1x256xf32> to vector<8x256xf32>
    %add3A_155 = arith.addf %dot_general3A_150, %add3A_154 : vector<8x256xf32>
    %reduce_sum3A_156 = arith.constant dense<0.000000e+00> : vector<256xf32>
    %reduce_sum3A_157 = vector.multi_reduction <add>, %add3A_155, %reduce_sum3A_156 [0] : vector<8x256xf32> to vector<256xf32>
    %broadcast_in_dim3A_158 = vector.shape_cast %reduce_sum3A_157 : vector<256xf32> to vector<1x256xf32>
    %div3A_159 = arith.constant 8.000000e+00 : f32
    %div3A_160 = vector.broadcast %div3A_159 : f32 to vector<1x256xf32>
    %div3A_161 = arith.divf %broadcast_in_dim3A_158, %div3A_160 : vector<1x256xf32>
    %mul3A_162 = arith.mulf %add3A_155, %add3A_155 : vector<8x256xf32>
    %reduce_sum3A_163 = arith.constant dense<0.000000e+00> : vector<256xf32>
    %reduce_sum3A_164 = vector.multi_reduction <add>, %mul3A_162, %reduce_sum3A_163 [0] : vector<8x256xf32> to vector<256xf32>
    %broadcast_in_dim3A_165 = vector.shape_cast %reduce_sum3A_164 : vector<256xf32> to vector<1x256xf32>
    %div3A_166 = arith.constant 8.000000e+00 : f32
    %div3A_167 = vector.broadcast %div3A_166 : f32 to vector<1x256xf32>
    %div3A_168 = arith.divf %broadcast_in_dim3A_165, %div3A_167 : vector<1x256xf32>
    %mul3A_169 = arith.mulf %div3A_161, %div3A_161 : vector<1x256xf32>
    %sub3A_170 = arith.subf %div3A_168, %mul3A_169 : vector<1x256xf32>
    %sub3A_171 = vector.broadcast %div3A_161 : vector<1x256xf32> to vector<8x256xf32>
    %sub3A_172 = arith.subf %add3A_155, %sub3A_171 : vector<8x256xf32>
    %add3A_173 = arith.constant 9.99999974E-6 : f32
    %add3A_174 = vector.broadcast %add3A_173 : f32 to vector<1x256xf32>
    %add3A_175 = arith.addf %sub3A_170, %add3A_174 : vector<1x256xf32>
    %sqrt3A_176 = math.sqrt %add3A_175 : vector<1x256xf32>
    %div3A_177 = vector.broadcast %sqrt3A_176 : vector<1x256xf32> to vector<8x256xf32>
    %div3A_178 = arith.divf %sub3A_172, %div3A_177 : vector<8x256xf32>
    %get3A_179 = arith.constant 0 : index
    %get3A_180 = vector.load %arg17[%get3A_179] : memref<256xf32, #tpu.memory_space<vmem>>, vector<256xf32>
    %broadcast_in_dim3A_181 = vector.shape_cast %get3A_180 : vector<256xf32> to vector<1x256xf32>
    %mul3A_182 = vector.broadcast %broadcast_in_dim3A_181 : vector<1x256xf32> to vector<8x256xf32>
    %mul3A_183 = arith.mulf %div3A_178, %mul3A_182 : vector<8x256xf32>
    %get3A_184 = arith.constant 0 : index
    %get3A_185 = vector.load %arg18[%get3A_184] : memref<256xf32, #tpu.memory_space<vmem>>, vector<256xf32>
    %broadcast_in_dim3A_186 = vector.shape_cast %get3A_185 : vector<256xf32> to vector<1x256xf32>
    %add3A_187 = vector.broadcast %broadcast_in_dim3A_186 : vector<1x256xf32> to vector<8x256xf32>
    %add3A_188 = arith.addf %mul3A_183, %add3A_187 : vector<8x256xf32>
    %ge3A_189 = arith.constant 0.000000e+00 : f32
    %ge3A_190 = vector.broadcast %ge3A_189 : f32 to vector<8x256xf32>
    %ge3A_191 = arith.cmpf oge, %add3A_188, %ge3A_190 : vector<8x256xf32>
    %mul3A_192 = arith.constant 2.000000e-01 : f32
    %mul3A_193 = vector.broadcast %mul3A_192 : f32 to vector<8x256xf32>
    %mul3A_194 = arith.mulf %mul3A_193, %add3A_188 : vector<8x256xf32>
    %select_n3A_195 = arith.select %ge3A_191, %add3A_188, %mul3A_194 : vector<8x256xi1>, vector<8x256xf32>
    %get3A_196 = arith.constant 0 : index
    %get3A_197 = arith.constant 0 : index
    %get3A_198 = vector.load %arg19[%get3A_196, %get3A_197] : memref<40x256xf32, #tpu.memory_space<vmem>>, vector<40x256xf32>
    %dot_general3A_199 = arith.constant dense<0.000000e+00> : vector<8x40xf32>
    %dot_general3A_200 = tpu.matmul %select_n3A_195, %get3A_198, %dot_general3A_199 {dimension_numbers = #tpu.dot_dimension_numbers<[1], [1], [0], [0], [0, 0, 1, 0], [], []>, transpose_lhs_hint = false} : vector<8x256xf32>, vector<40x256xf32>, vector<8x40xf32> -> vector<8x40xf32>
    %get3A_201 = arith.constant 0 : index
    %get3A_202 = vector.load %arg20[%get3A_201] : memref<40xf32, #tpu.memory_space<vmem>>, vector<40xf32>
    %broadcast_in_dim3A_203 = vector.shape_cast %get3A_202 : vector<40xf32> to vector<1x40xf32>
    %add3A_204 = vector.broadcast %broadcast_in_dim3A_203 : vector<1x40xf32> to vector<8x40xf32>
    %add3A_205 = arith.addf %dot_general3A_200, %add3A_204 : vector<8x40xf32>
    %swap3A = arith.constant 0 : index
    %swap3A_206 = arith.constant 0 : index
    %swap3A_207 = vector.load %arg21[%swap3A, %swap3A_206] : memref<8x40xf32, #tpu.memory_space<vmem>>, vector<8x40xf32>
    tpu.vector_store %arg21[%swap3A, %swap3A_206], %add3A_205 {strides = array<i32>} : memref<8x40xf32, #tpu.memory_space<vmem>>, vector<8x40xf32>,
    return
  }
}

</mosaic_0001>

<sc_bundles>
// kernel: kernel.21.cloned.1.call-start
scs
__scs_entry_jumppad:
0x0: {  	(pc) =	sbr.rel $0x88, $3  }
0x1: {  	(tag) =	ssettag $0x0;
	lr =	simm.s32 $0x1  }
0x2: {  	[smem:$0x3F85] =	sst lr;
	_ =	strace $0xD0000000  }
0x3: {  	_ = 	snop  }
0x4: {  	_ = 	snop  }
0x5: {  	_ = 	snop  }
0x6: {  	_ = 	snop  }
0x7: {  	_ = 	snop  }
__scs_overlays_trampoline_lowered:
0x8: {  	[smem:$0x3F94] =	sst s0  }
0x9: {  	[smem:$0x3F95] =	sst s1  }
0xa: {  	[smem:$0x3F96] =	sst s2  }
0xb: {  	[smem:$0x3F97] =	sst s3  }
0xc: {  	[smem:$0x3F98] =	sst s4  }
0xd: {  	[smem:$0x3F99] =	sst s5  }
0xe: {  	[smem:$0x3F9A] =	sst s6  }
0xf: {  	[smem:$0x3F9B] =	sst s7  }
0x10: {  	[smem:$0x3F9C] =	sst s8  }
0x11: {  	[smem:$0x3F9D] =	sst s9;
	s0 =	simm.s32 @!p0 $0x0  }
0x12: {  	s1 =	sld [smem:$0x3F83];
	s0 =	simm.s32 @p0 $0x1  }
0x13: {  	[smem:$0x3F9E] =	sst s0;
	s0 =	simm.s32 @!p1 $0x0  }
0x14: {  	s2 =	sld [smem:$0x3F82];
	s0 =	simm.s32 @p1 $0x1  }
0x15: {  	[smem:$0x3F9F] =	sst s0;
	s0 =	simm.s32 @!p2 $0x0  }
0x16: {  	s3 =	sld [smem:$0x3FDB];
	s0 =	simm.s32 @p2 $0x1  }
0x17: {  	s4 =	simm.s32 $0x1BF5;
	[smem:$0x3FA1] =	sst s0  }
0x18: {  	s0 =	sld [smem:$0x3F84];
	_ =	swait.ge [sflag:s4], $0x0  }
0x19: {  	s7 =	sld [smem:$0x3F85]  }
0x1a: {  	s8 =	sadd.s32 $0xFFFFE003, lr  }
0x1b: {  	s9 =	sadd.s32 $0xFFFFFEF7, lr;
	s5 =	simm.s32 $0xFFFFFFFF;
	p2 =	slt.u32 s8, $0xFFFFF086  }
0x1c: {  	p1 =	slt.u32 s9, $0xF7A;
	s5 =	simm.s32 @!p2 $0x0  }
0x1d: {  	s5 =	simm.s32 @p1 $0x1;
	p0 =	seq.s32 s7, s2  }
0x1e: {  	s7 =	smul.u32 @!p0 $0xF7A, s2;
	p2 =	seq.s32 @!p0 s5, $0x0  }
0x1f: {  	s9 =	smul.u32 $0xF7A, s1;
	s8 =	simm.s32 @!p0 $0x1BF5;
	p2 =	por !p2, p0  }
0x20: {  	[sflag:s8] =	ssyncset.s32 @!p0 $0xFFFFF086;
	s6 =	sadd.s32 @!p0 s3, s7;
	s7 =	simm.s32 @!p0 $0x108  }
0x21: {  	s3 =	sadd.s32 s3, s9;
	s6 =	sadd.s32 @!p0 $0x88, s6;
	s7 =	simm.s32 @p2 $0x1082  }
0x22: {  	[simem:s7], [sflag:s8] =	dma.local @!p0 [hbm:s6], $0xF7A  }
0x23: {  	s9 =	sor.u32 $0xD0000000, s2;
	s6 =	simm.s32 $0x108;
	_ =	swait.ge @!p0 [sflag:s8], $0x0  }
0x24: {  	s3 =	sadd.s32 $0x88, s3;
	s6 =	simm.s32 @!p1 $0x1082;
	[sflag:s4] =	ssyncset.s32 $0xFFFFF086  }
0x25: {  	[simem:s6], [sflag:s4] =	dma.local [hbm:s3], $0xF7A  }
0x26: {  	[smem:$0x3F85] =	sst s1;
	(tag) =	ssettag s2;
	_ =	strace s9  }
0x27: {  	s1 =	sld [smem:$0x3F95]  }
0x28: {  	s2 =	sld [smem:$0x3F96]  }
0x29: {  	s4 =	sld [smem:$0x3F98]  }
0x2a: {  	p0 =	seq.s32 s5, $0x0;
	s5 =	sld [smem:$0x3F99]  }
0x2b: {  	s6 =	sld [smem:$0x3F9A]  }
0x2c: {  	s7 =	sld [smem:$0x3F9B]  }
0x2d: {  	s3 =	simm.s32 $0x108;
	s8 =	sld [smem:$0x3F9C]  }
0x2e: {  	s3 =	simm.s32 @!p0 $0x1082;
	s9 =	sld [smem:$0x3F9D]  }
0x2f: {  	lr =	sadd.s32 s0, s3;
	s0 =	sld [smem:$0x3F94]  }
0x30: {  	s3 =	sld [smem:$0x3F97]  }
0x31: {  	[smem:$0x3FA0] =	sst s10  }
0x32: {  	s10 =	sld [smem:$0x3F9E];
	_ =	sdelay $0x3  }
0x33: {  	p0 =	seq.s32 s10, $0x1;
	s10 =	sld [smem:$0x3FA0];
	_ =	sdelay $0x3  }
0x34: {  	[smem:$0x3FA0] =	sst s10  }
0x35: {  	s10 =	sld [smem:$0x3F9F];
	_ =	sdelay $0x3  }
0x36: {  	p1 =	seq.s32 s10, $0x1;
	s10 =	sld [smem:$0x3FA0];
	_ =	sdelay $0x3  }
0x37: {  	[smem:$0x3FA0] =	sst s10  }
0x38: {  	s10 =	sld [smem:$0x3FA1]  }
0x39: {  	_ = 	snop;
	(pc) =	sbr.ind lr, $3  }
0x3a: {  	_ = 	snop  }
0x3b: {  	_ = 	snop  }
0x3c: {  	p2 =	seq.s32 s10, $0x1;
	s10 =	sld [smem:$0x3FA0]  }
0x3d: {  	_ =	shalt  }
0x3e: {  	_ =	shalt  }
0x3f: {  	_ =	shalt  }
0x40: {  	_ =	shalt  }
0x41: {  	_ =	shalt  }
0x42: {  	_ =	shalt  }
0x43: {  	_ =	shalt  }
0x44: {  	_ =	shalt  }
0x45: {  	_ =	shalt  }
0x46: {  	_ =	shalt  }
0x47: {  	_ =	shalt  }
0x48: {  	_ =	shalt  }
0x49: {  	_ =	shalt  }
0x4a: {  	_ =	shalt  }
0x4b: {  	_ =	shalt  }
0x4c: {  	_ =	shalt  }
0x4d: {  	_ =	shalt  }
0x4e: {  	_ =	shalt  }
0x4f: {  	_ =	shalt  }
0x50: {  	_ =	shalt  }
0x51: {  	_ =	shalt  }
0x52: {  	_ =	shalt  }
0x53: {  	_ =	shalt  }
0x54: {  	_ =	shalt  }
0x55: {  	_ =	shalt  }
0x56: {  	_ =	shalt  }
0x57: {  	_ =	shalt  }
0x58: {  	_ =	shalt  }
0x59: {  	_ =	shalt  }
0x5a: {  	_ =	shalt  }
0x5b: {  	_ =	shalt  }
0x5c: {  	_ =	shalt  }
0x5d: {  	_ =	shalt  }
0x5e: {  	_ =	shalt  }
0x5f: {  	_ =	shalt  }
0x60: {  	_ =	shalt  }
0x61: {  	_ =	shalt  }
0x62: {  	_ =	shalt  }
0x63: {  	_ =	shalt  }
0x64: {  	_ =	shalt  }
0x65: {  	_ =	shalt  }
0x66: {  	_ =	shalt  }
0x67: {  	_ =	shalt  }
0x68: {  	_ =	shalt  }
0x69: {  	_ =	shalt  }
0x6a: {  	_ =	shalt  }
0x6b: {  	_ =	shalt  }
0x6c: {  	_ =	shalt  }
0x6d: {  	_ =	shalt  }
0x6e: {  	_ =	shalt  }
0x6f: {  	_ =	shalt  }
0x70: {  	_ =	shalt  }
0x71: {  	_ =	shalt  }
0x72: {  	_ =	shalt  }
0x73: {  	_ =	shalt  }
0x74: {  	_ =	shalt  }
0x75: {  	_ =	shalt  }
0x76: {  	_ =	shalt  }
0x77: {  	_ =	shalt  }
0x78: {  	_ =	shalt  }
0x79: {  	_ =	shalt  }
0x7a: {  	_ =	shalt  }
0x7b: {  	_ =	shalt  }
0x7c: {  	_ =	shalt  }
0x7d: {  	_ =	shalt  }
0x7e: {  	_ =	shalt  }
0x7f: {  	_ =	shalt  }
0x80: {  	_ =	shalt  }
0x81: {  	_ =	shalt  }
0x82: {  	_ =	shalt  }
0x83: {  	_ =	shalt  }
0x84: {  	_ =	shalt  }
0x85: {  	_ =	shalt  }
0x86: {  	_ =	shalt  }
0x87: {  	_ =	shalt  }
.Lfunc_end0:
.L_simem_size_0:
called_computation_lowered:
.L_overlay_start_0:
0x88: {  	s2 =	sld [smem:$0x3FD9]  }
0x89: {  	s3 =	sld [smem:$0x3FFE];
	_ =	sdelay $0x1  }
0x8a: {  	s1 =	srdreg.scid  }
0x8b: {  	s0 =	sand.u32 $0x1, s1  }
0x8c: {  	s16 =	sshll.u32 s0, $0xA;
	s2 =	sadd.s32 s3, s2  }
0x8d: {  	s2 =	sadd.s32 s2, s16  }
0x8e: {  	[smem:$0x3FAC] =	sst s2  }
0x8f: {  	_ = 	snop  }
0x90: {  	(tm) =	ssettm $0x1  }
0x91: {  	s17 =	sld [smem:$0x3FFB];
	_ =	sdelay $0x3  }
0x92: {  	_ =	strace s17  }
0x93: {  	s2 =	sld [smem:$0x3FFC];
	_ =	sdelay $0x3  }
0x94: {  	_ =	strace s2  }
0x95: {  	s2 =	sld [smem:$0x3FFD];
	_ =	sdelay $0x3  }
0x96: {  	_ =	strace s2  }
0x97: {  	_ =	strace $0x8FFFFFFF  }
0x98: {  	s18 =	sld [smem:$0x3FDB];
	_ =	sdelay $0x1  }
0x99: {  	s19 =	simm.s32 $_scs_section_size  }
0x9a: {  	s4 =	simm.s32 $_size__tile_overlayer_lowered;
	s5 =	simm.s32 $_tile_overlayer_lowered  }
0x9b: {  	s22 =	simm.s32 $0x1BFF;
	s21 =	sshll.u32 s5, $0x1;
	s2 =	sadd.s32 s19, s18  }
0x9c: {  	s6 =	simm.s32 $0x0;
	s20 =	sshll.u32 s4, $0x1;
	s4 =	sadd.s32 s21, s2  }
0x9d: {  	[timem:s6], [sflag:s22] =	dma.local [hbm:s4], s20  }
0x9e: {  	_ =	swait.ge [sflag:s22], s20  }
0x9f: {  	s3 =	ssub.s32 $0x0, s20;
	[sflag:s22] =	ssyncset.done $0x0  }
0xa0: {  	[sflag:s22] =	ssyncadd.s32 s3;
	_ =	sdelay $0x1  }
0xa1: {  	s23 =	simm.s32 $0x1B8B  }
0xa2: {  	_ =	swait.ge [sflag:s23], $0x1  }
0xa3: {  	[sflag:s23] =	ssyncset.done $0x0  }
0xa4: {  	s25 =	simm.s32 $0x1B8E;
	s24 =	sld [smem:$0x3FFE];
	[sflag:s23] =	ssyncadd.s32 $0xFFFFFFFF  }
0xa5: {  	s26 =	simm.s32 $execute0_lowered;
	[smem:$0x3FD2] =	sst s25  }
0xa6: {  	s4 =	sshll.u32 s26, $0x1;
	_ =	strace $0x80000046;
	[dreg:$0x1] =	wrdreg $0xFFFFFFFF  }
0xa7: {  	s28 =	simm.s32 $_size_execute0_lowered;
	s2 =	sadd.s32 s2, s4;
	[dreg:$0x0] =	wrdreg $0x0  }
0xa8: {  	s4 =	sshll.u32 s28, $0x1;
	[dreg:$0x2] =	wrdreg s2  }
0xa9: {  	[dreg:$0x3] =	wrdreg s4  }
0xaa: {  	[dreg:$0x4] =	wrdreg $0xC0  }
0xab: {  	_ =	task [dreg:s6], $0x5FFFF  }
0xac: {  	[dreg:$0x1] =	wrdreg $0xFFFFFFFF  }
0xad: {  	[dreg:$0x0] =	wrdreg $0x60  }
0xae: {  	[dreg:$0x2] =	wrdreg s24  }
0xaf: {  	[dreg:$0x3] =	wrdreg $0x9  }
0xb0: {  	_ =	task.clear_ibuf [dreg:s6], $0x4FFFF;
	_ =	strace $0x90000046  }
0xb1: {  	s29 =	simm.s32 $0x9;
	_ =	strace $0x80000048  }
0xb2: {  	_ =	swait.ge [sflag:s29], $0x1  }
0xb3: {  	[sflag:s29] =	ssyncadd.s32 $0xFFFFFFFF  }
0xb4: {  	_ =	strace $0x90000048  }
0xb5: {  	_ =	sfence  }
0xb6: {  	s30 =	sld [smem:$0x0];
	_ =	sdelay $0x2  }
0xb7: {  	s31 =	sshll.u32 s1, $0xD;
	s1 =	sshrl.u32 s1, $0x2  }
0xb8: {  	s3 =	sand.u32 $0x4000, s31;
	s1 =	sadd.s32 s1, s30  }
0xb9: {  	s0 =	sor.u32 s3, s0;
	s1 =	sshll.u32 s1, $0x11  }
0xba: {  	s0 =	sor.u32 s1, s0  }
0xbb: {  	s0 =	sadd.s32 $0x8F2B, s0  }
0xbc: {  	[sflag:s0] =	ssyncadd.remote.s32 $0x1  }
0xbd: {  	_ =	sfence.sel $0xFFFF  }
0xbe: {  	[dreg:$0x0] =	wrdreg $0xFFFFFFFF;
	(pc) =	sbr.abs _section_cstart, $3  }
0xbf: {  	[dreg:$0x1] =	wrdreg $0xFFFFFFFF  }
0xc0: {  	_ =	task.clear_ibuf [dreg:s6], $0x2FFFF;
	_ =	strace $0x9FFFFFFF  }
0xc1: {  	(tm) =	ssettm $0x7FFFFFFF  }
tec
execute0_lowered:
.L_overlay_start_1:
0x0: {  	(tag) =	ssettag $0x1  }
0x1: {  	s4 =	rddreg [dreg:$0x0]  }
0x2: {  	s0 =	rddreg [dreg:$0x1]  }
0x3: {  	s3 =	srdreg.scid;
	s1 =	stileid.u32;
	s2 =	simm.s32 $0x0  }
0x4: {  	s10 =	simm.s32 $0x1;
	s11 =	simm.s32 $0x0;
	s6 =	smul.u32 $0x2800, s1  }
0x5: {  	s5 =	sand.u32 $0x1, s3;
	[smem:$0x7FF] =	sst s2;
	s8 =	smul.u32 $0x28000, s1  }
0x6: {  	s3 =	sadd.s32 $0xC000, s4;
	s7 =	smul.u32 $0x1400, s5;
	s9 =	ssub.s32 $0x2, s5  }
0x7: {  	_ =	strace $0x80000047;
	s5 =	smul.u32 $0x14000, s5;
	s31 =	sshrl.u32 s9, $0x1  }
0x8: {  	s30 =	sadd.s32 s8, s4;
	s6 =	sadd.s32 s7, s6;
	s8 =	ssub.s32 s9, s31  }
0x9: {  	s5 =	sadd.s32 s5, s30;
	s7 =	simm.s32 $0x2;
	s6 =	sshrl.u32 s6, $0x3  }
0xa: {  	s9 =	simm.s32 $0x80;
	s5 =	sadd.s32 $0x2C000, s5;
	s6 =	sadd.s32 s6, s4  }
0xb: {  	s4 =	smax.u32 s8, $0x1;
	s8 =	simm.s32 $0x50;
	s6 =	sadd.s32 $0x7000, s6  }
.LBB2_1:
0xc: {  	s12 =	sadd.s32 $0x0, s6  }
0xd: {  	[tilespmem:s2], [sflag:$0x2] =	stream.linear.gather [hbm4b:s12+s2], $0x50, $0x38;
	[tilespmem:$0x2880] =	vst v63  }
0xe: {  	_ =	swait.ge [sflag:s7], $0x50  }
0xf: {  	[sflag:s7] =	ssyncset.done $0x0  }
0x10: {  	[sflag:s7] =	ssyncadd.s32 $0xFFFFFFB0  }
0x11: {  	[tilespmem:s9], [sflag:$0x1] =	stream.indirect.gather [hbm4b:s3+s8], $0x80, s2, s8, $0xb8;
	[tilespmem:$0x2880] =	vst v63  }
0x12: {  	_ =	swait.ge [sflag:s10], $0x2800  }
0x13: {  	[sflag:s10] =	ssyncset.done $0x0  }
0x14: {  	[sflag:s10] =	ssyncadd.s32 $0xFFFFD800  }
0x15: {  	[hbm4b:s5+s2] =	stream.linear.scatter [tilespmem:s9], [sflag:$0x2], $0x2800, $0x38;
	[tilespmem:$0x2880] =	vst v63  }
0x16: {  	s13 =	simm.s32 $0xA;
	_ =	swait.ge [sflag:s7], $0x2800  }
0x17: {  	s14 =	simm.s32 $0x14;
	s12 =	sadd.s32 $0x500, s5;
	[sflag:s7] =	ssyncset.done $0x0  }
.LBB2_2:
0x18: {  	s15 =	sadd.s32 s13, s6  }
0x19: {  	[sflag:s7] =	ssyncadd.s32 $0xFFFFD800;
	s13 =	smov.u32 s14;
	s16 =	sadd.s32 $0xA, s14  }
0x1a: {  	[tilespmem:s2], [sflag:$0x2] =	stream.linear.gather [hbm4b:s15+s2], $0x50, $0x38;
	[tilespmem:$0x2880] =	vst v63  }
0x1b: {  	p0 =	sne.s32 s14, $0x276;
	_ =	swait.ge [sflag:s7], $0x50  }
0x1c: {  	[sflag:s7] =	ssyncset.done $0x0  }
0x1d: {  	[sflag:s7] =	ssyncadd.s32 $0xFFFFFFB0  }
0x1e: {  	[tilespmem:s9], [sflag:$0x1] =	stream.indirect.gather [hbm4b:s3+s8], $0x80, s2, s8, $0xb8;
	[tilespmem:$0x2880] =	vst v63  }
0x1f: {  	_ =	swait.ge [sflag:s10], $0x2800  }
.Ltmp0:
0x20: {  	[sflag:s10] =	ssyncset.done $0x0;
	(pc) =	sbr.rel @p0 .LBB2_2-.Ltmp0, $4  }
0x21: {  	[sflag:s10] =	ssyncadd.s32 $0xFFFFD800  }
0x22: {  	[hbm4b:s12+s2] =	stream.linear.scatter [tilespmem:s9], [sflag:$0x2], $0x2800, $0x38;
	[tilespmem:$0x2880] =	vst v63  }
0x23: {  	_ =	swait.ge [sflag:s7], $0x2800  }
0x24: {  	s14 =	smov.u32 s16;
	s12 =	sadd.s32 $0x500, s12;
	[sflag:s7] =	ssyncset.done $0x0  }
0x25: {  	s13 =	sadd.s32 s13, s6;
	[sflag:s7] =	ssyncadd.s32 $0xFFFFD800  }
0x26: {  	[tilespmem:s2], [sflag:$0x2] =	stream.linear.gather [hbm4b:s13+s2], $0x50, $0x38;
	[tilespmem:$0x2880] =	vst v63  }
0x27: {  	_ =	swait.ge [sflag:s7], $0x50  }
0x28: {  	[sflag:s7] =	ssyncset.done $0x0  }
0x29: {  	[sflag:s7] =	ssyncadd.s32 $0xFFFFFFB0  }
0x2a: {  	[tilespmem:s9], [sflag:$0x1] =	stream.indirect.gather [hbm4b:s3+s8], $0x80, s2, s8, $0xb8;
	[tilespmem:$0x2880] =	vst v63  }
0x2b: {  	s11 =	sadd.s32 $0x1, s11;
	_ =	swait.ge [sflag:s10], $0x2800  }
0x2c: {  	p0 =	sne.s32 s11, s4;
	[sflag:s10] =	ssyncset.done $0x0  }
.Ltmp1:
0x2d: {  	[sflag:s10] =	ssyncadd.s32 $0xFFFFD800;
	(pc) =	sbr.rel @p0 .LBB2_1-.Ltmp1, $4  }
0x2e: {  	[hbm4b:s12+s2] =	stream.linear.scatter [tilespmem:s9], [sflag:$0x2], $0x2800, $0x38;
	[tilespmem:$0x2880] =	vst v63  }
0x2f: {  	_ =	swait.ge [sflag:s7], $0x2800  }
0x30: {  	[sflag:s7] =	ssyncset.done $0x0  }
0x31: {  	[sflag:s7] =	ssyncadd.s32 $0xFFFFD800  }
0x32: {  	_ =	sfence.sel $0x180000  }
0x33: {  	[bflag:$0x0] =	sbarrier.arrive $0xFFFF  }
0x34: {  	p0 =	sne.s32 s1, $0x0;
	_ =	strace $0x90000047  }
0x35: {  	s0 =	sadd.s32 @!p0 $0x100000, s0;
	[bflag:$0x2] =	sbarrier.arrive $0xFFFF  }
0x36: {  	[sflag:s0] =	ssyncadd.tile.s32 @!p0 $0x1;
	_ =	shalt  }
.Lfunc_end2:
_tile_overlayer_lowered:
.L_overlay_start_2:
0x37: {  	(tag) =	ssettag $0x2  }
0x38: {  	s0 =	rddreg [dreg:$0x0];
	s2 =	stileid.u32  }
0x39: {  	s1 =	rddreg [dreg:$0x1];
	p0 =	sne.s32 s2, $0x0  }
0x3a: {  	s3 =	rddreg [dreg:$0x2];
	[bflag:$0x3] =	sbarrier.arrive $0xFFFF;
	s2 =	simm.s32 @!p0 $0x1C02  }
0x3b: {  	[timem:s3], [sflag:s2] =	dma.local @!p0 [hbm:s0], s1  }
0x3c: {  	s0 =	simm.s32 @!p0 $0x2  }
0x3d: {  	_ =	swait.ge @!p0 [sflag:s0], s1  }
0x3e: {  	s1 =	ssub.s32 @!p0 $0x0, s1;
	[sflag:s0] =	ssyncset.done @!p0 $0x0  }
0x3f: {  	[sflag:s0] =	ssyncadd.s32 @!p0 s1  }
0x40: {  	[bflag:$0x3] =	sbarrier.arrive $0xFFFF  }
0x41: {  	_ =	shalt  }

// kernel: kernel.24.cloned.1.call-start
scs
__scs_entry_jumppad:
0x0: {  	(pc) =	sbr.rel $0x88, $3  }
0x1: {  	(tag) =	ssettag $0x0;
	lr =	simm.s32 $0x1  }
0x2: {  	[smem:$0x3F85] =	sst lr;
	_ =	strace $0xD0000000  }
0x3: {  	_ = 	snop  }
0x4: {  	_ = 	snop  }
0x5: {  	_ = 	snop  }
0x6: {  	_ = 	snop  }
0x7: {  	_ = 	snop  }
__scs_overlays_trampoline_lowered:
0x8: {  	[smem:$0x3F94] =	sst s0  }
0x9: {  	[smem:$0x3F95] =	sst s1  }
0xa: {  	[smem:$0x3F96] =	sst s2  }
0xb: {  	[smem:$0x3F97] =	sst s3  }
0xc: {  	[smem:$0x3F98] =	sst s4  }
0xd: {  	[smem:$0x3F99] =	sst s5  }
0xe: {  	[smem:$0x3F9A] =	sst s6  }
0xf: {  	[smem:$0x3F9B] =	sst s7  }
0x10: {  	[smem:$0x3F9C] =	sst s8  }
0x11: {  	[smem:$0x3F9D] =	sst s9;
	s0 =	simm.s32 @!p0 $0x0  }
0x12: {  	s1 =	sld [smem:$0x3F83];
	s0 =	simm.s32 @p0 $0x1  }
0x13: {  	[smem:$0x3F9E] =	sst s0;
	s0 =	simm.s32 @!p1 $0x0  }
0x14: {  	s2 =	sld [smem:$0x3F82];
	s0 =	simm.s32 @p1 $0x1  }
0x15: {  	[smem:$0x3F9F] =	sst s0;
	s0 =	simm.s32 @!p2 $0x0  }
0x16: {  	s3 =	sld [smem:$0x3FDB];
	s0 =	simm.s32 @p2 $0x1  }
0x17: {  	s4 =	simm.s32 $0x1BF5;
	[smem:$0x3FA1] =	sst s0  }
0x18: {  	s0 =	sld [smem:$0x3F84];
	_ =	swait.ge [sflag:s4], $0x0  }
0x19: {  	s7 =	sld [smem:$0x3F85]  }
0x1a: {  	s8 =	sadd.s32 $0xFFFFE003, lr  }
0x1b: {  	s9 =	sadd.s32 $0xFFFFFEF7, lr;
	s5 =	simm.s32 $0xFFFFFFFF;
	p2 =	slt.u32 s8, $0xFFFFF086  }
0x1c: {  	p1 =	slt.u32 s9, $0xF7A;
	s5 =	simm.s32 @!p2 $0x0  }
0x1d: {  	s5 =	simm.s32 @p1 $0x1;
	p0 =	seq.s32 s7, s2  }
0x1e: {  	s7 =	smul.u32 @!p0 $0xF7A, s2;
	p2 =	seq.s32 @!p0 s5, $0x0  }
0x1f: {  	s9 =	smul.u32 $0xF7A, s1;
	s8 =	simm.s32 @!p0 $0x1BF5;
	p2 =	por !p2, p0  }
0x20: {  	[sflag:s8] =	ssyncset.s32 @!p0 $0xFFFFF086;
	s6 =	sadd.s32 @!p0 s3, s7;
	s7 =	simm.s32 @!p0 $0x108  }
0x21: {  	s3 =	sadd.s32 s3, s9;
	s6 =	sadd.s32 @!p0 $0x88, s6;
	s7 =	simm.s32 @p2 $0x1082  }
0x22: {  	[simem:s7], [sflag:s8] =	dma.local @!p0 [hbm:s6], $0xF7A  }
0x23: {  	s9 =	sor.u32 $0xD0000000, s2;
	s6 =	simm.s32 $0x108;
	_ =	swait.ge @!p0 [sflag:s8], $0x0  }
0x24: {  	s3 =	sadd.s32 $0x88, s3;
	s6 =	simm.s32 @!p1 $0x1082;
	[sflag:s4] =	ssyncset.s32 $0xFFFFF086  }
0x25: {  	[simem:s6], [sflag:s4] =	dma.local [hbm:s3], $0xF7A  }
0x26: {  	[smem:$0x3F85] =	sst s1;
	(tag) =	ssettag s2;
	_ =	strace s9  }
0x27: {  	s1 =	sld [smem:$0x3F95]  }
0x28: {  	s2 =	sld [smem:$0x3F96]  }
0x29: {  	s4 =	sld [smem:$0x3F98]  }
0x2a: {  	p0 =	seq.s32 s5, $0x0;
	s5 =	sld [smem:$0x3F99]  }
0x2b: {  	s6 =	sld [smem:$0x3F9A]  }
0x2c: {  	s7 =	sld [smem:$0x3F9B]  }
0x2d: {  	s3 =	simm.s32 $0x108;
	s8 =	sld [smem:$0x3F9C]  }
0x2e: {  	s3 =	simm.s32 @!p0 $0x1082;
	s9 =	sld [smem:$0x3F9D]  }
0x2f: {  	lr =	sadd.s32 s0, s3;
	s0 =	sld [smem:$0x3F94]  }
0x30: {  	s3 =	sld [smem:$0x3F97]  }
0x31: {  	[smem:$0x3FA0] =	sst s10  }
0x32: {  	s10 =	sld [smem:$0x3F9E];
	_ =	sdelay $0x3  }
0x33: {  	p0 =	seq.s32 s10, $0x1;
	s10 =	sld [smem:$0x3FA0];
	_ =	sdelay $0x3  }
0x34: {  	[smem:$0x3FA0] =	sst s10  }
0x35: {  	s10 =	sld [smem:$0x3F9F];
	_ =	sdelay $0x3  }
0x36: {  	p1 =	seq.s32 s10, $0x1;
	s10 =	sld [smem:$0x3FA0];
	_ =	sdelay $0x3  }
0x37: {  	[smem:$0x3FA0] =	sst s10  }
0x38: {  	s10 =	sld [smem:$0x3FA1]  }
0x39: {  	_ = 	snop;
	(pc) =	sbr.ind lr, $3  }
0x3a: {  	_ = 	snop  }
0x3b: {  	_ = 	snop  }
0x3c: {  	p2 =	seq.s32 s10, $0x1;
	s10 =	sld [smem:$0x3FA0]  }
0x3d: {  	_ =	shalt  }
0x3e: {  	_ =	shalt  }
0x3f: {  	_ =	shalt  }
0x40: {  	_ =	shalt  }
0x41: {  	_ =	shalt  }
0x42: {  	_ =	shalt  }
0x43: {  	_ =	shalt  }
0x44: {  	_ =	shalt  }
0x45: {  	_ =	shalt  }
0x46: {  	_ =	shalt  }
0x47: {  	_ =	shalt  }
0x48: {  	_ =	shalt  }
0x49: {  	_ =	shalt  }
0x4a: {  	_ =	shalt  }
0x4b: {  	_ =	shalt  }
0x4c: {  	_ =	shalt  }
0x4d: {  	_ =	shalt  }
0x4e: {  	_ =	shalt  }
0x4f: {  	_ =	shalt  }
0x50: {  	_ =	shalt  }
0x51: {  	_ =	shalt  }
0x52: {  	_ =	shalt  }
0x53: {  	_ =	shalt  }
0x54: {  	_ =	shalt  }
0x55: {  	_ =	shalt  }
0x56: {  	_ =	shalt  }
0x57: {  	_ =	shalt  }
0x58: {  	_ =	shalt  }
0x59: {  	_ =	shalt  }
0x5a: {  	_ =	shalt  }
0x5b: {  	_ =	shalt  }
0x5c: {  	_ =	shalt  }
0x5d: {  	_ =	shalt  }
0x5e: {  	_ =	shalt  }
0x5f: {  	_ =	shalt  }
0x60: {  	_ =	shalt  }
0x61: {  	_ =	shalt  }
0x62: {  	_ =	shalt  }
0x63: {  	_ =	shalt  }
0x64: {  	_ =	shalt  }
0x65: {  	_ =	shalt  }
0x66: {  	_ =	shalt  }
0x67: {  	_ =	shalt  }
0x68: {  	_ =	shalt  }
0x69: {  	_ =	shalt  }
0x6a: {  	_ =	shalt  }
0x6b: {  	_ =	shalt  }
0x6c: {  	_ =	shalt  }
0x6d: {  	_ =	shalt  }
0x6e: {  	_ =	shalt  }
0x6f: {  	_ =	shalt  }
0x70: {  	_ =	shalt  }
0x71: {  	_ =	shalt  }
0x72: {  	_ =	shalt  }
0x73: {  	_ =	shalt  }
0x74: {  	_ =	shalt  }
0x75: {  	_ =	shalt  }
0x76: {  	_ =	shalt  }
0x77: {  	_ =	shalt  }
0x78: {  	_ =	shalt  }
0x79: {  	_ =	shalt  }
0x7a: {  	_ =	shalt  }
0x7b: {  	_ =	shalt  }
0x7c: {  	_ =	shalt  }
0x7d: {  	_ =	shalt  }
0x7e: {  	_ =	shalt  }
0x7f: {  	_ =	shalt  }
0x80: {  	_ =	shalt  }
0x81: {  	_ =	shalt  }
0x82: {  	_ =	shalt  }
0x83: {  	_ =	shalt  }
0x84: {  	_ =	shalt  }
0x85: {  	_ =	shalt  }
0x86: {  	_ =	shalt  }
0x87: {  	_ =	shalt  }
.Lfunc_end0:
.L_simem_size_0:
called_computation.1_lowered:
.L_overlay_start_0:
0x88: {  	s2 =	sld [smem:$0x3FD9]  }
0x89: {  	s3 =	sld [smem:$0x3FFE];
	_ =	sdelay $0x1  }
0x8a: {  	s1 =	srdreg.scid  }
0x8b: {  	s0 =	sand.u32 $0x1, s1  }
0x8c: {  	s16 =	sshll.u32 s0, $0xA;
	s2 =	sadd.s32 s3, s2  }
0x8d: {  	s2 =	sadd.s32 s2, s16  }
0x8e: {  	[smem:$0x3FAC] =	sst s2  }
0x8f: {  	_ = 	snop  }
0x90: {  	(tm) =	ssettm $0x1  }
0x91: {  	s17 =	sld [smem:$0x3FFB];
	_ =	sdelay $0x3  }
0x92: {  	_ =	strace s17  }
0x93: {  	s2 =	sld [smem:$0x3FFC];
	_ =	sdelay $0x3  }
0x94: {  	_ =	strace s2  }
0x95: {  	s2 =	sld [smem:$0x3FFD];
	_ =	sdelay $0x3  }
0x96: {  	_ =	strace s2  }
0x97: {  	_ =	strace $0x8FFFFFFF  }
0x98: {  	s18 =	sld [smem:$0x3FDB];
	_ =	sdelay $0x1  }
0x99: {  	s19 =	simm.s32 $_scs_section_size  }
0x9a: {  	s4 =	simm.s32 $_size__tile_overlayer_lowered;
	s5 =	simm.s32 $_tile_overlayer_lowered  }
0x9b: {  	s22 =	simm.s32 $0x1BFF;
	s21 =	sshll.u32 s5, $0x1;
	s2 =	sadd.s32 s19, s18  }
0x9c: {  	s6 =	simm.s32 $0x0;
	s20 =	sshll.u32 s4, $0x1;
	s4 =	sadd.s32 s21, s2  }
0x9d: {  	[timem:s6], [sflag:s22] =	dma.local [hbm:s4], s20  }
0x9e: {  	_ =	swait.ge [sflag:s22], s20  }
0x9f: {  	s3 =	ssub.s32 $0x0, s20;
	[sflag:s22] =	ssyncset.done $0x0  }
0xa0: {  	[sflag:s22] =	ssyncadd.s32 s3;
	_ =	sdelay $0x1  }
0xa1: {  	s23 =	simm.s32 $0x1B8B  }
0xa2: {  	_ =	swait.ge [sflag:s23], $0x1  }
0xa3: {  	[sflag:s23] =	ssyncset.done $0x0  }
0xa4: {  	s25 =	simm.s32 $0x1B8E;
	s24 =	sld [smem:$0x3FFE];
	[sflag:s23] =	ssyncadd.s32 $0xFFFFFFFF  }
0xa5: {  	s26 =	simm.s32 $execute0_lowered;
	[smem:$0x3FD2] =	sst s25  }
0xa6: {  	s4 =	sshll.u32 s26, $0x1;
	_ =	strace $0x80000049;
	[dreg:$0x1] =	wrdreg $0xFFFFFFFF  }
0xa7: {  	s28 =	simm.s32 $_size_execute0_lowered;
	s2 =	sadd.s32 s2, s4;
	[dreg:$0x0] =	wrdreg $0x0  }
0xa8: {  	s4 =	sshll.u32 s28, $0x1;
	[dreg:$0x2] =	wrdreg s2  }
0xa9: {  	[dreg:$0x3] =	wrdreg s4  }
0xaa: {  	[dreg:$0x4] =	wrdreg $0xC0  }
0xab: {  	_ =	task [dreg:s6], $0x5FFFF  }
0xac: {  	[dreg:$0x1] =	wrdreg $0xFFFFFFFF  }
0xad: {  	[dreg:$0x0] =	wrdreg $0x60  }
0xae: {  	[dreg:$0x2] =	wrdreg s24  }
0xaf: {  	[dreg:$0x3] =	wrdreg $0x9  }
0xb0: {  	_ =	task.clear_ibuf [dreg:s6], $0x4FFFF;
	_ =	strace $0x90000049  }
0xb1: {  	s29 =	simm.s32 $0x9;
	_ =	strace $0x8000004B  }
0xb2: {  	_ =	swait.ge [sflag:s29], $0x1  }
0xb3: {  	[sflag:s29] =	ssyncadd.s32 $0xFFFFFFFF  }
0xb4: {  	_ =	strace $0x9000004B  }
0xb5: {  	_ =	sfence  }
0xb6: {  	s30 =	sld [smem:$0x0];
	_ =	sdelay $0x2  }
0xb7: {  	s31 =	sshll.u32 s1, $0xD;
	s1 =	sshrl.u32 s1, $0x2  }
0xb8: {  	s3 =	sand.u32 $0x4000, s31;
	s1 =	sadd.s32 s1, s30  }
0xb9: {  	s0 =	sor.u32 s3, s0;
	s1 =	sshll.u32 s1, $0x11  }
0xba: {  	s0 =	sor.u32 s1, s0  }
0xbb: {  	s0 =	sadd.s32 $0x8F2B, s0  }
0xbc: {  	[sflag:s0] =	ssyncadd.remote.s32 $0x1  }
0xbd: {  	_ =	sfence.sel $0xFFFF  }
0xbe: {  	[dreg:$0x0] =	wrdreg $0xFFFFFFFF;
	(pc) =	sbr.abs _section_cstart, $3  }
0xbf: {  	[dreg:$0x1] =	wrdreg $0xFFFFFFFF  }
0xc0: {  	_ =	task.clear_ibuf [dreg:s6], $0x2FFFF;
	_ =	strace $0x9FFFFFFF  }
0xc1: {  	(tm) =	ssettm $0x7FFFFFFF  }
tec
execute0_lowered:
.L_overlay_start_1:
0x0: {  	(tag) =	ssettag $0x1  }
0x1: {  	s4 =	rddreg [dreg:$0x0]  }
0x2: {  	s0 =	rddreg [dreg:$0x1]  }
0x3: {  	s3 =	srdreg.scid;
	s1 =	stileid.u32;
	s2 =	simm.s32 $0x0  }
0x4: {  	s10 =	simm.s32 $0x1;
	s11 =	simm.s32 $0x0;
	s6 =	smul.u32 $0x2800, s1  }
0x5: {  	s5 =	sand.u32 $0x1, s3;
	[smem:$0x7FF] =	sst s2;
	s8 =	smul.u32 $0x28000, s1  }
0x6: {  	s3 =	sadd.s32 $0x7000, s4;
	s7 =	smul.u32 $0x1400, s5;
	s9 =	ssub.s32 $0x2, s5  }
0x7: {  	_ =	strace $0x8000004A;
	s5 =	smul.u32 $0x14000, s5;
	s31 =	sshrl.u32 s9, $0x1  }
0x8: {  	s30 =	sadd.s32 s8, s4;
	s6 =	sadd.s32 s7, s6;
	s8 =	ssub.s32 s9, s31  }
0x9: {  	s5 =	sadd.s32 s5, s30;
	s7 =	simm.s32 $0x2;
	s6 =	sshrl.u32 s6, $0x3  }
0xa: {  	s9 =	simm.s32 $0x80;
	s5 =	sadd.s32 $0x2C000, s5;
	s6 =	sadd.s32 s6, s4  }
0xb: {  	s4 =	smax.u32 s8, $0x1;
	s8 =	simm.s32 $0x50;
	s6 =	sadd.s32 $0x27000, s6  }
.LBB2_1:
0xc: {  	s12 =	sadd.s32 $0x0, s6  }
0xd: {  	[tilespmem:s2], [sflag:$0x2] =	stream.linear.gather [hbm4b:s12+s2], $0x50, $0x38;
	[tilespmem:$0x2880] =	vst v63  }
0xe: {  	_ =	swait.ge [sflag:s7], $0x50  }
0xf: {  	[sflag:s7] =	ssyncset.done $0x0  }
0x10: {  	[sflag:s7] =	ssyncadd.s32 $0xFFFFFFB0  }
0x11: {  	[tilespmem:s9], [sflag:$0x1] =	stream.indirect.gather [hbm4b:s3+s8], $0x80, s2, s8, $0xb8;
	[tilespmem:$0x2880] =	vst v63  }
0x12: {  	_ =	swait.ge [sflag:s10], $0x2800  }
0x13: {  	[sflag:s10] =	ssyncset.done $0x0  }
0x14: {  	[sflag:s10] =	ssyncadd.s32 $0xFFFFD800  }
0x15: {  	[hbm4b:s5+s2] =	stream.linear.scatter [tilespmem:s9], [sflag:$0x2], $0x2800, $0x38;
	[tilespmem:$0x2880] =	vst v63  }
0x16: {  	s13 =	simm.s32 $0xA;
	_ =	swait.ge [sflag:s7], $0x2800  }
0x17: {  	s14 =	simm.s32 $0x14;
	s12 =	sadd.s32 $0x500, s5;
	[sflag:s7] =	ssyncset.done $0x0  }
.LBB2_2:
0x18: {  	s15 =	sadd.s32 s13, s6  }
0x19: {  	[sflag:s7] =	ssyncadd.s32 $0xFFFFD800;
	s13 =	smov.u32 s14;
	s16 =	sadd.s32 $0xA, s14  }
0x1a: {  	[tilespmem:s2], [sflag:$0x2] =	stream.linear.gather [hbm4b:s15+s2], $0x50, $0x38;
	[tilespmem:$0x2880] =	vst v63  }
0x1b: {  	p0 =	sne.s32 s14, $0x276;
	_ =	swait.ge [sflag:s7], $0x50  }
0x1c: {  	[sflag:s7] =	ssyncset.done $0x0  }
0x1d: {  	[sflag:s7] =	ssyncadd.s32 $0xFFFFFFB0  }
0x1e: {  	[tilespmem:s9], [sflag:$0x1] =	stream.indirect.gather [hbm4b:s3+s8], $0x80, s2, s8, $0xb8;
	[tilespmem:$0x2880] =	vst v63  }
0x1f: {  	_ =	swait.ge [sflag:s10], $0x2800  }
.Ltmp0:
0x20: {  	[sflag:s10] =	ssyncset.done $0x0;
	(pc) =	sbr.rel @p0 .LBB2_2-.Ltmp0, $4  }
0x21: {  	[sflag:s10] =	ssyncadd.s32 $0xFFFFD800  }
0x22: {  	[hbm4b:s12+s2] =	stream.linear.scatter [tilespmem:s9], [sflag:$0x2], $0x2800, $0x38;
	[tilespmem:$0x2880] =	vst v63  }
0x23: {  	_ =	swait.ge [sflag:s7], $0x2800  }
0x24: {  	s14 =	smov.u32 s16;
	s12 =	sadd.s32 $0x500, s12;
	[sflag:s7] =	ssyncset.done $0x0  }
0x25: {  	s13 =	sadd.s32 s13, s6;
	[sflag:s7] =	ssyncadd.s32 $0xFFFFD800  }
0x26: {  	[tilespmem:s2], [sflag:$0x2] =	stream.linear.gather [hbm4b:s13+s2], $0x50, $0x38;
	[tilespmem:$0x2880] =	vst v63  }
0x27: {  	_ =	swait.ge [sflag:s7], $0x50  }
0x28: {  	[sflag:s7] =	ssyncset.done $0x0  }
0x29: {  	[sflag:s7] =	ssyncadd.s32 $0xFFFFFFB0  }
0x2a: {  	[tilespmem:s9], [sflag:$0x1] =	stream.indirect.gather [hbm4b:s3+s8], $0x80, s2, s8, $0xb8;
	[tilespmem:$0x2880] =	vst v63  }
0x2b: {  	s11 =	sadd.s32 $0x1, s11;
	_ =	swait.ge [sflag:s10], $0x2800  }
0x2c: {  	p0 =	sne.s32 s11, s4;
	[sflag:s10] =	ssyncset.done $0x0  }
.Ltmp1:
0x2d: {  	[sflag:s10] =	ssyncadd.s32 $0xFFFFD800;
	(pc) =	sbr.rel @p0 .LBB2_1-.Ltmp1, $4  }
0x2e: {  	[hbm4b:s12+s2] =	stream.linear.scatter [tilespmem:s9], [sflag:$0x2], $0x2800, $0x38;
	[tilespmem:$0x2880] =	vst v63  }
0x2f: {  	_ =	swait.ge [sflag:s7], $0x2800  }
0x30: {  	[sflag:s7] =	ssyncset.done $0x0  }
0x31: {  	[sflag:s7] =	ssyncadd.s32 $0xFFFFD800  }
0x32: {  	_ =	sfence.sel $0x180000  }
0x33: {  	[bflag:$0x0] =	sbarrier.arrive $0xFFFF  }
0x34: {  	p0 =	sne.s32 s1, $0x0;
	_ =	strace $0x9000004A  }
0x35: {  	s0 =	sadd.s32 @!p0 $0x100000, s0;
	[bflag:$0x2] =	sbarrier.arrive $0xFFFF  }
0x36: {  	[sflag:s0] =	ssyncadd.tile.s32 @!p0 $0x1;
	_ =	shalt  }
.Lfunc_end2:
_tile_overlayer_lowered:
.L_overlay_start_2:
0x37: {  	(tag) =	ssettag $0x2  }
0x38: {  	s0 =	rddreg [dreg:$0x0];
	s2 =	stileid.u32  }
0x39: {  	s1 =	rddreg [dreg:$0x1];
	p0 =	sne.s32 s2, $0x0  }
0x3a: {  	s3 =	rddreg [dreg:$0x2];
	[bflag:$0x3] =	sbarrier.arrive $0xFFFF;
	s2 =	simm.s32 @!p0 $0x1C02  }
0x3b: {  	[timem:s3], [sflag:s2] =	dma.local @!p0 [hbm:s0], s1  }
0x3c: {  	s0 =	simm.s32 @!p0 $0x2  }
0x3d: {  	_ =	swait.ge @!p0 [sflag:s0], s1  }
0x3e: {  	s1 =	ssub.s32 @!p0 $0x0, s1;
	[sflag:s0] =	ssyncset.done @!p0 $0x0  }
0x3f: {  	[sflag:s0] =	ssyncadd.s32 @!p0 s1  }
0x40: {  	[bflag:$0x3] =	sbarrier.arrive $0xFFFF  }
0x41: {  	_ =	shalt  }

// kernel: kernel.27.cloned.1.call-start
scs
__scs_entry_jumppad:
0x0: {  	(pc) =	sbr.rel $0x88, $3  }
0x1: {  	(tag) =	ssettag $0x0;
	lr =	simm.s32 $0x1  }
0x2: {  	[smem:$0x3F85] =	sst lr;
	_ =	strace $0xD0000000  }
0x3: {  	_ = 	snop  }
0x4: {  	_ = 	snop  }
0x5: {  	_ = 	snop  }
0x6: {  	_ = 	snop  }
0x7: {  	_ = 	snop  }
__scs_overlays_trampoline_lowered:
0x8: {  	[smem:$0x3F94] =	sst s0  }
0x9: {  	[smem:$0x3F95] =	sst s1  }
0xa: {  	[smem:$0x3F96] =	sst s2  }
0xb: {  	[smem:$0x3F97] =	sst s3  }
0xc: {  	[smem:$0x3F98] =	sst s4  }
0xd: {  	[smem:$0x3F99] =	sst s5  }
0xe: {  	[smem:$0x3F9A] =	sst s6  }
0xf: {  	[smem:$0x3F9B] =	sst s7  }
0x10: {  	[smem:$0x3F9C] =	sst s8  }
0x11: {  	[smem:$0x3F9D] =	sst s9;
	s0 =	simm.s32 @!p0 $0x0  }
0x12: {  	s1 =	sld [smem:$0x3F83];
	s0 =	simm.s32 @p0 $0x1  }
0x13: {  	[smem:$0x3F9E] =	sst s0;
	s0 =	simm.s32 @!p1 $0x0  }
0x14: {  	s2 =	sld [smem:$0x3F82];
	s0 =	simm.s32 @p1 $0x1  }
0x15: {  	[smem:$0x3F9F] =	sst s0;
	s0 =	simm.s32 @!p2 $0x0  }
0x16: {  	s3 =	sld [smem:$0x3FDB];
	s0 =	simm.s32 @p2 $0x1  }
0x17: {  	s4 =	simm.s32 $0x1BF5;
	[smem:$0x3FA1] =	sst s0  }
0x18: {  	s0 =	sld [smem:$0x3F84];
	_ =	swait.ge [sflag:s4], $0x0  }
0x19: {  	s7 =	sld [smem:$0x3F85]  }
0x1a: {  	s8 =	sadd.s32 $0xFFFFE003, lr  }
0x1b: {  	s9 =	sadd.s32 $0xFFFFFEF7, lr;
	s5 =	simm.s32 $0xFFFFFFFF;
	p2 =	slt.u32 s8, $0xFFFFF086  }
0x1c: {  	p1 =	slt.u32 s9, $0xF7A;
	s5 =	simm.s32 @!p2 $0x0  }
0x1d: {  	s5 =	simm.s32 @p1 $0x1;
	p0 =	seq.s32 s7, s2  }
0x1e: {  	s7 =	smul.u32 @!p0 $0xF7A, s2;
	p2 =	seq.s32 @!p0 s5, $0x0  }
0x1f: {  	s9 =	smul.u32 $0xF7A, s1;
	s8 =	simm.s32 @!p0 $0x1BF5;
	p2 =	por !p2, p0  }
0x20: {  	[sflag:s8] =	ssyncset.s32 @!p0 $0xFFFFF086;
	s6 =	sadd.s32 @!p0 s3, s7;
	s7 =	simm.s32 @!p0 $0x108  }
0x21: {  	s3 =	sadd.s32 s3, s9;
	s6 =	sadd.s32 @!p0 $0x88, s6;
	s7 =	simm.s32 @p2 $0x1082  }
0x22: {  	[simem:s7], [sflag:s8] =	dma.local @!p0 [hbm:s6], $0xF7A  }
0x23: {  	s9 =	sor.u32 $0xD0000000, s2;
	s6 =	simm.s32 $0x108;
	_ =	swait.ge @!p0 [sflag:s8], $0x0  }
0x24: {  	s3 =	sadd.s32 $0x88, s3;
	s6 =	simm.s32 @!p1 $0x1082;
	[sflag:s4] =	ssyncset.s32 $0xFFFFF086  }
0x25: {  	[simem:s6], [sflag:s4] =	dma.local [hbm:s3], $0xF7A  }
0x26: {  	[smem:$0x3F85] =	sst s1;
	(tag) =	ssettag s2;
	_ =	strace s9  }
0x27: {  	s1 =	sld [smem:$0x3F95]  }
0x28: {  	s2 =	sld [smem:$0x3F96]  }
0x29: {  	s4 =	sld [smem:$0x3F98]  }
0x2a: {  	p0 =	seq.s32 s5, $0x0;
	s5 =	sld [smem:$0x3F99]  }
0x2b: {  	s6 =	sld [smem:$0x3F9A]  }
0x2c: {  	s7 =	sld [smem:$0x3F9B]  }
0x2d: {  	s3 =	simm.s32 $0x108;
	s8 =	sld [smem:$0x3F9C]  }
0x2e: {  	s3 =	simm.s32 @!p0 $0x1082;
	s9 =	sld [smem:$0x3F9D]  }
0x2f: {  	lr =	sadd.s32 s0, s3;
	s0 =	sld [smem:$0x3F94]  }
0x30: {  	s3 =	sld [smem:$0x3F97]  }
0x31: {  	[smem:$0x3FA0] =	sst s10  }
0x32: {  	s10 =	sld [smem:$0x3F9E];
	_ =	sdelay $0x3  }
0x33: {  	p0 =	seq.s32 s10, $0x1;
	s10 =	sld [smem:$0x3FA0];
	_ =	sdelay $0x3  }
0x34: {  	[smem:$0x3FA0] =	sst s10  }
0x35: {  	s10 =	sld [smem:$0x3F9F];
	_ =	sdelay $0x3  }
0x36: {  	p1 =	seq.s32 s10, $0x1;
	s10 =	sld [smem:$0x3FA0];
	_ =	sdelay $0x3  }
0x37: {  	[smem:$0x3FA0] =	sst s10  }
0x38: {  	s10 =	sld [smem:$0x3FA1]  }
0x39: {  	_ = 	snop;
	(pc) =	sbr.ind lr, $3  }
0x3a: {  	_ = 	snop  }
0x3b: {  	_ = 	snop  }
0x3c: {  	p2 =	seq.s32 s10, $0x1;
	s10 =	sld [smem:$0x3FA0]  }
0x3d: {  	_ =	shalt  }
0x3e: {  	_ =	shalt  }
0x3f: {  	_ =	shalt  }
0x40: {  	_ =	shalt  }
0x41: {  	_ =	shalt  }
0x42: {  	_ =	shalt  }
0x43: {  	_ =	shalt  }
0x44: {  	_ =	shalt  }
0x45: {  	_ =	shalt  }
0x46: {  	_ =	shalt  }
0x47: {  	_ =	shalt  }
0x48: {  	_ =	shalt  }
0x49: {  	_ =	shalt  }
0x4a: {  	_ =	shalt  }
0x4b: {  	_ =	shalt  }
0x4c: {  	_ =	shalt  }
0x4d: {  	_ =	shalt  }
0x4e: {  	_ =	shalt  }
0x4f: {  	_ =	shalt  }
0x50: {  	_ =	shalt  }
0x51: {  	_ =	shalt  }
0x52: {  	_ =	shalt  }
0x53: {  	_ =	shalt  }
0x54: {  	_ =	shalt  }
0x55: {  	_ =	shalt  }
0x56: {  	_ =	shalt  }
0x57: {  	_ =	shalt  }
0x58: {  	_ =	shalt  }
0x59: {  	_ =	shalt  }
0x5a: {  	_ =	shalt  }
0x5b: {  	_ =	shalt  }
0x5c: {  	_ =	shalt  }
0x5d: {  	_ =	shalt  }
0x5e: {  	_ =	shalt  }
0x5f: {  	_ =	shalt  }
0x60: {  	_ =	shalt  }
0x61: {  	_ =	shalt  }
0x62: {  	_ =	shalt  }
0x63: {  	_ =	shalt  }
0x64: {  	_ =	shalt  }
0x65: {  	_ =	shalt  }
0x66: {  	_ =	shalt  }
0x67: {  	_ =	shalt  }
0x68: {  	_ =	shalt  }
0x69: {  	_ =	shalt  }
0x6a: {  	_ =	shalt  }
0x6b: {  	_ =	shalt  }
0x6c: {  	_ =	shalt  }
0x6d: {  	_ =	shalt  }
0x6e: {  	_ =	shalt  }
0x6f: {  	_ =	shalt  }
0x70: {  	_ =	shalt  }
0x71: {  	_ =	shalt  }
0x72: {  	_ =	shalt  }
0x73: {  	_ =	shalt  }
0x74: {  	_ =	shalt  }
0x75: {  	_ =	shalt  }
0x76: {  	_ =	shalt  }
0x77: {  	_ =	shalt  }
0x78: {  	_ =	shalt  }
0x79: {  	_ =	shalt  }
0x7a: {  	_ =	shalt  }
0x7b: {  	_ =	shalt  }
0x7c: {  	_ =	shalt  }
0x7d: {  	_ =	shalt  }
0x7e: {  	_ =	shalt  }
0x7f: {  	_ =	shalt  }
0x80: {  	_ =	shalt  }
0x81: {  	_ =	shalt  }
0x82: {  	_ =	shalt  }
0x83: {  	_ =	shalt  }
0x84: {  	_ =	shalt  }
0x85: {  	_ =	shalt  }
0x86: {  	_ =	shalt  }
0x87: {  	_ =	shalt  }
.Lfunc_end0:
.L_simem_size_0:
called_computation.2_lowered:
.L_overlay_start_0:
0x88: {  	s2 =	sld [smem:$0x3FD9]  }
0x89: {  	s3 =	sld [smem:$0x3FFE];
	_ =	sdelay $0x1  }
0x8a: {  	s1 =	srdreg.scid  }
0x8b: {  	s0 =	sand.u32 $0x1, s1  }
0x8c: {  	s16 =	sshll.u32 s0, $0xA;
	s2 =	sadd.s32 s3, s2  }
0x8d: {  	s2 =	sadd.s32 s2, s16  }
0x8e: {  	[smem:$0x3FAC] =	sst s2  }
0x8f: {  	_ = 	snop  }
0x90: {  	(tm) =	ssettm $0x1  }
0x91: {  	s17 =	sld [smem:$0x3FFB];
	_ =	sdelay $0x3  }
0x92: {  	_ =	strace s17  }
0x93: {  	s2 =	sld [smem:$0x3FFC];
	_ =	sdelay $0x3  }
0x94: {  	_ =	strace s2  }
0x95: {  	s2 =	sld [smem:$0x3FFD];
	_ =	sdelay $0x3  }
0x96: {  	_ =	strace s2  }
0x97: {  	_ =	strace $0x8FFFFFFF  }
0x98: {  	s18 =	sld [smem:$0x3FDB];
	_ =	sdelay $0x1  }
0x99: {  	s19 =	simm.s32 $_scs_section_size  }
0x9a: {  	s4 =	simm.s32 $_size__tile_overlayer_lowered;
	s5 =	simm.s32 $_tile_overlayer_lowered  }
0x9b: {  	s22 =	simm.s32 $0x1BFF;
	s21 =	sshll.u32 s5, $0x1;
	s2 =	sadd.s32 s19, s18  }
0x9c: {  	s6 =	simm.s32 $0x0;
	s20 =	sshll.u32 s4, $0x1;
	s4 =	sadd.s32 s21, s2  }
0x9d: {  	[timem:s6], [sflag:s22] =	dma.local [hbm:s4], s20  }
0x9e: {  	_ =	swait.ge [sflag:s22], s20  }
0x9f: {  	s3 =	ssub.s32 $0x0, s20;
	[sflag:s22] =	ssyncset.done $0x0  }
0xa0: {  	[sflag:s22] =	ssyncadd.s32 s3;
	_ =	sdelay $0x1  }
0xa1: {  	s23 =	simm.s32 $0x1B8B  }
0xa2: {  	_ =	swait.ge [sflag:s23], $0x1  }
0xa3: {  	[sflag:s23] =	ssyncset.done $0x0  }
0xa4: {  	s25 =	simm.s32 $0x1B8E;
	s24 =	sld [smem:$0x3FFE];
	[sflag:s23] =	ssyncadd.s32 $0xFFFFFFFF  }
0xa5: {  	s26 =	simm.s32 $execute0_lowered;
	[smem:$0x3FD2] =	sst s25  }
0xa6: {  	s4 =	sshll.u32 s26, $0x1;
	_ =	strace $0x8000004C;
	[dreg:$0x1] =	wrdreg $0xFFFFFFFF  }
0xa7: {  	s28 =	simm.s32 $_size_execute0_lowered;
	s2 =	sadd.s32 s2, s4;
	[dreg:$0x0] =	wrdreg $0x0  }
0xa8: {  	s4 =	sshll.u32 s28, $0x1;
	[dreg:$0x2] =	wrdreg s2  }
0xa9: {  	[dreg:$0x3] =	wrdreg s4  }
0xaa: {  	[dreg:$0x4] =	wrdreg $0xC0  }
0xab: {  	_ =	task [dreg:s6], $0x5FFFF  }
0xac: {  	[dreg:$0x1] =	wrdreg $0xFFFFFFFF  }
0xad: {  	[dreg:$0x0] =	wrdreg $0x60  }
0xae: {  	[dreg:$0x2] =	wrdreg s24  }
0xaf: {  	[dreg:$0x3] =	wrdreg $0x9  }
0xb0: {  	_ =	task.clear_ibuf [dreg:s6], $0x4FFFF;
	_ =	strace $0x9000004C  }
0xb1: {  	s29 =	simm.s32 $0x9;
	_ =	strace $0x8000004E  }
0xb2: {  	_ =	swait.ge [sflag:s29], $0x1  }
0xb3: {  	[sflag:s29] =	ssyncadd.s32 $0xFFFFFFFF  }
0xb4: {  	_ =	strace $0x9000004E  }
0xb5: {  	_ =	sfence  }
0xb6: {  	s30 =	sld [smem:$0x0];
	_ =	sdelay $0x2  }
0xb7: {  	s31 =	sshll.u32 s1, $0xD;
	s1 =	sshrl.u32 s1, $0x2  }
0xb8: {  	s3 =	sand.u32 $0x4000, s31;
	s1 =	sadd.s32 s1, s30  }
0xb9: {  	s0 =	sor.u32 s3, s0;
	s1 =	sshll.u32 s1, $0x11  }
0xba: {  	s0 =	sor.u32 s1, s0  }
0xbb: {  	s0 =	sadd.s32 $0x8F2B, s0  }
0xbc: {  	[sflag:s0] =	ssyncadd.remote.s32 $0x1  }
0xbd: {  	_ =	sfence.sel $0xFFFF  }
0xbe: {  	[dreg:$0x0] =	wrdreg $0xFFFFFFFF;
	(pc) =	sbr.abs _section_cstart, $3  }
0xbf: {  	[dreg:$0x1] =	wrdreg $0xFFFFFFFF  }
0xc0: {  	_ =	task.clear_ibuf [dreg:s6], $0x2FFFF;
	_ =	strace $0x9FFFFFFF  }
0xc1: {  	(tm) =	ssettm $0x7FFFFFFF  }
tec
execute0_lowered:
.L_overlay_start_1:
0x0: {  	(tag) =	ssettag $0x1  }
0x1: {  	s4 =	rddreg [dreg:$0x0]  }
0x2: {  	s0 =	rddreg [dreg:$0x1]  }
0x3: {  	s3 =	srdreg.scid;
	s1 =	stileid.u32;
	s2 =	simm.s32 $0x0  }
0x4: {  	s10 =	simm.s32 $0x1;
	s11 =	simm.s32 $0x0;
	s6 =	smul.u32 $0x2800, s1  }
0x5: {  	s5 =	sand.u32 $0x1, s3;
	[smem:$0x7FF] =	sst s2;
	s8 =	smul.u32 $0x28000, s1  }
0x6: {  	s3 =	sadd.s32 $0x7000, s4;
	s7 =	smul.u32 $0x1400, s5;
	s9 =	ssub.s32 $0x2, s5  }
0x7: {  	_ =	strace $0x8000004D;
	s5 =	smul.u32 $0x14000, s5;
	s31 =	sshrl.u32 s9, $0x1  }
0x8: {  	s30 =	sadd.s32 s8, s4;
	s6 =	sadd.s32 s7, s6;
	s8 =	ssub.s32 s9, s31  }
0x9: {  	s5 =	sadd.s32 s5, s30;
	s7 =	simm.s32 $0x2;
	s6 =	sshrl.u32 s6, $0x3  }
0xa: {  	s9 =	simm.s32 $0x80;
	s5 =	sadd.s32 $0x2C000, s5;
	s6 =	sadd.s32 s6, s4  }
0xb: {  	s4 =	smax.u32 s8, $0x1;
	s8 =	simm.s32 $0x50;
	s6 =	sadd.s32 $0x27000, s6  }
.LBB2_1:
0xc: {  	s12 =	sadd.s32 $0x0, s6  }
0xd: {  	[tilespmem:s2], [sflag:$0x2] =	stream.linear.gather [hbm4b:s12+s2], $0x50, $0x38;
	[tilespmem:$0x2880] =	vst v63  }
0xe: {  	_ =	swait.ge [sflag:s7], $0x50  }
0xf: {  	[sflag:s7] =	ssyncset.done $0x0  }
0x10: {  	[sflag:s7] =	ssyncadd.s32 $0xFFFFFFB0  }
0x11: {  	[tilespmem:s9], [sflag:$0x1] =	stream.indirect.gather [hbm4b:s3+s8], $0x80, s2, s8, $0xb8;
	[tilespmem:$0x2880] =	vst v63  }
0x12: {  	_ =	swait.ge [sflag:s10], $0x2800  }
0x13: {  	[sflag:s10] =	ssyncset.done $0x0  }
0x14: {  	[sflag:s10] =	ssyncadd.s32 $0xFFFFD800  }
0x15: {  	[hbm4b:s5+s2] =	stream.linear.scatter [tilespmem:s9], [sflag:$0x2], $0x2800, $0x38;
	[tilespmem:$0x2880] =	vst v63  }
0x16: {  	s13 =	simm.s32 $0xA;
	_ =	swait.ge [sflag:s7], $0x2800  }
0x17: {  	s14 =	simm.s32 $0x14;
	s12 =	sadd.s32 $0x500, s5;
	[sflag:s7] =	ssyncset.done $0x0  }
.LBB2_2:
0x18: {  	s15 =	sadd.s32 s13, s6  }
0x19: {  	[sflag:s7] =	ssyncadd.s32 $0xFFFFD800;
	s13 =	smov.u32 s14;
	s16 =	sadd.s32 $0xA, s14  }
0x1a: {  	[tilespmem:s2], [sflag:$0x2] =	stream.linear.gather [hbm4b:s15+s2], $0x50, $0x38;
	[tilespmem:$0x2880] =	vst v63  }
0x1b: {  	p0 =	sne.s32 s14, $0x276;
	_ =	swait.ge [sflag:s7], $0x50  }
0x1c: {  	[sflag:s7] =	ssyncset.done $0x0  }
0x1d: {  	[sflag:s7] =	ssyncadd.s32 $0xFFFFFFB0  }
0x1e: {  	[tilespmem:s9], [sflag:$0x1] =	stream.indirect.gather [hbm4b:s3+s8], $0x80, s2, s8, $0xb8;
	[tilespmem:$0x2880] =	vst v63  }
0x1f: {  	_ =	swait.ge [sflag:s10], $0x2800  }
.Ltmp0:
0x20: {  	[sflag:s10] =	ssyncset.done $0x0;
	(pc) =	sbr.rel @p0 .LBB2_2-.Ltmp0, $4  }
0x21: {  	[sflag:s10] =	ssyncadd.s32 $0xFFFFD800  }
0x22: {  	[hbm4b:s12+s2] =	stream.linear.scatter [tilespmem:s9], [sflag:$0x2], $0x2800, $0x38;
	[tilespmem:$0x2880] =	vst v63  }
0x23: {  	_ =	swait.ge [sflag:s7], $0x2800  }
0x24: {  	s14 =	smov.u32 s16;
	s12 =	sadd.s32 $0x500, s12;
	[sflag:s7] =	ssyncset.done $0x0  }
0x25: {  	s13 =	sadd.s32 s13, s6;
	[sflag:s7] =	ssyncadd.s32 $0xFFFFD800  }
0x26: {  	[tilespmem:s2], [sflag:$0x2] =	stream.linear.gather [hbm4b:s13+s2], $0x50, $0x38;
	[tilespmem:$0x2880] =	vst v63  }
0x27: {  	_ =	swait.ge [sflag:s7], $0x50  }
0x28: {  	[sflag:s7] =	ssyncset.done $0x0  }
0x29: {  	[sflag:s7] =	ssyncadd.s32 $0xFFFFFFB0  }
0x2a: {  	[tilespmem:s9], [sflag:$0x1] =	stream.indirect.gather [hbm4b:s3+s8], $0x80, s2, s8, $0xb8;
	[tilespmem:$0x2880] =	vst v63  }
0x2b: {  	s11 =	sadd.s32 $0x1, s11;
	_ =	swait.ge [sflag:s10], $0x2800  }
0x2c: {  	p0 =	sne.s32 s11, s4;
	[sflag:s10] =	ssyncset.done $0x0  }
.Ltmp1:
0x2d: {  	[sflag:s10] =	ssyncadd.s32 $0xFFFFD800;
	(pc) =	sbr.rel @p0 .LBB2_1-.Ltmp1, $4  }
0x2e: {  	[hbm4b:s12+s2] =	stream.linear.scatter [tilespmem:s9], [sflag:$0x2], $0x2800, $0x38;
	[tilespmem:$0x2880] =	vst v63  }
0x2f: {  	_ =	swait.ge [sflag:s7], $0x2800  }
0x30: {  	[sflag:s7] =	ssyncset.done $0x0  }
0x31: {  	[sflag:s7] =	ssyncadd.s32 $0xFFFFD800  }
0x32: {  	_ =	sfence.sel $0x180000  }
0x33: {  	[bflag:$0x0] =	sbarrier.arrive $0xFFFF  }
0x34: {  	p0 =	sne.s32 s1, $0x0;
	_ =	strace $0x9000004D  }
0x35: {  	s0 =	sadd.s32 @!p0 $0x100000, s0;
	[bflag:$0x2] =	sbarrier.arrive $0xFFFF  }
0x36: {  	[sflag:s0] =	ssyncadd.tile.s32 @!p0 $0x1;
	_ =	shalt  }
.Lfunc_end2:
_tile_overlayer_lowered:
.L_overlay_start_2:
0x37: {  	(tag) =	ssettag $0x2  }
0x38: {  	s0 =	rddreg [dreg:$0x0];
	s2 =	stileid.u32  }
0x39: {  	s1 =	rddreg [dreg:$0x1];
	p0 =	sne.s32 s2, $0x0  }
0x3a: {  	s3 =	rddreg [dreg:$0x2];
	[bflag:$0x3] =	sbarrier.arrive $0xFFFF;
	s2 =	simm.s32 @!p0 $0x1C02  }
0x3b: {  	[timem:s3], [sflag:s2] =	dma.local @!p0 [hbm:s0], s1  }
0x3c: {  	s0 =	simm.s32 @!p0 $0x2  }
0x3d: {  	_ =	swait.ge @!p0 [sflag:s0], s1  }
0x3e: {  	s1 =	ssub.s32 @!p0 $0x0, s1;
	[sflag:s0] =	ssyncset.done @!p0 $0x0  }
0x3f: {  	[sflag:s0] =	ssyncadd.s32 @!p0 s1  }
0x40: {  	[bflag:$0x3] =	sbarrier.arrive $0xFFFF  }
0x41: {  	_ =	shalt  }

// kernel: kernel.30.cloned.1.call-start
scs
__scs_entry_jumppad:
0x0: {  	(pc) =	sbr.rel $0x88, $3  }
0x1: {  	(tag) =	ssettag $0x0;
	lr =	simm.s32 $0x1  }
0x2: {  	[smem:$0x3F85] =	sst lr;
	_ =	strace $0xD0000000  }
0x3: {  	_ = 	snop  }
0x4: {  	_ = 	snop  }
0x5: {  	_ = 	snop  }
0x6: {  	_ = 	snop  }
0x7: {  	_ = 	snop  }
__scs_overlays_trampoline_lowered:
0x8: {  	[smem:$0x3F94] =	sst s0  }
0x9: {  	[smem:$0x3F95] =	sst s1  }
0xa: {  	[smem:$0x3F96] =	sst s2  }
0xb: {  	[smem:$0x3F97] =	sst s3  }
0xc: {  	[smem:$0x3F98] =	sst s4  }
0xd: {  	[smem:$0x3F99] =	sst s5  }
0xe: {  	[smem:$0x3F9A] =	sst s6  }
0xf: {  	[smem:$0x3F9B] =	sst s7  }
0x10: {  	[smem:$0x3F9C] =	sst s8  }
0x11: {  	[smem:$0x3F9D] =	sst s9;
	s0 =	simm.s32 @!p0 $0x0  }
0x12: {  	s1 =	sld [smem:$0x3F83];
	s0 =	simm.s32 @p0 $0x1  }
0x13: {  	[smem:$0x3F9E] =	sst s0;
	s0 =	simm.s32 @!p1 $0x0  }
0x14: {  	s2 =	sld [smem:$0x3F82];
	s0 =	simm.s32 @p1 $0x1  }
0x15: {  	[smem:$0x3F9F] =	sst s0;
	s0 =	simm.s32 @!p2 $0x0  }
0x16: {  	s3 =	sld [smem:$0x3FDB];
	s0 =	simm.s32 @p2 $0x1  }
0x17: {  	s4 =	simm.s32 $0x1BF5;
	[smem:$0x3FA1] =	sst s0  }
0x18: {  	s0 =	sld [smem:$0x3F84];
	_ =	swait.ge [sflag:s4], $0x0  }
0x19: {  	s7 =	sld [smem:$0x3F85]  }
0x1a: {  	s8 =	sadd.s32 $0xFFFFE003, lr  }
0x1b: {  	s9 =	sadd.s32 $0xFFFFFEF7, lr;
	s5 =	simm.s32 $0xFFFFFFFF;
	p2 =	slt.u32 s8, $0xFFFFF086  }
0x1c: {  	p1 =	slt.u32 s9, $0xF7A;
	s5 =	simm.s32 @!p2 $0x0  }
0x1d: {  	s5 =	simm.s32 @p1 $0x1;
	p0 =	seq.s32 s7, s2  }
0x1e: {  	s7 =	smul.u32 @!p0 $0xF7A, s2;
	p2 =	seq.s32 @!p0 s5, $0x0  }
0x1f: {  	s9 =	smul.u32 $0xF7A, s1;
	s8 =	simm.s32 @!p0 $0x1BF5;
	p2 =	por !p2, p0  }
0x20: {  	[sflag:s8] =	ssyncset.s32 @!p0 $0xFFFFF086;
	s6 =	sadd.s32 @!p0 s3, s7;
	s7 =	simm.s32 @!p0 $0x108  }
0x21: {  	s3 =	sadd.s32 s3, s9;
	s6 =	sadd.s32 @!p0 $0x88, s6;
	s7 =	simm.s32 @p2 $0x1082  }
0x22: {  	[simem:s7], [sflag:s8] =	dma.local @!p0 [hbm:s6], $0xF7A  }
0x23: {  	s9 =	sor.u32 $0xD0000000, s2;
	s6 =	simm.s32 $0x108;
	_ =	swait.ge @!p0 [sflag:s8], $0x0  }
0x24: {  	s3 =	sadd.s32 $0x88, s3;
	s6 =	simm.s32 @!p1 $0x1082;
	[sflag:s4] =	ssyncset.s32 $0xFFFFF086  }
0x25: {  	[simem:s6], [sflag:s4] =	dma.local [hbm:s3], $0xF7A  }
0x26: {  	[smem:$0x3F85] =	sst s1;
	(tag) =	ssettag s2;
	_ =	strace s9  }
0x27: {  	s1 =	sld [smem:$0x3F95]  }
0x28: {  	s2 =	sld [smem:$0x3F96]  }
0x29: {  	s4 =	sld [smem:$0x3F98]  }
0x2a: {  	p0 =	seq.s32 s5, $0x0;
	s5 =	sld [smem:$0x3F99]  }
0x2b: {  	s6 =	sld [smem:$0x3F9A]  }
0x2c: {  	s7 =	sld [smem:$0x3F9B]  }
0x2d: {  	s3 =	simm.s32 $0x108;
	s8 =	sld [smem:$0x3F9C]  }
0x2e: {  	s3 =	simm.s32 @!p0 $0x1082;
	s9 =	sld [smem:$0x3F9D]  }
0x2f: {  	lr =	sadd.s32 s0, s3;
	s0 =	sld [smem:$0x3F94]  }
0x30: {  	s3 =	sld [smem:$0x3F97]  }
0x31: {  	[smem:$0x3FA0] =	sst s10  }
0x32: {  	s10 =	sld [smem:$0x3F9E];
	_ =	sdelay $0x3  }
0x33: {  	p0 =	seq.s32 s10, $0x1;
	s10 =	sld [smem:$0x3FA0];
	_ =	sdelay $0x3  }
0x34: {  	[smem:$0x3FA0] =	sst s10  }
0x35: {  	s10 =	sld [smem:$0x3F9F];
	_ =	sdelay $0x3  }
0x36: {  	p1 =	seq.s32 s10, $0x1;
	s10 =	sld [smem:$0x3FA0];
	_ =	sdelay $0x3  }
0x37: {  	[smem:$0x3FA0] =	sst s10  }
0x38: {  	s10 =	sld [smem:$0x3FA1]  }
0x39: {  	_ = 	snop;
	(pc) =	sbr.ind lr, $3  }
0x3a: {  	_ = 	snop  }
0x3b: {  	_ = 	snop  }
0x3c: {  	p2 =	seq.s32 s10, $0x1;
	s10 =	sld [smem:$0x3FA0]  }
0x3d: {  	_ =	shalt  }
0x3e: {  	_ =	shalt  }
0x3f: {  	_ =	shalt  }
0x40: {  	_ =	shalt  }
0x41: {  	_ =	shalt  }
0x42: {  	_ =	shalt  }
0x43: {  	_ =	shalt  }
0x44: {  	_ =	shalt  }
0x45: {  	_ =	shalt  }
0x46: {  	_ =	shalt  }
0x47: {  	_ =	shalt  }
0x48: {  	_ =	shalt  }
0x49: {  	_ =	shalt  }
0x4a: {  	_ =	shalt  }
0x4b: {  	_ =	shalt  }
0x4c: {  	_ =	shalt  }
0x4d: {  	_ =	shalt  }
0x4e: {  	_ =	shalt  }
0x4f: {  	_ =	shalt  }
0x50: {  	_ =	shalt  }
0x51: {  	_ =	shalt  }
0x52: {  	_ =	shalt  }
0x53: {  	_ =	shalt  }
0x54: {  	_ =	shalt  }
0x55: {  	_ =	shalt  }
0x56: {  	_ =	shalt  }
0x57: {  	_ =	shalt  }
0x58: {  	_ =	shalt  }
0x59: {  	_ =	shalt  }
0x5a: {  	_ =	shalt  }
0x5b: {  	_ =	shalt  }
0x5c: {  	_ =	shalt  }
0x5d: {  	_ =	shalt  }
0x5e: {  	_ =	shalt  }
0x5f: {  	_ =	shalt  }
0x60: {  	_ =	shalt  }
0x61: {  	_ =	shalt  }
0x62: {  	_ =	shalt  }
0x63: {  	_ =	shalt  }
0x64: {  	_ =	shalt  }
0x65: {  	_ =	shalt  }
0x66: {  	_ =	shalt  }
0x67: {  	_ =	shalt  }
0x68: {  	_ =	shalt  }
0x69: {  	_ =	shalt  }
0x6a: {  	_ =	shalt  }
0x6b: {  	_ =	shalt  }
0x6c: {  	_ =	shalt  }
0x6d: {  	_ =	shalt  }
0x6e: {  	_ =	shalt  }
0x6f: {  	_ =	shalt  }
0x70: {  	_ =	shalt  }
0x71: {  	_ =	shalt  }
0x72: {  	_ =	shalt  }
0x73: {  	_ =	shalt  }
0x74: {  	_ =	shalt  }
0x75: {  	_ =	shalt  }
0x76: {  	_ =	shalt  }
0x77: {  	_ =	shalt  }
0x78: {  	_ =	shalt  }
0x79: {  	_ =	shalt  }
0x7a: {  	_ =	shalt  }
0x7b: {  	_ =	shalt  }
0x7c: {  	_ =	shalt  }
0x7d: {  	_ =	shalt  }
0x7e: {  	_ =	shalt  }
0x7f: {  	_ =	shalt  }
0x80: {  	_ =	shalt  }
0x81: {  	_ =	shalt  }
0x82: {  	_ =	shalt  }
0x83: {  	_ =	shalt  }
0x84: {  	_ =	shalt  }
0x85: {  	_ =	shalt  }
0x86: {  	_ =	shalt  }
0x87: {  	_ =	shalt  }
.Lfunc_end0:
.L_simem_size_0:
called_computation.3_lowered:
.L_overlay_start_0:
0x88: {  	s2 =	sld [smem:$0x3FD9]  }
0x89: {  	s3 =	sld [smem:$0x3FFE];
	_ =	sdelay $0x1  }
0x8a: {  	s1 =	srdreg.scid  }
0x8b: {  	s0 =	sand.u32 $0x1, s1  }
0x8c: {  	s16 =	sshll.u32 s0, $0xA;
	s2 =	sadd.s32 s3, s2  }
0x8d: {  	s2 =	sadd.s32 s2, s16  }
0x8e: {  	[smem:$0x3FAC] =	sst s2  }
0x8f: {  	_ = 	snop  }
0x90: {  	(tm) =	ssettm $0x1  }
0x91: {  	s17 =	sld [smem:$0x3FFB];
	_ =	sdelay $0x3  }
0x92: {  	_ =	strace s17  }
0x93: {  	s2 =	sld [smem:$0x3FFC];
	_ =	sdelay $0x3  }
0x94: {  	_ =	strace s2  }
0x95: {  	s2 =	sld [smem:$0x3FFD];
	_ =	sdelay $0x3  }
0x96: {  	_ =	strace s2  }
0x97: {  	_ =	strace $0x8FFFFFFF  }
0x98: {  	s18 =	sld [smem:$0x3FDB];
	_ =	sdelay $0x1  }
0x99: {  	s19 =	simm.s32 $_scs_section_size  }
0x9a: {  	s4 =	simm.s32 $_size__tile_overlayer_lowered;
	s5 =	simm.s32 $_tile_overlayer_lowered  }
0x9b: {  	s22 =	simm.s32 $0x1BFF;
	s21 =	sshll.u32 s5, $0x1;
	s2 =	sadd.s32 s19, s18  }
0x9c: {  	s6 =	simm.s32 $0x0;
	s20 =	sshll.u32 s4, $0x1;
	s4 =	sadd.s32 s21, s2  }
0x9d: {  	[timem:s6], [sflag:s22] =	dma.local [hbm:s4], s20  }
0x9e: {  	_ =	swait.ge [sflag:s22], s20  }
0x9f: {  	s3 =	ssub.s32 $0x0, s20;
	[sflag:s22] =	ssyncset.done $0x0  }
0xa0: {  	[sflag:s22] =	ssyncadd.s32 s3;
	_ =	sdelay $0x1  }
0xa1: {  	s23 =	simm.s32 $0x1B8B  }
0xa2: {  	_ =	swait.ge [sflag:s23], $0x1  }
0xa3: {  	[sflag:s23] =	ssyncset.done $0x0  }
0xa4: {  	s25 =	simm.s32 $0x1B8E;
	s24 =	sld [smem:$0x3FFE];
	[sflag:s23] =	ssyncadd.s32 $0xFFFFFFFF  }
0xa5: {  	s26 =	simm.s32 $execute0_lowered;
	[smem:$0x3FD2] =	sst s25  }
0xa6: {  	s4 =	sshll.u32 s26, $0x1;
	_ =	strace $0x8000004F;
	[dreg:$0x1] =	wrdreg $0xFFFFFFFF  }
0xa7: {  	s28 =	simm.s32 $_size_execute0_lowered;
	s2 =	sadd.s32 s2, s4;
	[dreg:$0x0] =	wrdreg $0x0  }
0xa8: {  	s4 =	sshll.u32 s28, $0x1;
	[dreg:$0x2] =	wrdreg s2  }
0xa9: {  	[dreg:$0x3] =	wrdreg s4  }
0xaa: {  	[dreg:$0x4] =	wrdreg $0xC0  }
0xab: {  	_ =	task [dreg:s6], $0x5FFFF  }
0xac: {  	[dreg:$0x1] =	wrdreg $0xFFFFFFFF  }
0xad: {  	[dreg:$0x0] =	wrdreg $0x60  }
0xae: {  	[dreg:$0x2] =	wrdreg s24  }
0xaf: {  	[dreg:$0x3] =	wrdreg $0x9  }
0xb0: {  	_ =	task.clear_ibuf [dreg:s6], $0x4FFFF;
	_ =	strace $0x9000004F  }
0xb1: {  	s29 =	simm.s32 $0x9;
	_ =	strace $0x80000051  }
0xb2: {  	_ =	swait.ge [sflag:s29], $0x1  }
0xb3: {  	[sflag:s29] =	ssyncadd.s32 $0xFFFFFFFF  }
0xb4: {  	_ =	strace $0x90000051  }
0xb5: {  	_ =	sfence  }
0xb6: {  	s30 =	sld [smem:$0x0];
	_ =	sdelay $0x2  }
0xb7: {  	s31 =	sshll.u32 s1, $0xD;
	s1 =	sshrl.u32 s1, $0x2  }
0xb8: {  	s3 =	sand.u32 $0x4000, s31;
	s1 =	sadd.s32 s1, s30  }
0xb9: {  	s0 =	sor.u32 s3, s0;
	s1 =	sshll.u32 s1, $0x11  }
0xba: {  	s0 =	sor.u32 s1, s0  }
0xbb: {  	s0 =	sadd.s32 $0x8F2B, s0  }
0xbc: {  	[sflag:s0] =	ssyncadd.remote.s32 $0x1  }
0xbd: {  	_ =	sfence.sel $0xFFFF  }
0xbe: {  	[dreg:$0x0] =	wrdreg $0xFFFFFFFF;
	(pc) =	sbr.abs _section_cstart, $3  }
0xbf: {  	[dreg:$0x1] =	wrdreg $0xFFFFFFFF  }
0xc0: {  	_ =	task.clear_ibuf [dreg:s6], $0x2FFFF;
	_ =	strace $0x9FFFFFFF  }
0xc1: {  	(tm) =	ssettm $0x7FFFFFFF  }
tec
execute0_lowered:
.L_overlay_start_1:
0x0: {  	(tag) =	ssettag $0x1  }
0x1: {  	s4 =	rddreg [dreg:$0x0]  }
0x2: {  	s0 =	rddreg [dreg:$0x1];
	s2 =	simm.s32 $0x0;
	s3 =	srdreg.scid  }
0x3: {  	s1 =	stileid.u32;
	s10 =	simm.s32 $0x1080;
	s11 =	simm.s32 $0x1880  }
0x4: {  	s12 =	simm.s32 $0x2080;
	s13 =	simm.s32 $0x2880;
	s14 =	simm.s32 $0x3080  }
0x5: {  	s15 =	simm.s32 $0x3880;
	s16 =	simm.s32 $0x4080;
	s17 =	simm.s32 $0x4880  }
0x6: {  	s18 =	simm.s32 $0x1;
	s19 =	simm.s32 $0x0;
	s6 =	smul.u32 $0x2800, s1  }
0x7: {  	[smem:$0x7FF] =	sst s2;
	s5 =	sand.u32 $0x1, s3;
	s8 =	smul.u32 $0x50000, s1  }
0x8: {  	s3 =	sadd.s32 $0x27000, s4;
	s7 =	smul.u32 $0x1400, s5;
	s9 =	ssub.s32 $0x2, s5  }
0x9: {  	_ =	strace $0x80000050;
	s5 =	smul.u32 $0x28000, s5;
	s31 =	sshrl.u32 s9, $0x1  }
0xa: {  	s8 =	sadd.s32 s8, s4;
	s6 =	sadd.s32 s7, s6;
	s7 =	ssub.s32 s9, s31  }
0xb: {  	v2 =	vlaneseq.u32;
	s5 =	sadd.s32 s5, s8;
	s8 =	simm.s32 $0x80;
	s6 =	sshrl.u32 s6, $0x3  }
0xc: {  	vm0 =	vmmov $0xffff;
	v1 =	vshrl.u32 v2, $0x3;
	s9 =	simm.s32 $0x880;
	s5 =	sadd.s32 $0x6C000, s5;
	s6 =	sadd.s32 s6, s4  }
0xd: {  	v0 =	vand.u32 $0x7, v2;
	v2 =	vor.u32 $0x8, v2;
	v1 =	vmul.u32 $0x8, v1;
	s4 =	smax.u32 s7, $0x1;
	s7 =	simm.s32 $0x2;
	s6 =	sadd.s32 $0x67000, s6  }
.LBB2_1:
0xe: {  	s20 =	smov.u32 s5;
	s21 =	simm.s32 $0x0  }
.LBB2_2:
0xf: {  	s22 =	sadd.s32 s21, s6  }
0x10: {  	[tilespmem:s2], [sflag:$0x2] =	stream.linear.gather [hbm4b:s22+s2], $0x50, $0x38;
	[tilespmem:$0x5080] =	vst v63  }
0x11: {  	_ =	swait.ge [sflag:s7], $0x50  }
0x12: {  	[sflag:s7] =	ssyncset.done $0x0  }
0x13: {  	[sflag:s7] =	ssyncadd.s32 $0xFFFFFFB0  }
0x14: {  	v3 =	vld [tilespmem:$0x0];
	_ =	sdelay $0x4  }
0x15: {  	v4 =	vshll.u32 v3, $0x1  }
0x16: {  	v3 =	vand.u32 $0x7, v3;
	v4 =	vand.u32 $0xFFFFFFF0, v4  }
0x17: {  	v3 =	vor.u32 v3, v4  }
0x18: {  	v4 =	vperm.xlane v3, v0;
	_ =	sdelay $0x1  }
0x19: {  	v3 =	vperm.xlane v3, v2;
	v4 =	vadd.s32 v1, v4;
	_ =	sdelay $0x1  }
0x1a: {  	v3 =	vadd.s32 v1, v3;
	_ =	sdelay $0x2  }
0x1b: {  	[tilespmem:s8], [sflag:$0x1] =	stream.indirect_vreg.gather [hbm4b:s3+s2], $0x80, v4, vm0, $0xb8;
	[tilespmem:$0x5080] =	vst v63  }
0x1c: {  	_ = 	snop  }
0x1d: {  	[tilespmem:s9], [sflag:$0x1] =	stream.indirect_vreg.gather [hbm4b:s3+s2], $0x80, v3, vm0, $0xb8;
	[tilespmem:$0x5080] =	vst v63  }
0x1e: {  	v3 =	vld [tilespmem:$0x10];
	_ =	sdelay $0x4  }
0x1f: {  	v60 =	vshll.u32 v3, $0x1  }
0x20: {  	v3 =	vand.u32 $0x7, v3;
	v4 =	vand.u32 $0xFFFFFFF0, v60  }
0x21: {  	v3 =	vor.u32 v3, v4  }
0x22: {  	v4 =	vperm.xlane v3, v0;
	_ =	sdelay $0x1  }
0x23: {  	v3 =	vperm.xlane v3, v2;
	v4 =	vadd.s32 v1, v4;
	_ =	sdelay $0x1  }
0x24: {  	v3 =	vadd.s32 v1, v3;
	_ =	sdelay $0x2  }
0x25: {  	[tilespmem:s10], [sflag:$0x1] =	stream.indirect_vreg.gather [hbm4b:s3+s2], $0x80, v4, vm0, $0xb8;
	[tilespmem:$0x5080] =	vst v63  }
0x26: {  	_ = 	snop  }
0x27: {  	[tilespmem:s11], [sflag:$0x1] =	stream.indirect_vreg.gather [hbm4b:s3+s2], $0x80, v3, vm0, $0xb8;
	[tilespmem:$0x5080] =	vst v63  }
0x28: {  	v3 =	vld [tilespmem:$0x20];
	_ =	sdelay $0x4  }
0x29: {  	v61 =	vshll.u32 v3, $0x1  }
0x2a: {  	v3 =	vand.u32 $0x7, v3;
	v4 =	vand.u32 $0xFFFFFFF0, v61  }
0x2b: {  	v3 =	vor.u32 v3, v4  }
0x2c: {  	v4 =	vperm.xlane v3, v0;
	_ =	sdelay $0x1  }
0x2d: {  	v3 =	vperm.xlane v3, v2;
	v4 =	vadd.s32 v1, v4;
	_ =	sdelay $0x1  }
0x2e: {  	v3 =	vadd.s32 v1, v3;
	_ =	sdelay $0x2  }
0x2f: {  	[tilespmem:s12], [sflag:$0x1] =	stream.indirect_vreg.gather [hbm4b:s3+s2], $0x80, v4, vm0, $0xb8;
	[tilespmem:$0x5080] =	vst v63  }
0x30: {  	_ = 	snop  }
0x31: {  	[tilespmem:s13], [sflag:$0x1] =	stream.indirect_vreg.gather [hbm4b:s3+s2], $0x80, v3, vm0, $0xb8;
	[tilespmem:$0x5080] =	vst v63  }
0x32: {  	v3 =	vld [tilespmem:$0x30];
	_ =	sdelay $0x4  }
0x33: {  	v62 =	vshll.u32 v3, $0x1  }
0x34: {  	v3 =	vand.u32 $0x7, v3;
	v4 =	vand.u32 $0xFFFFFFF0, v62  }
0x35: {  	v3 =	vor.u32 v3, v4  }
0x36: {  	v4 =	vperm.xlane v3, v0;
	_ =	sdelay $0x1  }
0x37: {  	v3 =	vperm.xlane v3, v2;
	v4 =	vadd.s32 v1, v4;
	_ =	sdelay $0x1  }
0x38: {  	v3 =	vadd.s32 v1, v3;
	_ =	sdelay $0x2  }
0x39: {  	[tilespmem:s14], [sflag:$0x1] =	stream.indirect_vreg.gather [hbm4b:s3+s2], $0x80, v4, vm0, $0xb8;
	[tilespmem:$0x5080] =	vst v63  }
0x3a: {  	_ = 	snop  }
0x3b: {  	[tilespmem:s15], [sflag:$0x1] =	stream.indirect_vreg.gather [hbm4b:s3+s2], $0x80, v3, vm0, $0xb8;
	[tilespmem:$0x5080] =	vst v63  }
0x3c: {  	v3 =	vld [tilespmem:$0x40];
	_ =	sdelay $0x4  }
0x3d: {  	v63 =	vshll.u32 v3, $0x1  }
0x3e: {  	v3 =	vand.u32 $0x7, v3;
	v4 =	vand.u32 $0xFFFFFFF0, v63  }
0x3f: {  	v3 =	vor.u32 v3, v4  }
0x40: {  	v4 =	vperm.xlane v3, v0;
	_ =	sdelay $0x1  }
0x41: {  	v3 =	vperm.xlane v3, v2;
	v4 =	vadd.s32 v1, v4;
	_ =	sdelay $0x1  }
0x42: {  	v3 =	vadd.s32 v1, v3;
	_ =	sdelay $0x2  }
0x43: {  	[tilespmem:s16], [sflag:$0x1] =	stream.indirect_vreg.gather [hbm4b:s3+s2], $0x80, v4, vm0, $0xb8;
	[tilespmem:$0x5080] =	vst v63  }
0x44: {  	_ = 	snop  }
0x45: {  	[tilespmem:s17], [sflag:$0x1] =	stream.indirect_vreg.gather [hbm4b:s3+s2], $0x80, v3, vm0, $0xb8;
	[tilespmem:$0x5080] =	vst v63  }
0x46: {  	_ =	swait.ge [sflag:s18], $0x5000  }
0x47: {  	p0 =	sne.s32 s21, $0x276;
	[sflag:s18] =	ssyncset.done $0x0  }
.Ltmp0:
0x48: {  	[sflag:s18] =	ssyncadd.s32 $0xFFFFB000;
	(pc) =	sbr.rel @p0 .LBB2_2-.Ltmp0, $4  }
0x49: {  	[hbm4b:s20+s2] =	stream.linear.scatter [tilespmem:s8], [sflag:$0x2], $0x5000, $0x38;
	[tilespmem:$0x5080] =	vst v63  }
0x4a: {  	_ =	swait.ge [sflag:s7], $0x5000  }
0x4b: {  	[sflag:s7] =	ssyncset.done $0x0  }
0x4c: {  	s21 =	sadd.s32 $0xA, s21;
	s20 =	sadd.s32 $0xA00, s20;
	[sflag:s7] =	ssyncadd.s32 $0xFFFFB000  }
0x4d: {  	s19 =	sadd.s32 $0x1, s19  }
0x4e: {  	p0 =	sne.s32 s19, s4  }
.Ltmp1:
0x4f: {  	_ = 	snop;
	(pc) =	sbr.rel @p0 .LBB2_1-.Ltmp1, $1  }
0x50: {  	_ =	sdelay $0x3  }
0x51: {  	_ =	sfence.sel $0x180000  }
0x52: {  	[bflag:$0x0] =	sbarrier.arrive $0xFFFF  }
0x53: {  	p0 =	sne.s32 s1, $0x0;
	_ =	strace $0x90000050  }
0x54: {  	s0 =	sadd.s32 @!p0 $0x100000, s0;
	[bflag:$0x2] =	sbarrier.arrive $0xFFFF  }
0x55: {  	[sflag:s0] =	ssyncadd.tile.s32 @!p0 $0x1;
	_ =	shalt  }
.Lfunc_end2:
_tile_overlayer_lowered:
.L_overlay_start_2:
0x56: {  	(tag) =	ssettag $0x2  }
0x57: {  	s0 =	rddreg [dreg:$0x0];
	s2 =	stileid.u32  }
0x58: {  	s1 =	rddreg [dreg:$0x1];
	p0 =	sne.s32 s2, $0x0  }
0x59: {  	s3 =	rddreg [dreg:$0x2];
	[bflag:$0x3] =	sbarrier.arrive $0xFFFF;
	s2 =	simm.s32 @!p0 $0x1C02  }
0x5a: {  	[timem:s3], [sflag:s2] =	dma.local @!p0 [hbm:s0], s1  }
0x5b: {  	s0 =	simm.s32 @!p0 $0x2  }
0x5c: {  	_ =	swait.ge @!p0 [sflag:s0], s1  }
0x5d: {  	s1 =	ssub.s32 @!p0 $0x0, s1;
	[sflag:s0] =	ssyncset.done @!p0 $0x0  }
0x5e: {  	[sflag:s0] =	ssyncadd.s32 @!p0 s1  }
0x5f: {  	[bflag:$0x3] =	sbarrier.arrive $0xFFFF  }
0x60: {  	_ =	shalt  }

</sc_bundles>
